<compile_context>
chip_gen: v7x
topology: tpu7x:2x2x1
jax: 0.10.2.dev20260603
libtpu: 0.0.44.dev20260713+nightly
codegen_flags: <defaults>
</compile_context>

<pallas_src>
import functools

import jax
import jax.numpy as jnp
from jax import lax
from jax.experimental import pallas as pl
from jax.experimental.pallas import tpu as pltpu
from jax.experimental.pallas import tpu_sc as plsc

F32 = jnp.float32
BF16 = jnp.bfloat16
ET = 331776
TCB = 4096
GRID = ET // TCB
NW = 32
B2 = 96
I2 = ET // NW // B2
B6 = 128
NDUMMY = 240


def _k1_body(x_ref, lw_ref, sw_ref, dw_ref, xl_ref, as_ref, ad_ref):
    xb = x_ref[...]
    xl_ref[...] = jnp.dot(xb, lw_ref[...], preferred_element_type=F32)
    as_ref[...] = jnp.dot(xb, sw_ref[...], preferred_element_type=F32)
    ad_ref[...] = jnp.dot(xb, dw_ref[...], preferred_element_type=F32)


def _sc_gather(tsrc, tdst, src3, dst3):
    ws = tsrc.shape[1]
    wd = tdst.shape[1]
    mesh = plsc.VectorSubcoreMesh(core_axis_name="c", subcore_axis_name="s")
    per_w = ET // NW

    @functools.partial(
        pl.kernel, mesh=mesh,
        out_type=[
            jax.ShapeDtypeStruct((ET, ws), jnp.int32),
            jax.ShapeDtypeStruct((ET, wd), jnp.int32),
        ],
        scratch_types=[
            pltpu.VMEM((I2, B2), jnp.int32),
            pltpu.VMEM((I2, B2), jnp.int32),
            pltpu.VMEM((B2, ws), jnp.int32),
            pltpu.VMEM((B2, ws), jnp.int32),
            pltpu.VMEM((B2, wd), jnp.int32),
            pltpu.VMEM((B2, wd), jnp.int32),
            pltpu.SemaphoreType.DMA,
            pltpu.SemaphoreType.DMA,
            pltpu.SemaphoreType.DMA,
            pltpu.SemaphoreType.DMA,
        ],
    )
    def k2(tsrc_h, tdst_h, src_h, dst_h, gs_h, gd_h,
           ixs, ixd, bsA, bsB, bdA, bdB, sgA, sgB, swA, swB):
        wid = lax.axis_index("s") * 2 + lax.axis_index("c")
        base = wid * per_w
        pltpu.sync_copy(src_h.at[wid], ixs)
        pltpu.sync_copy(dst_h.at[wid], ixd)

        def g_start(i, bs, bd, sg):
            pltpu.async_copy(tsrc_h.at[ixs.at[i]], bs, sg)
            pltpu.async_copy(tdst_h.at[ixd.at[i]], bd, sg)

        def g_wait(i, bs, bd, sg):
            pltpu.make_async_copy(tsrc_h.at[ixs.at[i]], bs, sg).wait()
            pltpu.make_async_copy(tdst_h.at[ixd.at[i]], bd, sg).wait()

        def w_start(i, bs, bd, sw):
            off = base + i * B2
            pltpu.async_copy(bs, gs_h.at[pl.ds(off, B2)], sw)
            pltpu.async_copy(bd, gd_h.at[pl.ds(off, B2)], sw)

        def w_wait(i, bs, bd, sw):
            off = base + i * B2
            pltpu.make_async_copy(bs, gs_h.at[pl.ds(off, B2)], sw).wait()
            pltpu.make_async_copy(bd, gd_h.at[pl.ds(off, B2)], sw).wait()

        g_start(0, bsA, bdA, sgA)

        @pl.loop(0, I2 // 2)
        def _(p):
            i0 = 2 * p
            i1 = i0 + 1
            g_wait(i0, bsA, bdA, sgA)
            w_start(i0, bsA, bdA, swA)

            @pl.when(p > 0)
            def _():
                w_wait(i0 - 1, bsB, bdB, swB)

            g_start(i1, bsB, bdB, sgB)
            w_wait(i0, bsA, bdA, swA)

            @pl.when(p < I2 // 2 - 1)
            def _():
                g_start(i0 + 2, bsA, bdA, sgA)

            g_wait(i1, bsB, bdB, sgB)
            w_start(i1, bsB, bdB, swB)

        w_wait(I2 - 1, bsB, bdB, swB)

    return k2(tsrc, tdst, src3, dst3)


def _hi(x):
    return lax.bitcast_convert_type(x & jnp.int32(-65536), F32)


def _lo(x):
    return lax.bitcast_convert_type(x << 16, F32)


def _pkhi(x):
    xi = lax.bitcast_convert_type(x, jnp.int32)
    r = xi + jnp.int32(0x7FFF) + (lax.shift_right_logical(xi, 16) & 1)
    return r & jnp.int32(-65536)


def _pk2(a, b):
    return _pkhi(a) | lax.shift_right_logical(_pkhi(b), 16)


def _k3_body(n, gs0_ref, gd0_ref, s2_ref, d2_ref, w1_ref, b1_ref,
             out_ref, acc_ref, cnt_ref):
    i = pl.program_id(0)

    @pl.when(i == 0)
    def _():
        acc_ref[...] = jnp.zeros_like(acc_ref)
        cnt_ref[0] = 0.0

    pdiff = _lo(gd0_ref[...]) - _lo(gs0_ref[...])
    h1 = jnp.dot(pdiff.astype(BF16), w1_ref[...],
                 preferred_element_type=F32) + b1_ref[...]
    acc_ref[0:1, :] += jnp.sum(h1, axis=0, keepdims=True)
    acc_ref[1:2, :] += jnp.sum(h1 * h1, axis=0, keepdims=True)
    cnt_ref[0] += jnp.sum((s2_ref[...] != d2_ref[...]).astype(F32))

    @pl.when(i == pl.num_programs(0) - 1)
    def _():
        dh = acc_ref.shape[1]
        cnt = cnt_ref[0] + float(n)
        out_ref[...] = jnp.concatenate(
            [acc_ref[0:2, :], jnp.full((1, dh), cnt, F32),
             jnp.zeros((5, dh), F32)], axis=0)


def _k4_body(gs0_ref, gd0_ref, st_ref, w1_ref, b1_ref,
             g_ref, be_ref, w2_ref, b2_ref, aw1_ref, ab1_ref,
             p1_ref, out_ref, acc_ref):
    i = pl.program_id(0)

    @pl.when(i == 0)
    def _():
        acc_ref[...] = jnp.zeros_like(acc_ref)

    cntv = st_ref[2:3, :]
    ndv = float(ET) - cntv
    b1 = b1_ref[...]
    muv = (st_ref[0:1, :] - ndv * b1) / cntv
    msq = (st_ref[1:2, :] - ndv * b1 * b1) / cntv
    varv = msq - muv * muv
    s1 = g_ref[...] * jax.lax.rsqrt(varv + 1e-5)
    sh = be_ref[...] - muv * s1

    gs0 = gs0_ref[...]
    gd0 = gd0_ref[...]
    pdiff = _lo(gd0) - _lo(gs0)
    h1 = jnp.dot(pdiff.astype(BF16), w1_ref[...],
                 preferred_element_type=F32) + b1
    hbn = jnp.maximum(h1 * s1 + sh, 0.0)
    delta = jnp.dot(hbn.astype(BF16), w2_ref[...],
                    preferred_element_type=F32) + b2_ref[...]
    adf = _hi(gd0) - _hi(gs0)
    p1_ref[...] = _pk2(delta, adf)
    h1a = jnp.dot((adf + delta).astype(BF16), aw1_ref[...],
                  preferred_element_type=F32) + ab1_ref[...]
    acc_ref[0:1, :] += jnp.sum(h1a, axis=0, keepdims=True)
    acc_ref[1:2, :] += jnp.sum(h1a * h1a, axis=0, keepdims=True)

    @pl.when(i == pl.num_programs(0) - 1)
    def _():
        dh = acc_ref.shape[1]
        hbn0 = jnp.maximum(b1 * s1 + sh, 0.0)
        delta0 = jnp.dot(hbn0.astype(BF16), w2_ref[...],
                         preferred_element_type=F32) + b2_ref[...]
        h1a0 = jnp.dot(delta0.astype(BF16), aw1_ref[...],
                       preferred_element_type=F32) + ab1_ref[...]
        amu = (acc_ref[0:1, :] - ndv * h1a0) / cntv
        asq = (acc_ref[1:2, :] - ndv * h1a0 * h1a0) / cntv
        avar = asq - amu * amu
        out_ref[...] = jnp.concatenate(
            [amu, avar, jnp.zeros((6, dh), F32)], axis=0)


def _k5_body(p1_ref, ap_ref, ag_ref, abe_ref, aw1_ref, ab1_ref,
             aw2_ref, ab2_ref, u_ref, mx_ref, macc_ref):
    i = pl.program_id(0)

    @pl.when(i == 0)
    def _():
        macc_ref[...] = jnp.full_like(macc_ref, -3e38)

    s2 = ag_ref[...] * jax.lax.rsqrt(ap_ref[1:2, :] + 1e-5)
    sh2 = abe_ref[...] - ap_ref[0:1, :] * s2
    p1 = p1_ref[...]
    h1a = jnp.dot((_lo(p1) + _hi(p1)).astype(BF16), aw1_ref[...],
                  preferred_element_type=F32) + ab1_ref[...]
    ha = jnp.maximum(h1a * s2 + sh2, 0.0)
    u = jnp.dot(ha.astype(BF16), aw2_ref[...],
                preferred_element_type=F32) + ab2_ref[...]
    u_ref[...] = _pk2(u, _hi(p1))
    macc_ref[0:1, :] = jnp.maximum(macc_ref[0:1, :],
                                   jnp.max(u, axis=0, keepdims=True))

    @pl.when(i == pl.num_programs(0) - 1)
    def _():
        mx_ref[...] = jnp.broadcast_to(macc_ref[0:1, :], mx_ref.shape)


def _k5b_body(p2_ref, gs1_ref, mx_ref, e_ref, m_ref):
    p2 = p2_ref[...]
    e = jnp.exp(_hi(p2) - mx_ref[0:1, :])
    e_ref[...] = e
    m_ref[...] = e * (_hi(gs1_ref[...]) + _lo(p2))


def _sc_scatter(m, e, dst3, nacc, init=None):
    d = m.shape[1]
    mesh = plsc.VectorSubcoreMesh(core_axis_name="c", subcore_axis_name="s")
    i6 = dst3.shape[1]
    per_sub = i6 * B6
    rps = nacc // 16

    @functools.partial(
        pl.kernel, mesh=mesh,
        out_type=[
            jax.ShapeDtypeStruct((nacc, d), F32),
            jax.ShapeDtypeStruct((nacc, d), F32),
        ],
        scratch_types=[
            pltpu.VMEM((2, B6), jnp.int32),
            pltpu.VMEM((B6, d), F32),
            pltpu.VMEM((B6, d), F32),
            pltpu.VMEM_SHARED((nacc, d), F32),
            pltpu.SemaphoreType.DMA,
            pltpu.SemaphoreType.DMA,
        ],
    )
    def k6(m_h, e_h, dst_h, *rest):
        if init is None:
            accm_h, acce_h, idx, rowA, rowB, spacc, sA, sB = rest
        else:
            im_h, ie_h, accm_h, acce_h, idx, rowA, rowB, spacc, sA, sB = rest
        c = lax.axis_index("c")
        sid = lax.axis_index("s")

        if init is None:
            @pl.loop(0, B6)
            def _(r):
                @pl.loop(0, d // 16)
                def _(q):
                    rowA[r, pl.ds(q * 16, 16)] = jnp.zeros((16,), F32)

            @pl.loop(0, rps // B6)
            def _(k):
                pltpu.sync_copy(rowA, spacc.at[pl.ds(sid * rps + k * B6, B6)])
        else:
            @pl.when(c == 0)
            def _():
                pltpu.sync_copy(im_h.at[pl.ds(sid * rps, rps)],
                                spacc.at[pl.ds(sid * rps, rps)])

            @pl.when(c == 1)
            def _():
                pltpu.sync_copy(ie_h.at[pl.ds(sid * rps, rps)],
                                spacc.at[pl.ds(sid * rps, rps)])

        plsc.subcore_barrier()

        def run(arr_h, out_h):
            def l_start(i, buf, sem):
                off = sid * per_sub + i * B6
                pltpu.async_copy(arr_h.at[pl.ds(off, B6)], buf, sem)

            def l_wait(i, buf, sem):
                off = sid * per_sub + i * B6
                pltpu.make_async_copy(arr_h.at[pl.ds(off, B6)], buf,
                                      sem).wait()

            l_start(0, rowA, sA)

            @pl.loop(0, i6 // 2)
            def _(p):
                i0 = 2 * p
                i1 = i0 + 1
                pltpu.sync_copy(dst_h.at[sid, pl.ds(i0, 2)], idx)
                l_wait(i0, rowA, sA)
                l_start(i1, rowB, sB)
                pltpu.sync_copy(rowA, spacc.at[idx.at[0]], add=True)
                l_wait(i1, rowB, sB)

                @pl.when(p < i6 // 2 - 1)
                def _():
                    l_start(i0 + 2, rowA, sA)

                pltpu.sync_copy(rowB, spacc.at[idx.at[1]], add=True)

            plsc.subcore_barrier()
            pltpu.sync_copy(spacc.at[pl.ds(sid * rps, rps)],
                            out_h.at[pl.ds(sid * rps, rps)])

        @pl.when(c == 0)
        def _():
            run(m_h, accm_h)

        @pl.when(c == 1)
        def _():
            run(e_h, acce_h)

    if init is None:
        return k6(m, e, dst3)
    return k6(m, e, dst3, init[0], init[1])


def _k7_body(num_ref, den_ref, out_ref):
    out_ref[...] = num_ref[...] / (den_ref[...] + 1e-16)


TCB2 = 6144
GRID2 = ET // TCB2


def _espec(w, col=0):
    return pl.BlockSpec((TCB, w), lambda i, c=col: (i, c))


def _espec2(w, col=0):
    return pl.BlockSpec((TCB2, w), lambda i, c=col: (i, c))


def _cspec(shape):
    return pl.BlockSpec(shape, lambda i: (0, 0))


def kernel(x, pos, edge_index, lin_W, src_W, dst_W, pos_W1, pos_b1, pos_g,
           pos_be, pos_W2, pos_b2, attn_W1, attn_b1, attn_g, attn_be,
           attn_W2, attn_b2):
    n, d = x.shape
    e = edge_index.shape[1]
    dh = pos_W1.shape[1]
    pad = ET - e - n

    src0 = edge_index[0].astype(jnp.int32)
    dst0 = edge_index[1].astype(jnp.int32)
    loops = jnp.arange(n, dtype=jnp.int32)
    padi = jnp.arange(pad, dtype=jnp.int32) % n
    srcp = jnp.concatenate([src0, loops, padi])
    dstp = jnp.concatenate([dst0, loops, padi])
    nacc = n + NDUMMY
    maskv = jnp.concatenate([src0 != dst0, jnp.ones((n,), bool),
                             jnp.zeros((pad,), bool)])
    dmy = n + (jnp.arange(ET, dtype=jnp.int32) % NDUMMY)
    dsts = jnp.where(maskv, dstp, dmy)
    posp = jnp.pad(pos.astype(F32), ((0, 0), (0, 128 - pos.shape[1])))
    w1p = jnp.pad(pos_W1, ((0, 128 - pos_W1.shape[0]), (0, 0))).astype(BF16)
    pw2b = pos_W2.astype(BF16)
    aw1b = attn_W1.astype(BF16)
    aw2b = attn_W2.astype(BF16)
    pb1 = pos_b1.reshape(1, dh)
    pg = pos_g.reshape(1, dh)
    pbe = pos_be.reshape(1, dh)
    pb2 = pos_b2.reshape(1, d)
    ab1 = attn_b1.reshape(1, dh)
    ag = attn_g.reshape(1, dh)
    abe = attn_be.reshape(1, dh)
    ab2 = attn_b2.reshape(1, d)
    s2d = srcp.reshape(ET // 512, 512)
    d2d = dstp.reshape(ET // 512, 512)

    xl, aS, aD = pl.pallas_call(
        _k1_body,
        out_shape=[jax.ShapeDtypeStruct((n, d), F32)] * 3,
    )(x, lin_W, src_W, dst_W)

    def pack2(A, B):
        au = lax.bitcast_convert_type(A.astype(BF16), jnp.uint16)
        bu = lax.bitcast_convert_type(B.astype(BF16), jnp.uint16)
        w = (au.astype(jnp.uint32) << 16) | bu.astype(jnp.uint32)
        return lax.bitcast_convert_type(w, jnp.int32)

    tsrc = jnp.concatenate(
        [pack2(aS, posp), pack2(xl, jnp.zeros((n, d), F32))], axis=1)
    tdst = pack2(aD, posp)
    src3 = srcp.reshape(NW, I2, B2)
    dst3 = dstp.reshape(NW, I2, B2)
    gs, gd = _sc_gather(tsrc, tdst, src3, dst3)

    st = pl.pallas_call(
        functools.partial(_k3_body, n),
        grid=(GRID,),
        in_specs=[_espec(d, 0), _espec(d, 0),
                  pl.BlockSpec((8, 512), lambda i: (i, 0)),
                  pl.BlockSpec((8, 512), lambda i: (i, 0)),
                  _cspec((128, dh)), _cspec((1, dh))],
        out_specs=_cspec((8, dh)),
        out_shape=jax.ShapeDtypeStruct((8, dh), F32),
        scratch_shapes=[pltpu.VMEM((8, dh), F32), pltpu.SMEM((1,), F32)],
    )(gs, gd, s2d, d2d, w1p, pb1)

    p1, ap = pl.pallas_call(
        _k4_body,
        grid=(GRID2,),
        in_specs=[_espec2(d, 0), _espec2(d, 0),
                  _cspec((8, dh)), _cspec((128, dh)), _cspec((1, dh)),
                  _cspec((1, dh)), _cspec((1, dh)), _cspec((dh, d)),
                  _cspec((1, d)), _cspec((d, dh)), _cspec((1, dh))],
        out_specs=[_espec2(d), _cspec((8, dh))],
        out_shape=[jax.ShapeDtypeStruct((ET, d), jnp.int32),
                   jax.ShapeDtypeStruct((8, dh), F32)],
        scratch_shapes=[pltpu.VMEM((8, dh), F32)],
    )(gs, gd, st, w1p, pb1, pg, pbe, pw2b, pb2, aw1b, ab1)

    u, mx = pl.pallas_call(
        _k5_body,
        grid=(GRID2,),
        in_specs=[_espec2(d), _cspec((8, dh)), _cspec((1, dh)),
                  _cspec((1, dh)), _cspec((d, dh)), _cspec((1, dh)),
                  _cspec((dh, d)), _cspec((1, d))],
        out_specs=[_espec2(d), _cspec((8, d))],
        out_shape=[jax.ShapeDtypeStruct((ET, d), jnp.int32),
                   jax.ShapeDtypeStruct((8, d), F32)],
        scratch_shapes=[pltpu.VMEM((8, d), F32)],
    )(p1, ap, ag, abe, aw1b, ab1, aw2b, ab2)

    g1 = 26
    h1 = g1 * TCB2

    def k5b(goff, nblk):
        return pl.pallas_call(
            _k5b_body,
            grid=(nblk,),
            in_specs=[
                pl.BlockSpec((TCB2, d), lambda i: (i + goff, 0)),
                pl.BlockSpec((TCB2, d), lambda i: (i + goff, 1)),
                _cspec((8, d)),
            ],
            out_specs=[_espec2(d), _espec2(d)],
            out_shape=[jax.ShapeDtypeStruct((nblk * TCB2, d), F32),
                       jax.ShapeDtypeStruct((nblk * TCB2, d), F32)],
        )(u, gs, mx)

    ev_a, mv_a = k5b(0, g1)
    ev_b, mv_b = k5b(g1, GRID2 - g1)

    d3a = dsts[:h1].reshape(16, h1 // 16 // B6, B6)
    d3b = dsts[h1:].reshape(16, (ET - h1) // 16 // B6, B6)
    pacc = _sc_scatter(mv_a, ev_a, d3a, nacc)
    accm, acce = _sc_scatter(mv_b, ev_b, d3b, nacc, init=pacc)

    out = pl.pallas_call(
        _k7_body,
        out_shape=jax.ShapeDtypeStruct((n, d), F32),
    )(accm[:n], acce[:n])
    return out

# --- scband reference (transcript-rebuilt; emitter-appended) ---
"""Pipeline reference for scband-point-trans-layer-67920612819552 (READ-ONLY COPY).

The authoritative reference and input builder live on the scoring server;
editing this copy changes nothing except your own understanding.
"""

import jax, jax.numpy as jnp
import numpy as np

N = 10000
E = 320000
D_IN = 128
D_OUT = 128
D_HID = 256

def _glorot(k, shape):
    bound = 1.0 / np.sqrt(shape[0])
    return jax.random.uniform(k, shape, minval=-bound, maxval=bound, dtype=jnp.float32)

def setup_inputs(seed: int = 0):
    key = jax.random.key(seed)
    ks = jax.random.split(key, 16)
    inp = {}
    inp["x"] = jax.random.normal(ks[0], (N, D_IN), dtype=jnp.float32)
    inp["pos"] = jax.random.normal(ks[1], (N, 3), dtype=jnp.float32)
    inp["edge_index"] = jax.random.randint(ks[2], (2, E), 0, N)
    inp["lin_W"] = _glorot(ks[3], (D_IN, D_OUT))
    inp["src_W"] = _glorot(ks[4], (D_IN, D_OUT))
    inp["dst_W"] = _glorot(ks[5], (D_IN, D_OUT))
    inp["pos_W1"] = _glorot(ks[6], (3, D_HID))
    inp["pos_b1"] = jnp.zeros((D_HID,), jnp.float32)
    inp["pos_g"] = jnp.ones((D_HID,), jnp.float32)
    inp["pos_be"] = jnp.zeros((D_HID,), jnp.float32)
    inp["pos_W2"] = _glorot(ks[7], (D_HID, D_OUT))
    inp["pos_b2"] = jnp.zeros((D_OUT,), jnp.float32)
    inp["attn_W1"] = _glorot(ks[8], (D_OUT, D_HID))
    inp["attn_b1"] = jnp.zeros((D_HID,), jnp.float32)
    inp["attn_g"] = jnp.ones((D_HID,), jnp.float32)
    inp["attn_be"] = jnp.zeros((D_HID,), jnp.float32)
    inp["attn_W2"] = _glorot(ks[9], (D_HID, D_OUT))
    inp["attn_b2"] = jnp.zeros((D_OUT,), jnp.float32)
    return inp

def _mlp(h, W1, b1, g, be, W2, b2, mask):
    # PyG MLP(num_layers=2): Linear -> BatchNorm(train mode) -> ReLU -> Linear (plain_last)
    h = h @ W1 + b1
    m = mask[:, None].astype(h.dtype)
    cnt = m.sum()
    mu = (h * m).sum(axis=0) / cnt
    var = (((h - mu) ** 2) * m).sum(axis=0) / cnt
    h = (h - mu) / jnp.sqrt(var + 1e-5) * g + be
    h = jax.nn.relu(h)
    return h @ W2 + b2

def _segment_softmax(a, index, num_segments):
    amax = jax.ops.segment_max(a, index, num_segments=num_segments)
    amax = jnp.where(jnp.isfinite(amax), amax, 0.0)
    e = jnp.exp(a - amax[jnp.minimum(index, num_segments - 1)])
    s = jax.ops.segment_sum(e, index, num_segments=num_segments)
    return e / (s[jnp.minimum(index, num_segments - 1)] + 1e-16)

def reference(x, pos, edge_index, lin_W, src_W, dst_W, pos_W1, pos_b1, pos_g, pos_be, pos_W2, pos_b2, attn_W1, attn_b1, attn_g, attn_be, attn_W2, attn_b2):
    n = x.shape[0]
    src, dst = edge_index[0], edge_index[1]
    keep = src != dst
    loops = jnp.arange(n, dtype=src.dtype)
    src = jnp.concatenate([src, loops])
    dst = jnp.concatenate([dst, loops])
    mask = jnp.concatenate([keep, jnp.ones((n,), dtype=bool)])
    dst_seg = jnp.where(mask, dst, jnp.asarray(n, dtype=dst.dtype))
    x_lin = x @ lin_W
    a_src = x @ src_W
    a_dst = x @ dst_W
    delta = _mlp(pos[dst] - pos[src], pos_W1, pos_b1, pos_g, pos_be, pos_W2, pos_b2, mask)
    alpha = a_dst[dst] - a_src[src] + delta
    alpha = _mlp(alpha, attn_W1, attn_b1, attn_g, attn_be, attn_W2, attn_b2, mask)
    alpha = _segment_softmax(alpha, dst_seg, n)
    msg = alpha * (x_lin[src] + delta)
    out = jax.ops.segment_sum(msg, dst_seg, num_segments=n)
    return out

if __name__ == "__main__":
    import jax
    _d = setup_inputs()
    print(jax.jit(kernel)(*tuple(_d.values())))

</pallas_src>

<mosaic_0001>
#map = affine_map<(d0, d1) -> (0, 0)>
#map1 = affine_map<(d0, d1) -> (0, 0, 0)>
module attributes {stable_mosaic.version = 14 : i64} {
  func.func @k6(%arg0: i32, %arg1: i32, %arg2: memref<159744x128xf32, #tpu.memory_space<hbm>>, %arg3: memref<159744x128xf32, #tpu.memory_space<hbm>>, %arg4: memref<16x78x128xi32, #tpu.memory_space<hbm>>, %arg5: memref<10240x128xf32, #tpu.memory_space<hbm>>, %arg6: memref<10240x128xf32, #tpu.memory_space<hbm>>, %arg7: memref<2x128xi32, #tpu.memory_space<vmem>>, %arg8: memref<128x128xf32, #tpu.memory_space<vmem>>, %arg9: memref<128x128xf32, #tpu.memory_space<vmem>>, %arg10: memref<10240x128xf32, #tpu.memory_space<vmem_shared>>, %arg11: memref<!tpu.dma_semaphore, #tpu.memory_space<semaphore_mem>>, %arg12: memref<!tpu.dma_semaphore, #tpu.memory_space<semaphore_mem>>) attributes {dimension_semantics = [#tpu.dimension_semantics<core_parallel>, #tpu.dimension_semantics<subcore_parallel>], iteration_bounds = array<i64: 2, 16>, scalar_prefetch = 0 : i64, scratch_operands = 6 : i64, tpu.core_type = #tpu.core_type<sc_vector_subcore>, window_params = [{transform_indices = #map}, {transform_indices = #map}, {transform_indices = #map1}, {transform_indices = #map}, {transform_indices = #map}]} {
    %scan3A = arith.constant 0 : i32
    %scan3A_0 = arith.constant 128 : i32
    %scan3A_1 = arith.addi %scan3A, %scan3A_0 : i32
    %scan3A_2 = arith.constant 1 : i32
    scf.for %scan3A_16 = %scan3A to %scan3A_1 step %scan3A_2  : i32 {
      %mul3A = arith.constant 1 : i32
      %mul3A_17 = arith.muli %scan3A_16, %mul3A : i32
      %add3A = arith.constant 0 : i32
      %add3A_18 = arith.addi %add3A, %mul3A_17 : i32
      %scan3A_19 = arith.constant 0 : i32
      %scan3A_20 = arith.constant 8 : i32
      %scan3A_21 = arith.addi %scan3A_19, %scan3A_20 : i32
      %scan3A_22 = arith.constant 1 : i32
      scf.for %scan3A_24 = %scan3A_19 to %scan3A_21 step %scan3A_22  : i32 {
        %mul3A_25 = arith.constant 1 : i32
        %mul3A_26 = arith.muli %scan3A_24, %mul3A_25 : i32
        %add3A_27 = arith.constant 0 : i32
        %add3A_28 = arith.addi %add3A_27, %mul3A_26 : i32
        %broadcast_in_dim3A = arith.constant 0.000000e+00 : f32
        %broadcast_in_dim3A_29 = vector.broadcast %broadcast_in_dim3A : f32 to vector<16xf32>
        %mul3A_30 = arith.constant 16 : i32
        %mul3A_31 = arith.muli %add3A_28, %mul3A_30 : i32
        %swap3A = arith.index_cast %add3A_18 : i32 to index
        %swap3A_32 = arith.index_cast %mul3A_31 : i32 to index
        %swap3A_33 = tpu.vector_load %arg8[%swap3A, %swap3A_32] {strides = array<i32>} : memref<128x128xf32, #tpu.memory_space<vmem>>, vector<1x16xf32>,
        %swap3A_34 = vector.shape_cast %swap3A_33 : vector<1x16xf32> to vector<16xf32>
        %swap3A_35 = vector.shape_cast %broadcast_in_dim3A_29 : vector<16xf32> to vector<1x16xf32>
        tpu.vector_store %arg8[%swap3A, %swap3A_32], %swap3A_35 {strides = array<i32>} : memref<128x128xf32, #tpu.memory_space<vmem>>, vector<1x16xf32>,
      }
      %scan3A_23 = arith.constant 8 : i32
    }
    %scan3A_3 = arith.constant 128 : i32
    %scan3A_4 = arith.constant 0 : i32
    %scan3A_5 = arith.constant 5 : i32
    %scan3A_6 = arith.addi %scan3A_4, %scan3A_5 : i32
    %scan3A_7 = arith.constant 1 : i32
    scf.for %scan3A_16 = %scan3A_4 to %scan3A_6 step %scan3A_7  : i32 {
      %mul3A = arith.constant 1 : i32
      %mul3A_17 = arith.muli %scan3A_16, %mul3A : i32
      %add3A = arith.constant 0 : i32
      %add3A_18 = arith.addi %add3A, %mul3A_17 : i32
      %mul3A_19 = arith.constant 640 : i32
      %mul3A_20 = arith.muli %arg1, %mul3A_19 : i32
      %mul3A_21 = arith.constant 128 : i32
      %mul3A_22 = arith.muli %add3A_18, %mul3A_21 : i32
      %add3A_23 = arith.addi %mul3A_20, %mul3A_22 : i32
      "tpu.region"() ({
        %run_scoped3A = tpu.sem_alloc : memref<!tpu.dma_semaphore, #tpu.memory_space<semaphore_mem>>
        %dma_start3A = arith.constant 0 : i32
        %dma_start3A_24 = tpu.memref_slice %arg10[%add3A_23, %dma_start3A] : memref<10240x128xf32, #tpu.memory_space<vmem_shared>> -> memref<128x128xf32, #tpu.memory_space<vmem_shared>>
        %dma_start3A_25 = arith.constant 0 : i32
        %dma_start3A_26 = tpu.memref_slice %arg10[%add3A_23, %dma_start3A_25] : memref<10240x128xf32, #tpu.memory_space<vmem_shared>> -> memref<128x128xf32, #tpu.memory_space<vmem_shared>>
        tpu.enqueue_dma source(%arg8 : memref<128x128xf32, #tpu.memory_space<vmem>>) target(%dma_start3A_26 : memref<128x128xf32, #tpu.memory_space<vmem_shared>>) target_semaphore(%run_scoped3A : memref<!tpu.dma_semaphore, #tpu.memory_space<semaphore_mem>>)
        %dma_wait3A = arith.constant 0 : i32
        %dma_wait3A_27 = tpu.memref_slice %arg10[%add3A_23, %dma_wait3A] : memref<10240x128xf32, #tpu.memory_space<vmem_shared>> -> memref<128x128xf32, #tpu.memory_space<vmem_shared>>
        %dma_wait3A_28 = arith.constant 0 : i32
        %dma_wait3A_29 = tpu.memref_slice %arg10[%add3A_23, %dma_wait3A_28] : memref<10240x128xf32, #tpu.memory_space<vmem_shared>> -> memref<128x128xf32, #tpu.memory_space<vmem_shared>>
        tpu.wait_dma2 semaphore(%run_scoped3A : memref<!tpu.dma_semaphore, #tpu.memory_space<semaphore_mem>>) src(%arg8 : memref<128x128xf32, #tpu.memory_space<vmem>>) dst(%dma_wait3A_29 : memref<128x128xf32, #tpu.memory_space<vmem_shared>>)
        tpu.yield
      }) : () -> ()
    }
    %scan3A_8 = arith.constant 5 : i32
    %barrier3A = arith.constant 0 : index
    tpu.barrier barrier_id(%barrier3A)
    %eq3A = arith.constant 0 : i32
    %eq3A_9 = arith.cmpi eq, %arg0, %eq3A : i32
    %convert_element_type3A = arith.extui %eq3A_9 : i1 to i32
    %cond3A = arith.constant 0 : i32
    %cond3A_10 = arith.cmpi ne, %convert_element_type3A, %cond3A : i32
    scf.if %cond3A_10 {
      %mul3A = arith.constant 9984 : i32
      %mul3A_16 = arith.muli %arg1, %mul3A : i32
      %add3A = arith.constant 0 : i32
      %add3A_17 = arith.addi %mul3A_16, %add3A : i32
      %dma_start3A = arith.constant 0 : i32
      %dma_start3A_18 = tpu.memref_slice %arg2[%add3A_17, %dma_start3A] : memref<159744x128xf32, #tpu.memory_space<hbm>> -> memref<128x128xf32, #tpu.memory_space<hbm>>
      %dma_start3A_19 = arith.constant 0 : i32
      %dma_start3A_20 = tpu.memref_slice %arg2[%add3A_17, %dma_start3A_19] : memref<159744x128xf32, #tpu.memory_space<hbm>> -> memref<128x128xf32, #tpu.memory_space<hbm>>
      tpu.enqueue_dma source(%dma_start3A_20 : memref<128x128xf32, #tpu.memory_space<hbm>>) target(%arg8 : memref<128x128xf32, #tpu.memory_space<vmem>>) target_semaphore(%arg11 : memref<!tpu.dma_semaphore, #tpu.memory_space<semaphore_mem>>)
      %scan3A_21 = arith.constant 0 : i32
      %scan3A_22 = arith.constant 39 : i32
      %scan3A_23 = arith.addi %scan3A_21, %scan3A_22 : i32
      %scan3A_24 = arith.constant 1 : i32
      scf.for %scan3A_31 = %scan3A_21 to %scan3A_23 step %scan3A_24  : i32 {
        %mul3A_32 = arith.constant 1 : i32
        %mul3A_33 = arith.muli %scan3A_31, %mul3A_32 : i32
        %add3A_34 = arith.constant 0 : i32
        %add3A_35 = arith.addi %add3A_34, %mul3A_33 : i32
        %mul3A_36 = arith.constant 2 : i32
        %mul3A_37 = arith.muli %mul3A_36, %add3A_35 : i32
        %add3A_38 = arith.constant 1 : i32
        %add3A_39 = arith.addi %mul3A_37, %add3A_38 : i32
        "tpu.region"() ({
          %run_scoped3A_71 = tpu.sem_alloc : memref<!tpu.dma_semaphore, #tpu.memory_space<semaphore_mem>>
          %dma_start3A_72 = arith.constant 0 : i32
          %dma_start3A_73 = tpu.memref_slice %arg4[%arg1, %mul3A_37, %dma_start3A_72] : memref<16x78x128xi32, #tpu.memory_space<hbm>> -> memref<1x2x128xi32, #tpu.memory_space<hbm>>
          %dma_start3A_74 = tpu.memref_squeeze %dma_start3A_73 : memref<1x2x128xi32, #tpu.memory_space<hbm>> -> memref<2x128xi32, #tpu.memory_space<hbm>>
          %dma_start3A_75 = arith.constant 0 : i32
          %dma_start3A_76 = tpu.memref_slice %arg4[%arg1, %mul3A_37, %dma_start3A_75] : memref<16x78x128xi32, #tpu.memory_space<hbm>> -> memref<1x2x128xi32, #tpu.memory_space<hbm>>
          %dma_start3A_77 = tpu.memref_squeeze %dma_start3A_76 : memref<1x2x128xi32, #tpu.memory_space<hbm>> -> memref<2x128xi32, #tpu.memory_space<hbm>>
          tpu.enqueue_dma source(%dma_start3A_77 : memref<2x128xi32, #tpu.memory_space<hbm>>) target(%arg7 : memref<2x128xi32, #tpu.memory_space<vmem>>) target_semaphore(%run_scoped3A_71 : memref<!tpu.dma_semaphore, #tpu.memory_space<semaphore_mem>>)
          %dma_wait3A_78 = arith.constant 0 : i32
          %dma_wait3A_79 = tpu.memref_slice %arg4[%arg1, %mul3A_37, %dma_wait3A_78] : memref<16x78x128xi32, #tpu.memory_space<hbm>> -> memref<1x2x128xi32, #tpu.memory_space<hbm>>
          %dma_wait3A_80 = tpu.memref_squeeze %dma_wait3A_79 : memref<1x2x128xi32, #tpu.memory_space<hbm>> -> memref<2x128xi32, #tpu.memory_space<hbm>>
          %dma_wait3A_81 = arith.constant 0 : i32
          %dma_wait3A_82 = tpu.memref_slice %arg4[%arg1, %mul3A_37, %dma_wait3A_81] : memref<16x78x128xi32, #tpu.memory_space<hbm>> -> memref<1x2x128xi32, #tpu.memory_space<hbm>>
          %dma_wait3A_83 = tpu.memref_squeeze %dma_wait3A_82 : memref<1x2x128xi32, #tpu.memory_space<hbm>> -> memref<2x128xi32, #tpu.memory_space<hbm>>
          tpu.wait_dma2 semaphore(%run_scoped3A_71 : memref<!tpu.dma_semaphore, #tpu.memory_space<semaphore_mem>>) src(%dma_wait3A_83 : memref<2x128xi32, #tpu.memory_space<hbm>>) dst(%arg7 : memref<2x128xi32, #tpu.memory_space<vmem>>)
          tpu.yield
        }) : () -> ()
        %mul3A_40 = arith.constant 9984 : i32
        %mul3A_41 = arith.muli %arg1, %mul3A_40 : i32
        %mul3A_42 = arith.constant 128 : i32
        %mul3A_43 = arith.muli %mul3A_37, %mul3A_42 : i32
        %add3A_44 = arith.addi %mul3A_41, %mul3A_43 : i32
        %dma_wait3A = arith.constant 0 : i32
        %dma_wait3A_45 = tpu.memref_slice %arg2[%add3A_44, %dma_wait3A] : memref<159744x128xf32, #tpu.memory_space<hbm>> -> memref<128x128xf32, #tpu.memory_space<hbm>>
        %dma_wait3A_46 = arith.constant 0 : i32
        %dma_wait3A_47 = tpu.memref_slice %arg2[%add3A_44, %dma_wait3A_46] : memref<159744x128xf32, #tpu.memory_space<hbm>> -> memref<128x128xf32, #tpu.memory_space<hbm>>
        tpu.wait_dma2 semaphore(%arg11 : memref<!tpu.dma_semaphore, #tpu.memory_space<semaphore_mem>>) src(%dma_wait3A_47 : memref<128x128xf32, #tpu.memory_space<hbm>>) dst(%arg8 : memref<128x128xf32, #tpu.memory_space<vmem>>)
        %mul3A_48 = arith.constant 9984 : i32
        %mul3A_49 = arith.muli %arg1, %mul3A_48 : i32
        %mul3A_50 = arith.constant 128 : i32
        %mul3A_51 = arith.muli %add3A_39, %mul3A_50 : i32
        %add3A_52 = arith.addi %mul3A_49, %mul3A_51 : i32
        %dma_start3A_53 = arith.constant 0 : i32
        %dma_start3A_54 = tpu.memref_slice %arg2[%add3A_52, %dma_start3A_53] : memref<159744x128xf32, #tpu.memory_space<hbm>> -> memref<128x128xf32, #tpu.memory_space<hbm>>
        %dma_start3A_55 = arith.constant 0 : i32
        %dma_start3A_56 = tpu.memref_slice %arg2[%add3A_52, %dma_start3A_55] : memref<159744x128xf32, #tpu.memory_space<hbm>> -> memref<128x128xf32, #tpu.memory_space<hbm>>
        tpu.enqueue_dma source(%dma_start3A_56 : memref<128x128xf32, #tpu.memory_space<hbm>>) target(%arg9 : memref<128x128xf32, #tpu.memory_space<vmem>>) target_semaphore(%arg12 : memref<!tpu.dma_semaphore, #tpu.memory_space<semaphore_mem>>)
        %run_scoped3A = arith.constant 0 : i32
        "tpu.region"() ({
          %run_scoped3A_71 = tpu.sem_alloc : memref<!tpu.dma_semaphore, #tpu.memory_space<semaphore_mem>>
          %dma_start3A_72 = arith.constant 0 : i32
          %dma_start3A_73 = tpu.memref_slice %arg7[%run_scoped3A, %dma_start3A_72] : memref<2x128xi32, #tpu.memory_space<vmem>> -> memref<1x128xi32, #tpu.memory_space<vmem>>
          %dma_start3A_74 = tpu.memref_squeeze %dma_start3A_73 : memref<1x128xi32, #tpu.memory_space<vmem>> -> memref<128xi32, #tpu.memory_space<vmem>>
          %dma_start3A_75 = arith.constant 0 : i32
          %dma_start3A_76 = arith.constant 0 : i32
          %dma_start3A_77 = tpu.memref_slice %arg10[%dma_start3A_75, %dma_start3A_76] : memref<10240x128xf32, #tpu.memory_space<vmem_shared>> -> memref<10240x128xf32, #tpu.memory_space<vmem_shared>>
          tpu.enqueue_indirect_dma source(%arg8 : memref<128x128xf32, #tpu.memory_space<vmem>>) target(%dma_start3A_77 : memref<10240x128xf32, #tpu.memory_space<vmem_shared>>) offsets(%dma_start3A_74 : memref<128xi32, #tpu.memory_space<vmem>>) semaphore(%run_scoped3A_71 : memref<!tpu.dma_semaphore, #tpu.memory_space<semaphore_mem>>) {add = true}
          %dma_wait3A_78 = arith.constant 0 : i32
          %dma_wait3A_79 = tpu.memref_slice %arg7[%run_scoped3A, %dma_wait3A_78] : memref<2x128xi32, #tpu.memory_space<vmem>> -> memref<1x128xi32, #tpu.memory_space<vmem>>
          %dma_wait3A_80 = tpu.memref_squeeze %dma_wait3A_79 : memref<1x128xi32, #tpu.memory_space<vmem>> -> memref<128xi32, #tpu.memory_space<vmem>>
          %dma_wait3A_81 = arith.constant 0 : i32
          %dma_wait3A_82 = arith.constant 0 : i32
          %dma_wait3A_83 = tpu.memref_slice %arg10[%dma_wait3A_81, %dma_wait3A_82] : memref<10240x128xf32, #tpu.memory_space<vmem_shared>> -> memref<10240x128xf32, #tpu.memory_space<vmem_shared>>
          tpu.wait_indirect_dma semaphore(%run_scoped3A_71 : memref<!tpu.dma_semaphore, #tpu.memory_space<semaphore_mem>>) src(%arg8 : memref<128x128xf32, #tpu.memory_space<vmem>>) dst(%dma_wait3A_83 : memref<10240x128xf32, #tpu.memory_space<vmem_shared>>)
          tpu.yield
        }) : () -> ()
        %mul3A_57 = arith.constant 9984 : i32
        %mul3A_58 = arith.muli %arg1, %mul3A_57 : i32
        %mul3A_59 = arith.constant 128 : i32
        %mul3A_60 = arith.muli %add3A_39, %mul3A_59 : i32
        %add3A_61 = arith.addi %mul3A_58, %mul3A_60 : i32
        %dma_wait3A_62 = arith.constant 0 : i32
        %dma_wait3A_63 = tpu.memref_slice %arg2[%add3A_61, %dma_wait3A_62] : memref<159744x128xf32, #tpu.memory_space<hbm>> -> memref<128x128xf32, #tpu.memory_space<hbm>>
        %dma_wait3A_64 = arith.constant 0 : i32
        %dma_wait3A_65 = tpu.memref_slice %arg2[%add3A_61, %dma_wait3A_64] : memref<159744x128xf32, #tpu.memory_space<hbm>> -> memref<128x128xf32, #tpu.memory_space<hbm>>
        tpu.wait_dma2 semaphore(%arg12 : memref<!tpu.dma_semaphore, #tpu.memory_space<semaphore_mem>>) src(%dma_wait3A_65 : memref<128x128xf32, #tpu.memory_space<hbm>>) dst(%arg9 : memref<128x128xf32, #tpu.memory_space<vmem>>)
        %lt3A = arith.constant 38 : i32
        %lt3A_66 = arith.cmpi slt, %add3A_35, %lt3A : i32
        %convert_element_type3A_67 = arith.extui %lt3A_66 : i1 to i32
        %cond3A_68 = arith.constant 0 : i32
        %cond3A_69 = arith.cmpi ne, %convert_element_type3A_67, %cond3A_68 : i32
        scf.if %cond3A_69 {
          %add3A_71 = arith.constant 2 : i32
          %add3A_72 = arith.addi %mul3A_37, %add3A_71 : i32
          %mul3A_73 = arith.constant 9984 : i32
          %mul3A_74 = arith.muli %arg1, %mul3A_73 : i32
          %mul3A_75 = arith.constant 128 : i32
          %mul3A_76 = arith.muli %add3A_72, %mul3A_75 : i32
          %add3A_77 = arith.addi %mul3A_74, %mul3A_76 : i32
          %dma_start3A_78 = arith.constant 0 : i32
          %dma_start3A_79 = tpu.memref_slice %arg2[%add3A_77, %dma_start3A_78] : memref<159744x128xf32, #tpu.memory_space<hbm>> -> memref<128x128xf32, #tpu.memory_space<hbm>>
          %dma_start3A_80 = arith.constant 0 : i32
          %dma_start3A_81 = tpu.memref_slice %arg2[%add3A_77, %dma_start3A_80] : memref<159744x128xf32, #tpu.memory_space<hbm>> -> memref<128x128xf32, #tpu.memory_space<hbm>>
          tpu.enqueue_dma source(%dma_start3A_81 : memref<128x128xf32, #tpu.memory_space<hbm>>) target(%arg8 : memref<128x128xf32, #tpu.memory_space<vmem>>) target_semaphore(%arg11 : memref<!tpu.dma_semaphore, #tpu.memory_space<semaphore_mem>>)
        } else {
        }
        %run_scoped3A_70 = arith.constant 1 : i32
        "tpu.region"() ({
          %run_scoped3A_71 = tpu.sem_alloc : memref<!tpu.dma_semaphore, #tpu.memory_space<semaphore_mem>>
          %dma_start3A_72 = arith.constant 0 : i32
          %dma_start3A_73 = tpu.memref_slice %arg7[%run_scoped3A_70, %dma_start3A_72] : memref<2x128xi32, #tpu.memory_space<vmem>> -> memref<1x128xi32, #tpu.memory_space<vmem>>
          %dma_start3A_74 = tpu.memref_squeeze %dma_start3A_73 : memref<1x128xi32, #tpu.memory_space<vmem>> -> memref<128xi32, #tpu.memory_space<vmem>>
          %dma_start3A_75 = arith.constant 0 : i32
          %dma_start3A_76 = arith.constant 0 : i32
          %dma_start3A_77 = tpu.memref_slice %arg10[%dma_start3A_75, %dma_start3A_76] : memref<10240x128xf32, #tpu.memory_space<vmem_shared>> -> memref<10240x128xf32, #tpu.memory_space<vmem_shared>>
          tpu.enqueue_indirect_dma source(%arg9 : memref<128x128xf32, #tpu.memory_space<vmem>>) target(%dma_start3A_77 : memref<10240x128xf32, #tpu.memory_space<vmem_shared>>) offsets(%dma_start3A_74 : memref<128xi32, #tpu.memory_space<vmem>>) semaphore(%run_scoped3A_71 : memref<!tpu.dma_semaphore, #tpu.memory_space<semaphore_mem>>) {add = true}
          %dma_wait3A_78 = arith.constant 0 : i32
          %dma_wait3A_79 = tpu.memref_slice %arg7[%run_scoped3A_70, %dma_wait3A_78] : memref<2x128xi32, #tpu.memory_space<vmem>> -> memref<1x128xi32, #tpu.memory_space<vmem>>
          %dma_wait3A_80 = tpu.memref_squeeze %dma_wait3A_79 : memref<1x128xi32, #tpu.memory_space<vmem>> -> memref<128xi32, #tpu.memory_space<vmem>>
          %dma_wait3A_81 = arith.constant 0 : i32
          %dma_wait3A_82 = arith.constant 0 : i32
          %dma_wait3A_83 = tpu.memref_slice %arg10[%dma_wait3A_81, %dma_wait3A_82] : memref<10240x128xf32, #tpu.memory_space<vmem_shared>> -> memref<10240x128xf32, #tpu.memory_space<vmem_shared>>
          tpu.wait_indirect_dma semaphore(%run_scoped3A_71 : memref<!tpu.dma_semaphore, #tpu.memory_space<semaphore_mem>>) src(%arg9 : memref<128x128xf32, #tpu.memory_space<vmem>>) dst(%dma_wait3A_83 : memref<10240x128xf32, #tpu.memory_space<vmem_shared>>)
          tpu.yield
        }) : () -> ()
      }
      %scan3A_25 = arith.constant 39 : i32
      %barrier3A_26 = arith.constant 0 : index
      tpu.barrier barrier_id(%barrier3A_26)
      %mul3A_27 = arith.constant 640 : i32
      %mul3A_28 = arith.muli %arg1, %mul3A_27 : i32
      %mul3A_29 = arith.constant 640 : i32
      %mul3A_30 = arith.muli %arg1, %mul3A_29 : i32
      "tpu.region"() ({
        %run_scoped3A = tpu.sem_alloc : memref<!tpu.dma_semaphore, #tpu.memory_space<semaphore_mem>>
        %dma_start3A_31 = arith.constant 0 : i32
        %dma_start3A_32 = tpu.memref_slice %arg5[%mul3A_30, %dma_start3A_31] : memref<10240x128xf32, #tpu.memory_space<hbm>> -> memref<640x128xf32, #tpu.memory_space<hbm>>
        %dma_start3A_33 = arith.constant 0 : i32
        %dma_start3A_34 = tpu.memref_slice %arg10[%mul3A_28, %dma_start3A_33] : memref<10240x128xf32, #tpu.memory_space<vmem_shared>> -> memref<640x128xf32, #tpu.memory_space<vmem_shared>>
        tpu.enqueue_dma source(%dma_start3A_34 : memref<640x128xf32, #tpu.memory_space<vmem_shared>>) target(%dma_start3A_32 : memref<640x128xf32, #tpu.memory_space<hbm>>) target_semaphore(%run_scoped3A : memref<!tpu.dma_semaphore, #tpu.memory_space<semaphore_mem>>)
        %dma_wait3A = arith.constant 0 : i32
        %dma_wait3A_35 = tpu.memref_slice %arg5[%mul3A_30, %dma_wait3A] : memref<10240x128xf32, #tpu.memory_space<hbm>> -> memref<640x128xf32, #tpu.memory_space<hbm>>
        %dma_wait3A_36 = arith.constant 0 : i32
        %dma_wait3A_37 = tpu.memref_slice %arg10[%mul3A_28, %dma_wait3A_36] : memref<10240x128xf32, #tpu.memory_space<vmem_shared>> -> memref<640x128xf32, #tpu.memory_space<vmem_shared>>
        tpu.wait_dma2 semaphore(%run_scoped3A : memref<!tpu.dma_semaphore, #tpu.memory_space<semaphore_mem>>) src(%dma_wait3A_37 : memref<640x128xf32, #tpu.memory_space<vmem_shared>>) dst(%dma_wait3A_35 : memref<640x128xf32, #tpu.memory_space<hbm>>)
        tpu.yield
      }) : () -> ()
    } else {
    }
    %eq3A_11 = arith.constant 1 : i32
    %eq3A_12 = arith.cmpi eq, %arg0, %eq3A_11 : i32
    %convert_element_type3A_13 = arith.extui %eq3A_12 : i1 to i32
    %cond3A_14 = arith.constant 0 : i32
    %cond3A_15 = arith.cmpi ne, %convert_element_type3A_13, %cond3A_14 : i32
    scf.if %cond3A_15 {
      %mul3A = arith.constant 9984 : i32
      %mul3A_16 = arith.muli %arg1, %mul3A : i32
      %add3A = arith.constant 0 : i32
      %add3A_17 = arith.addi %mul3A_16, %add3A : i32
      %dma_start3A = arith.constant 0 : i32
      %dma_start3A_18 = tpu.memref_slice %arg3[%add3A_17, %dma_start3A] : memref<159744x128xf32, #tpu.memory_space<hbm>> -> memref<128x128xf32, #tpu.memory_space<hbm>>
      %dma_start3A_19 = arith.constant 0 : i32
      %dma_start3A_20 = tpu.memref_slice %arg3[%add3A_17, %dma_start3A_19] : memref<159744x128xf32, #tpu.memory_space<hbm>> -> memref<128x128xf32, #tpu.memory_space<hbm>>
      tpu.enqueue_dma source(%dma_start3A_20 : memref<128x128xf32, #tpu.memory_space<hbm>>) target(%arg8 : memref<128x128xf32, #tpu.memory_space<vmem>>) target_semaphore(%arg11 : memref<!tpu.dma_semaphore, #tpu.memory_space<semaphore_mem>>)
      %scan3A_21 = arith.constant 0 : i32
      %scan3A_22 = arith.constant 39 : i32
      %scan3A_23 = arith.addi %scan3A_21, %scan3A_22 : i32
      %scan3A_24 = arith.constant 1 : i32
      scf.for %scan3A_31 = %scan3A_21 to %scan3A_23 step %scan3A_24  : i32 {
        %mul3A_32 = arith.constant 1 : i32
        %mul3A_33 = arith.muli %scan3A_31, %mul3A_32 : i32
        %add3A_34 = arith.constant 0 : i32
        %add3A_35 = arith.addi %add3A_34, %mul3A_33 : i32
        %mul3A_36 = arith.constant 2 : i32
        %mul3A_37 = arith.muli %mul3A_36, %add3A_35 : i32
        %add3A_38 = arith.constant 1 : i32
        %add3A_39 = arith.addi %mul3A_37, %add3A_38 : i32
        "tpu.region"() ({
          %run_scoped3A_71 = tpu.sem_alloc : memref<!tpu.dma_semaphore, #tpu.memory_space<semaphore_mem>>
          %dma_start3A_72 = arith.constant 0 : i32
          %dma_start3A_73 = tpu.memref_slice %arg4[%arg1, %mul3A_37, %dma_start3A_72] : memref<16x78x128xi32, #tpu.memory_space<hbm>> -> memref<1x2x128xi32, #tpu.memory_space<hbm>>
          %dma_start3A_74 = tpu.memref_squeeze %dma_start3A_73 : memref<1x2x128xi32, #tpu.memory_space<hbm>> -> memref<2x128xi32, #tpu.memory_space<hbm>>
          %dma_start3A_75 = arith.constant 0 : i32
          %dma_start3A_76 = tpu.memref_slice %arg4[%arg1, %mul3A_37, %dma_start3A_75] : memref<16x78x128xi32, #tpu.memory_space<hbm>> -> memref<1x2x128xi32, #tpu.memory_space<hbm>>
          %dma_start3A_77 = tpu.memref_squeeze %dma_start3A_76 : memref<1x2x128xi32, #tpu.memory_space<hbm>> -> memref<2x128xi32, #tpu.memory_space<hbm>>
          tpu.enqueue_dma source(%dma_start3A_77 : memref<2x128xi32, #tpu.memory_space<hbm>>) target(%arg7 : memref<2x128xi32, #tpu.memory_space<vmem>>) target_semaphore(%run_scoped3A_71 : memref<!tpu.dma_semaphore, #tpu.memory_space<semaphore_mem>>)
          %dma_wait3A_78 = arith.constant 0 : i32
          %dma_wait3A_79 = tpu.memref_slice %arg4[%arg1, %mul3A_37, %dma_wait3A_78] : memref<16x78x128xi32, #tpu.memory_space<hbm>> -> memref<1x2x128xi32, #tpu.memory_space<hbm>>
          %dma_wait3A_80 = tpu.memref_squeeze %dma_wait3A_79 : memref<1x2x128xi32, #tpu.memory_space<hbm>> -> memref<2x128xi32, #tpu.memory_space<hbm>>
          %dma_wait3A_81 = arith.constant 0 : i32
          %dma_wait3A_82 = tpu.memref_slice %arg4[%arg1, %mul3A_37, %dma_wait3A_81] : memref<16x78x128xi32, #tpu.memory_space<hbm>> -> memref<1x2x128xi32, #tpu.memory_space<hbm>>
          %dma_wait3A_83 = tpu.memref_squeeze %dma_wait3A_82 : memref<1x2x128xi32, #tpu.memory_space<hbm>> -> memref<2x128xi32, #tpu.memory_space<hbm>>
          tpu.wait_dma2 semaphore(%run_scoped3A_71 : memref<!tpu.dma_semaphore, #tpu.memory_space<semaphore_mem>>) src(%dma_wait3A_83 : memref<2x128xi32, #tpu.memory_space<hbm>>) dst(%arg7 : memref<2x128xi32, #tpu.memory_space<vmem>>)
          tpu.yield
        }) : () -> ()
        %mul3A_40 = arith.constant 9984 : i32
        %mul3A_41 = arith.muli %arg1, %mul3A_40 : i32
        %mul3A_42 = arith.constant 128 : i32
        %mul3A_43 = arith.muli %mul3A_37, %mul3A_42 : i32
        %add3A_44 = arith.addi %mul3A_41, %mul3A_43 : i32
        %dma_wait3A = arith.constant 0 : i32
        %dma_wait3A_45 = tpu.memref_slice %arg3[%add3A_44, %dma_wait3A] : memref<159744x128xf32, #tpu.memory_space<hbm>> -> memref<128x128xf32, #tpu.memory_space<hbm>>
        %dma_wait3A_46 = arith.constant 0 : i32
        %dma_wait3A_47 = tpu.memref_slice %arg3[%add3A_44, %dma_wait3A_46] : memref<159744x128xf32, #tpu.memory_space<hbm>> -> memref<128x128xf32, #tpu.memory_space<hbm>>
        tpu.wait_dma2 semaphore(%arg11 : memref<!tpu.dma_semaphore, #tpu.memory_space<semaphore_mem>>) src(%dma_wait3A_47 : memref<128x128xf32, #tpu.memory_space<hbm>>) dst(%arg8 : memref<128x128xf32, #tpu.memory_space<vmem>>)
        %mul3A_48 = arith.constant 9984 : i32
        %mul3A_49 = arith.muli %arg1, %mul3A_48 : i32
        %mul3A_50 = arith.constant 128 : i32
        %mul3A_51 = arith.muli %add3A_39, %mul3A_50 : i32
        %add3A_52 = arith.addi %mul3A_49, %mul3A_51 : i32
        %dma_start3A_53 = arith.constant 0 : i32
        %dma_start3A_54 = tpu.memref_slice %arg3[%add3A_52, %dma_start3A_53] : memref<159744x128xf32, #tpu.memory_space<hbm>> -> memref<128x128xf32, #tpu.memory_space<hbm>>
        %dma_start3A_55 = arith.constant 0 : i32
        %dma_start3A_56 = tpu.memref_slice %arg3[%add3A_52, %dma_start3A_55] : memref<159744x128xf32, #tpu.memory_space<hbm>> -> memref<128x128xf32, #tpu.memory_space<hbm>>
        tpu.enqueue_dma source(%dma_start3A_56 : memref<128x128xf32, #tpu.memory_space<hbm>>) target(%arg9 : memref<128x128xf32, #tpu.memory_space<vmem>>) target_semaphore(%arg12 : memref<!tpu.dma_semaphore, #tpu.memory_space<semaphore_mem>>)
        %run_scoped3A = arith.constant 0 : i32
        "tpu.region"() ({
          %run_scoped3A_71 = tpu.sem_alloc : memref<!tpu.dma_semaphore, #tpu.memory_space<semaphore_mem>>
          %dma_start3A_72 = arith.constant 0 : i32
          %dma_start3A_73 = tpu.memref_slice %arg7[%run_scoped3A, %dma_start3A_72] : memref<2x128xi32, #tpu.memory_space<vmem>> -> memref<1x128xi32, #tpu.memory_space<vmem>>
          %dma_start3A_74 = tpu.memref_squeeze %dma_start3A_73 : memref<1x128xi32, #tpu.memory_space<vmem>> -> memref<128xi32, #tpu.memory_space<vmem>>
          %dma_start3A_75 = arith.constant 0 : i32
          %dma_start3A_76 = arith.constant 0 : i32
          %dma_start3A_77 = tpu.memref_slice %arg10[%dma_start3A_75, %dma_start3A_76] : memref<10240x128xf32, #tpu.memory_space<vmem_shared>> -> memref<10240x128xf32, #tpu.memory_space<vmem_shared>>
          tpu.enqueue_indirect_dma source(%arg8 : memref<128x128xf32, #tpu.memory_space<vmem>>) target(%dma_start3A_77 : memref<10240x128xf32, #tpu.memory_space<vmem_shared>>) offsets(%dma_start3A_74 : memref<128xi32, #tpu.memory_space<vmem>>) semaphore(%run_scoped3A_71 : memref<!tpu.dma_semaphore, #tpu.memory_space<semaphore_mem>>) {add = true}
          %dma_wait3A_78 = arith.constant 0 : i32
          %dma_wait3A_79 = tpu.memref_slice %arg7[%run_scoped3A, %dma_wait3A_78] : memref<2x128xi32, #tpu.memory_space<vmem>> -> memref<1x128xi32, #tpu.memory_space<vmem>>
          %dma_wait3A_80 = tpu.memref_squeeze %dma_wait3A_79 : memref<1x128xi32, #tpu.memory_space<vmem>> -> memref<128xi32, #tpu.memory_space<vmem>>
          %dma_wait3A_81 = arith.constant 0 : i32
          %dma_wait3A_82 = arith.constant 0 : i32
          %dma_wait3A_83 = tpu.memref_slice %arg10[%dma_wait3A_81, %dma_wait3A_82] : memref<10240x128xf32, #tpu.memory_space<vmem_shared>> -> memref<10240x128xf32, #tpu.memory_space<vmem_shared>>
          tpu.wait_indirect_dma semaphore(%run_scoped3A_71 : memref<!tpu.dma_semaphore, #tpu.memory_space<semaphore_mem>>) src(%arg8 : memref<128x128xf32, #tpu.memory_space<vmem>>) dst(%dma_wait3A_83 : memref<10240x128xf32, #tpu.memory_space<vmem_shared>>)
          tpu.yield
        }) : () -> ()
        %mul3A_57 = arith.constant 9984 : i32
        %mul3A_58 = arith.muli %arg1, %mul3A_57 : i32
        %mul3A_59 = arith.constant 128 : i32
        %mul3A_60 = arith.muli %add3A_39, %mul3A_59 : i32
        %add3A_61 = arith.addi %mul3A_58, %mul3A_60 : i32
        %dma_wait3A_62 = arith.constant 0 : i32
        %dma_wait3A_63 = tpu.memref_slice %arg3[%add3A_61, %dma_wait3A_62] : memref<159744x128xf32, #tpu.memory_space<hbm>> -> memref<128x128xf32, #tpu.memory_space<hbm>>
        %dma_wait3A_64 = arith.constant 0 : i32
        %dma_wait3A_65 = tpu.memref_slice %arg3[%add3A_61, %dma_wait3A_64] : memref<159744x128xf32, #tpu.memory_space<hbm>> -> memref<128x128xf32, #tpu.memory_space<hbm>>
        tpu.wait_dma2 semaphore(%arg12 : memref<!tpu.dma_semaphore, #tpu.memory_space<semaphore_mem>>) src(%dma_wait3A_65 : memref<128x128xf32, #tpu.memory_space<hbm>>) dst(%arg9 : memref<128x128xf32, #tpu.memory_space<vmem>>)
        %lt3A = arith.constant 38 : i32
        %lt3A_66 = arith.cmpi slt, %add3A_35, %lt3A : i32
        %convert_element_type3A_67 = arith.extui %lt3A_66 : i1 to i32
        %cond3A_68 = arith.constant 0 : i32
        %cond3A_69 = arith.cmpi ne, %convert_element_type3A_67, %cond3A_68 : i32
        scf.if %cond3A_69 {
          %add3A_71 = arith.constant 2 : i32
          %add3A_72 = arith.addi %mul3A_37, %add3A_71 : i32
          %mul3A_73 = arith.constant 9984 : i32
          %mul3A_74 = arith.muli %arg1, %mul3A_73 : i32
          %mul3A_75 = arith.constant 128 : i32
          %mul3A_76 = arith.muli %add3A_72, %mul3A_75 : i32
          %add3A_77 = arith.addi %mul3A_74, %mul3A_76 : i32
          %dma_start3A_78 = arith.constant 0 : i32
          %dma_start3A_79 = tpu.memref_slice %arg3[%add3A_77, %dma_start3A_78] : memref<159744x128xf32, #tpu.memory_space<hbm>> -> memref<128x128xf32, #tpu.memory_space<hbm>>
          %dma_start3A_80 = arith.constant 0 : i32
          %dma_start3A_81 = tpu.memref_slice %arg3[%add3A_77, %dma_start3A_80] : memref<159744x128xf32, #tpu.memory_space<hbm>> -> memref<128x128xf32, #tpu.memory_space<hbm>>
          tpu.enqueue_dma source(%dma_start3A_81 : memref<128x128xf32, #tpu.memory_space<hbm>>) target(%arg8 : memref<128x128xf32, #tpu.memory_space<vmem>>) target_semaphore(%arg11 : memref<!tpu.dma_semaphore, #tpu.memory_space<semaphore_mem>>)
        } else {
        }
        %run_scoped3A_70 = arith.constant 1 : i32
        "tpu.region"() ({
          %run_scoped3A_71 = tpu.sem_alloc : memref<!tpu.dma_semaphore, #tpu.memory_space<semaphore_mem>>
          %dma_start3A_72 = arith.constant 0 : i32
          %dma_start3A_73 = tpu.memref_slice %arg7[%run_scoped3A_70, %dma_start3A_72] : memref<2x128xi32, #tpu.memory_space<vmem>> -> memref<1x128xi32, #tpu.memory_space<vmem>>
          %dma_start3A_74 = tpu.memref_squeeze %dma_start3A_73 : memref<1x128xi32, #tpu.memory_space<vmem>> -> memref<128xi32, #tpu.memory_space<vmem>>
          %dma_start3A_75 = arith.constant 0 : i32
          %dma_start3A_76 = arith.constant 0 : i32
          %dma_start3A_77 = tpu.memref_slice %arg10[%dma_start3A_75, %dma_start3A_76] : memref<10240x128xf32, #tpu.memory_space<vmem_shared>> -> memref<10240x128xf32, #tpu.memory_space<vmem_shared>>
          tpu.enqueue_indirect_dma source(%arg9 : memref<128x128xf32, #tpu.memory_space<vmem>>) target(%dma_start3A_77 : memref<10240x128xf32, #tpu.memory_space<vmem_shared>>) offsets(%dma_start3A_74 : memref<128xi32, #tpu.memory_space<vmem>>) semaphore(%run_scoped3A_71 : memref<!tpu.dma_semaphore, #tpu.memory_space<semaphore_mem>>) {add = true}
          %dma_wait3A_78 = arith.constant 0 : i32
          %dma_wait3A_79 = tpu.memref_slice %arg7[%run_scoped3A_70, %dma_wait3A_78] : memref<2x128xi32, #tpu.memory_space<vmem>> -> memref<1x128xi32, #tpu.memory_space<vmem>>
          %dma_wait3A_80 = tpu.memref_squeeze %dma_wait3A_79 : memref<1x128xi32, #tpu.memory_space<vmem>> -> memref<128xi32, #tpu.memory_space<vmem>>
          %dma_wait3A_81 = arith.constant 0 : i32
          %dma_wait3A_82 = arith.constant 0 : i32
          %dma_wait3A_83 = tpu.memref_slice %arg10[%dma_wait3A_81, %dma_wait3A_82] : memref<10240x128xf32, #tpu.memory_space<vmem_shared>> -> memref<10240x128xf32, #tpu.memory_space<vmem_shared>>
          tpu.wait_indirect_dma semaphore(%run_scoped3A_71 : memref<!tpu.dma_semaphore, #tpu.memory_space<semaphore_mem>>) src(%arg9 : memref<128x128xf32, #tpu.memory_space<vmem>>) dst(%dma_wait3A_83 : memref<10240x128xf32, #tpu.memory_space<vmem_shared>>)
          tpu.yield
        }) : () -> ()
      }
      %scan3A_25 = arith.constant 39 : i32
      %barrier3A_26 = arith.constant 0 : index
      tpu.barrier barrier_id(%barrier3A_26)
      %mul3A_27 = arith.constant 640 : i32
      %mul3A_28 = arith.muli %arg1, %mul3A_27 : i32
      %mul3A_29 = arith.constant 640 : i32
      %mul3A_30 = arith.muli %arg1, %mul3A_29 : i32
      "tpu.region"() ({
        %run_scoped3A = tpu.sem_alloc : memref<!tpu.dma_semaphore, #tpu.memory_space<semaphore_mem>>
        %dma_start3A_31 = arith.constant 0 : i32
        %dma_start3A_32 = tpu.memref_slice %arg6[%mul3A_30, %dma_start3A_31] : memref<10240x128xf32, #tpu.memory_space<hbm>> -> memref<640x128xf32, #tpu.memory_space<hbm>>
        %dma_start3A_33 = arith.constant 0 : i32
        %dma_start3A_34 = tpu.memref_slice %arg10[%mul3A_28, %dma_start3A_33] : memref<10240x128xf32, #tpu.memory_space<vmem_shared>> -> memref<640x128xf32, #tpu.memory_space<vmem_shared>>
        tpu.enqueue_dma source(%dma_start3A_34 : memref<640x128xf32, #tpu.memory_space<vmem_shared>>) target(%dma_start3A_32 : memref<640x128xf32, #tpu.memory_space<hbm>>) target_semaphore(%run_scoped3A : memref<!tpu.dma_semaphore, #tpu.memory_space<semaphore_mem>>)
        %dma_wait3A = arith.constant 0 : i32
        %dma_wait3A_35 = tpu.memref_slice %arg6[%mul3A_30, %dma_wait3A] : memref<10240x128xf32, #tpu.memory_space<hbm>> -> memref<640x128xf32, #tpu.memory_space<hbm>>
        %dma_wait3A_36 = arith.constant 0 : i32
        %dma_wait3A_37 = tpu.memref_slice %arg10[%mul3A_28, %dma_wait3A_36] : memref<10240x128xf32, #tpu.memory_space<vmem_shared>> -> memref<640x128xf32, #tpu.memory_space<vmem_shared>>
        tpu.wait_dma2 semaphore(%run_scoped3A : memref<!tpu.dma_semaphore, #tpu.memory_space<semaphore_mem>>) src(%dma_wait3A_37 : memref<640x128xf32, #tpu.memory_space<vmem_shared>>) dst(%dma_wait3A_35 : memref<640x128xf32, #tpu.memory_space<hbm>>)
        tpu.yield
      }) : () -> ()
    } else {
    }
    return
  }
}

#map = affine_map<(d0, d1) -> (0, 0)>
#map1 = affine_map<(d0, d1) -> (0, 0, 0)>
module attributes {stable_mosaic.version = 14 : i64} {
  func.func @k6(%arg0: i32, %arg1: i32, %arg2: memref<172032x128xf32, #tpu.memory_space<hbm>>, %arg3: memref<172032x128xf32, #tpu.memory_space<hbm>>, %arg4: memref<16x84x128xi32, #tpu.memory_space<hbm>>, %arg5: memref<10240x128xf32, #tpu.memory_space<hbm>>, %arg6: memref<10240x128xf32, #tpu.memory_space<hbm>>, %arg7: memref<10240x128xf32, #tpu.memory_space<hbm>>, %arg8: memref<10240x128xf32, #tpu.memory_space<hbm>>, %arg9: memref<2x128xi32, #tpu.memory_space<vmem>>, %arg10: memref<128x128xf32, #tpu.memory_space<vmem>>, %arg11: memref<128x128xf32, #tpu.memory_space<vmem>>, %arg12: memref<10240x128xf32, #tpu.memory_space<vmem_shared>>, %arg13: memref<!tpu.dma_semaphore, #tpu.memory_space<semaphore_mem>>, %arg14: memref<!tpu.dma_semaphore, #tpu.memory_space<semaphore_mem>>) attributes {dimension_semantics = [#tpu.dimension_semantics<core_parallel>, #tpu.dimension_semantics<subcore_parallel>], iteration_bounds = array<i64: 2, 16>, scalar_prefetch = 0 : i64, scratch_operands = 6 : i64, tpu.core_type = #tpu.core_type<sc_vector_subcore>, window_params = [{transform_indices = #map}, {transform_indices = #map}, {transform_indices = #map1}, {transform_indices = #map}, {transform_indices = #map}, {transform_indices = #map}, {transform_indices = #map}]} {
    %eq3A = arith.constant 0 : i32
    %eq3A_0 = arith.cmpi eq, %arg0, %eq3A : i32
    %convert_element_type3A = arith.extui %eq3A_0 : i1 to i32
    %cond3A = arith.constant 0 : i32
    %cond3A_1 = arith.cmpi ne, %convert_element_type3A, %cond3A : i32
    scf.if %cond3A_1 {
      %mul3A = arith.constant 640 : i32
      %mul3A_17 = arith.muli %arg1, %mul3A : i32
      %mul3A_18 = arith.constant 640 : i32
      %mul3A_19 = arith.muli %arg1, %mul3A_18 : i32
      "tpu.region"() ({
        %run_scoped3A = tpu.sem_alloc : memref<!tpu.dma_semaphore, #tpu.memory_space<semaphore_mem>>
        %dma_start3A = arith.constant 0 : i32
        %dma_start3A_20 = tpu.memref_slice %arg12[%mul3A_19, %dma_start3A] : memref<10240x128xf32, #tpu.memory_space<vmem_shared>> -> memref<640x128xf32, #tpu.memory_space<vmem_shared>>
        %dma_start3A_21 = arith.constant 0 : i32
        %dma_start3A_22 = tpu.memref_slice %arg5[%mul3A_17, %dma_start3A_21] : memref<10240x128xf32, #tpu.memory_space<hbm>> -> memref<640x128xf32, #tpu.memory_space<hbm>>
        tpu.enqueue_dma source(%dma_start3A_22 : memref<640x128xf32, #tpu.memory_space<hbm>>) target(%dma_start3A_20 : memref<640x128xf32, #tpu.memory_space<vmem_shared>>) target_semaphore(%run_scoped3A : memref<!tpu.dma_semaphore, #tpu.memory_space<semaphore_mem>>)
        %dma_wait3A = arith.constant 0 : i32
        %dma_wait3A_23 = tpu.memref_slice %arg12[%mul3A_19, %dma_wait3A] : memref<10240x128xf32, #tpu.memory_space<vmem_shared>> -> memref<640x128xf32, #tpu.memory_space<vmem_shared>>
        %dma_wait3A_24 = arith.constant 0 : i32
        %dma_wait3A_25 = tpu.memref_slice %arg5[%mul3A_17, %dma_wait3A_24] : memref<10240x128xf32, #tpu.memory_space<hbm>> -> memref<640x128xf32, #tpu.memory_space<hbm>>
        tpu.wait_dma2 semaphore(%run_scoped3A : memref<!tpu.dma_semaphore, #tpu.memory_space<semaphore_mem>>) src(%dma_wait3A_25 : memref<640x128xf32, #tpu.memory_space<hbm>>) dst(%dma_wait3A_23 : memref<640x128xf32, #tpu.memory_space<vmem_shared>>)
        tpu.yield
      }) : () -> ()
    } else {
    }
    %eq3A_2 = arith.constant 1 : i32
    %eq3A_3 = arith.cmpi eq, %arg0, %eq3A_2 : i32
    %convert_element_type3A_4 = arith.extui %eq3A_3 : i1 to i32
    %cond3A_5 = arith.constant 0 : i32
    %cond3A_6 = arith.cmpi ne, %convert_element_type3A_4, %cond3A_5 : i32
    scf.if %cond3A_6 {
      %mul3A = arith.constant 640 : i32
      %mul3A_17 = arith.muli %arg1, %mul3A : i32
      %mul3A_18 = arith.constant 640 : i32
      %mul3A_19 = arith.muli %arg1, %mul3A_18 : i32
      "tpu.region"() ({
        %run_scoped3A = tpu.sem_alloc : memref<!tpu.dma_semaphore, #tpu.memory_space<semaphore_mem>>
        %dma_start3A = arith.constant 0 : i32
        %dma_start3A_20 = tpu.memref_slice %arg12[%mul3A_19, %dma_start3A] : memref<10240x128xf32, #tpu.memory_space<vmem_shared>> -> memref<640x128xf32, #tpu.memory_space<vmem_shared>>
        %dma_start3A_21 = arith.constant 0 : i32
        %dma_start3A_22 = tpu.memref_slice %arg6[%mul3A_17, %dma_start3A_21] : memref<10240x128xf32, #tpu.memory_space<hbm>> -> memref<640x128xf32, #tpu.memory_space<hbm>>
        tpu.enqueue_dma source(%dma_start3A_22 : memref<640x128xf32, #tpu.memory_space<hbm>>) target(%dma_start3A_20 : memref<640x128xf32, #tpu.memory_space<vmem_shared>>) target_semaphore(%run_scoped3A : memref<!tpu.dma_semaphore, #tpu.memory_space<semaphore_mem>>)
        %dma_wait3A = arith.constant 0 : i32
        %dma_wait3A_23 = tpu.memref_slice %arg12[%mul3A_19, %dma_wait3A] : memref<10240x128xf32, #tpu.memory_space<vmem_shared>> -> memref<640x128xf32, #tpu.memory_space<vmem_shared>>
        %dma_wait3A_24 = arith.constant 0 : i32
        %dma_wait3A_25 = tpu.memref_slice %arg6[%mul3A_17, %dma_wait3A_24] : memref<10240x128xf32, #tpu.memory_space<hbm>> -> memref<640x128xf32, #tpu.memory_space<hbm>>
        tpu.wait_dma2 semaphore(%run_scoped3A : memref<!tpu.dma_semaphore, #tpu.memory_space<semaphore_mem>>) src(%dma_wait3A_25 : memref<640x128xf32, #tpu.memory_space<hbm>>) dst(%dma_wait3A_23 : memref<640x128xf32, #tpu.memory_space<vmem_shared>>)
        tpu.yield
      }) : () -> ()
    } else {
    }
    %barrier3A = arith.constant 0 : index
    tpu.barrier barrier_id(%barrier3A)
    %eq3A_7 = arith.constant 0 : i32
    %eq3A_8 = arith.cmpi eq, %arg0, %eq3A_7 : i32
    %convert_element_type3A_9 = arith.extui %eq3A_8 : i1 to i32
    %cond3A_10 = arith.constant 0 : i32
    %cond3A_11 = arith.cmpi ne, %convert_element_type3A_9, %cond3A_10 : i32
    scf.if %cond3A_11 {
      %mul3A = arith.constant 10752 : i32
      %mul3A_17 = arith.muli %arg1, %mul3A : i32
      %add3A = arith.constant 0 : i32
      %add3A_18 = arith.addi %mul3A_17, %add3A : i32
      %dma_start3A = arith.constant 0 : i32
      %dma_start3A_19 = tpu.memref_slice %arg2[%add3A_18, %dma_start3A] : memref<172032x128xf32, #tpu.memory_space<hbm>> -> memref<128x128xf32, #tpu.memory_space<hbm>>
      %dma_start3A_20 = arith.constant 0 : i32
      %dma_start3A_21 = tpu.memref_slice %arg2[%add3A_18, %dma_start3A_20] : memref<172032x128xf32, #tpu.memory_space<hbm>> -> memref<128x128xf32, #tpu.memory_space<hbm>>
      tpu.enqueue_dma source(%dma_start3A_21 : memref<128x128xf32, #tpu.memory_space<hbm>>) target(%arg10 : memref<128x128xf32, #tpu.memory_space<vmem>>) target_semaphore(%arg13 : memref<!tpu.dma_semaphore, #tpu.memory_space<semaphore_mem>>)
      %scan3A = arith.constant 0 : i32
      %scan3A_22 = arith.constant 42 : i32
      %scan3A_23 = arith.addi %scan3A, %scan3A_22 : i32
      %scan3A_24 = arith.constant 1 : i32
      scf.for %scan3A_31 = %scan3A to %scan3A_23 step %scan3A_24  : i32 {
        %mul3A_32 = arith.constant 1 : i32
        %mul3A_33 = arith.muli %scan3A_31, %mul3A_32 : i32
        %add3A_34 = arith.constant 0 : i32
        %add3A_35 = arith.addi %add3A_34, %mul3A_33 : i32
        %mul3A_36 = arith.constant 2 : i32
        %mul3A_37 = arith.muli %mul3A_36, %add3A_35 : i32
        %add3A_38 = arith.constant 1 : i32
        %add3A_39 = arith.addi %mul3A_37, %add3A_38 : i32
        "tpu.region"() ({
          %run_scoped3A_71 = tpu.sem_alloc : memref<!tpu.dma_semaphore, #tpu.memory_space<semaphore_mem>>
          %dma_start3A_72 = arith.constant 0 : i32
          %dma_start3A_73 = tpu.memref_slice %arg4[%arg1, %mul3A_37, %dma_start3A_72] : memref<16x84x128xi32, #tpu.memory_space<hbm>> -> memref<1x2x128xi32, #tpu.memory_space<hbm>>
          %dma_start3A_74 = tpu.memref_squeeze %dma_start3A_73 : memref<1x2x128xi32, #tpu.memory_space<hbm>> -> memref<2x128xi32, #tpu.memory_space<hbm>>
          %dma_start3A_75 = arith.constant 0 : i32
          %dma_start3A_76 = tpu.memref_slice %arg4[%arg1, %mul3A_37, %dma_start3A_75] : memref<16x84x128xi32, #tpu.memory_space<hbm>> -> memref<1x2x128xi32, #tpu.memory_space<hbm>>
          %dma_start3A_77 = tpu.memref_squeeze %dma_start3A_76 : memref<1x2x128xi32, #tpu.memory_space<hbm>> -> memref<2x128xi32, #tpu.memory_space<hbm>>
          tpu.enqueue_dma source(%dma_start3A_77 : memref<2x128xi32, #tpu.memory_space<hbm>>) target(%arg9 : memref<2x128xi32, #tpu.memory_space<vmem>>) target_semaphore(%run_scoped3A_71 : memref<!tpu.dma_semaphore, #tpu.memory_space<semaphore_mem>>)
          %dma_wait3A_78 = arith.constant 0 : i32
          %dma_wait3A_79 = tpu.memref_slice %arg4[%arg1, %mul3A_37, %dma_wait3A_78] : memref<16x84x128xi32, #tpu.memory_space<hbm>> -> memref<1x2x128xi32, #tpu.memory_space<hbm>>
          %dma_wait3A_80 = tpu.memref_squeeze %dma_wait3A_79 : memref<1x2x128xi32, #tpu.memory_space<hbm>> -> memref<2x128xi32, #tpu.memory_space<hbm>>
          %dma_wait3A_81 = arith.constant 0 : i32
          %dma_wait3A_82 = tpu.memref_slice %arg4[%arg1, %mul3A_37, %dma_wait3A_81] : memref<16x84x128xi32, #tpu.memory_space<hbm>> -> memref<1x2x128xi32, #tpu.memory_space<hbm>>
          %dma_wait3A_83 = tpu.memref_squeeze %dma_wait3A_82 : memref<1x2x128xi32, #tpu.memory_space<hbm>> -> memref<2x128xi32, #tpu.memory_space<hbm>>
          tpu.wait_dma2 semaphore(%run_scoped3A_71 : memref<!tpu.dma_semaphore, #tpu.memory_space<semaphore_mem>>) src(%dma_wait3A_83 : memref<2x128xi32, #tpu.memory_space<hbm>>) dst(%arg9 : memref<2x128xi32, #tpu.memory_space<vmem>>)
          tpu.yield
        }) : () -> ()
        %mul3A_40 = arith.constant 10752 : i32
        %mul3A_41 = arith.muli %arg1, %mul3A_40 : i32
        %mul3A_42 = arith.constant 128 : i32
        %mul3A_43 = arith.muli %mul3A_37, %mul3A_42 : i32
        %add3A_44 = arith.addi %mul3A_41, %mul3A_43 : i32
        %dma_wait3A = arith.constant 0 : i32
        %dma_wait3A_45 = tpu.memref_slice %arg2[%add3A_44, %dma_wait3A] : memref<172032x128xf32, #tpu.memory_space<hbm>> -> memref<128x128xf32, #tpu.memory_space<hbm>>
        %dma_wait3A_46 = arith.constant 0 : i32
        %dma_wait3A_47 = tpu.memref_slice %arg2[%add3A_44, %dma_wait3A_46] : memref<172032x128xf32, #tpu.memory_space<hbm>> -> memref<128x128xf32, #tpu.memory_space<hbm>>
        tpu.wait_dma2 semaphore(%arg13 : memref<!tpu.dma_semaphore, #tpu.memory_space<semaphore_mem>>) src(%dma_wait3A_47 : memref<128x128xf32, #tpu.memory_space<hbm>>) dst(%arg10 : memref<128x128xf32, #tpu.memory_space<vmem>>)
        %mul3A_48 = arith.constant 10752 : i32
        %mul3A_49 = arith.muli %arg1, %mul3A_48 : i32
        %mul3A_50 = arith.constant 128 : i32
        %mul3A_51 = arith.muli %add3A_39, %mul3A_50 : i32
        %add3A_52 = arith.addi %mul3A_49, %mul3A_51 : i32
        %dma_start3A_53 = arith.constant 0 : i32
        %dma_start3A_54 = tpu.memref_slice %arg2[%add3A_52, %dma_start3A_53] : memref<172032x128xf32, #tpu.memory_space<hbm>> -> memref<128x128xf32, #tpu.memory_space<hbm>>
        %dma_start3A_55 = arith.constant 0 : i32
        %dma_start3A_56 = tpu.memref_slice %arg2[%add3A_52, %dma_start3A_55] : memref<172032x128xf32, #tpu.memory_space<hbm>> -> memref<128x128xf32, #tpu.memory_space<hbm>>
        tpu.enqueue_dma source(%dma_start3A_56 : memref<128x128xf32, #tpu.memory_space<hbm>>) target(%arg11 : memref<128x128xf32, #tpu.memory_space<vmem>>) target_semaphore(%arg14 : memref<!tpu.dma_semaphore, #tpu.memory_space<semaphore_mem>>)
        %run_scoped3A = arith.constant 0 : i32
        "tpu.region"() ({
          %run_scoped3A_71 = tpu.sem_alloc : memref<!tpu.dma_semaphore, #tpu.memory_space<semaphore_mem>>
          %dma_start3A_72 = arith.constant 0 : i32
          %dma_start3A_73 = tpu.memref_slice %arg9[%run_scoped3A, %dma_start3A_72] : memref<2x128xi32, #tpu.memory_space<vmem>> -> memref<1x128xi32, #tpu.memory_space<vmem>>
          %dma_start3A_74 = tpu.memref_squeeze %dma_start3A_73 : memref<1x128xi32, #tpu.memory_space<vmem>> -> memref<128xi32, #tpu.memory_space<vmem>>
          %dma_start3A_75 = arith.constant 0 : i32
          %dma_start3A_76 = arith.constant 0 : i32
          %dma_start3A_77 = tpu.memref_slice %arg12[%dma_start3A_75, %dma_start3A_76] : memref<10240x128xf32, #tpu.memory_space<vmem_shared>> -> memref<10240x128xf32, #tpu.memory_space<vmem_shared>>
          tpu.enqueue_indirect_dma source(%arg10 : memref<128x128xf32, #tpu.memory_space<vmem>>) target(%dma_start3A_77 : memref<10240x128xf32, #tpu.memory_space<vmem_shared>>) offsets(%dma_start3A_74 : memref<128xi32, #tpu.memory_space<vmem>>) semaphore(%run_scoped3A_71 : memref<!tpu.dma_semaphore, #tpu.memory_space<semaphore_mem>>) {add = true}
          %dma_wait3A_78 = arith.constant 0 : i32
          %dma_wait3A_79 = tpu.memref_slice %arg9[%run_scoped3A, %dma_wait3A_78] : memref<2x128xi32, #tpu.memory_space<vmem>> -> memref<1x128xi32, #tpu.memory_space<vmem>>
          %dma_wait3A_80 = tpu.memref_squeeze %dma_wait3A_79 : memref<1x128xi32, #tpu.memory_space<vmem>> -> memref<128xi32, #tpu.memory_space<vmem>>
          %dma_wait3A_81 = arith.constant 0 : i32
          %dma_wait3A_82 = arith.constant 0 : i32
          %dma_wait3A_83 = tpu.memref_slice %arg12[%dma_wait3A_81, %dma_wait3A_82] : memref<10240x128xf32, #tpu.memory_space<vmem_shared>> -> memref<10240x128xf32, #tpu.memory_space<vmem_shared>>
          tpu.wait_indirect_dma semaphore(%run_scoped3A_71 : memref<!tpu.dma_semaphore, #tpu.memory_space<semaphore_mem>>) src(%arg10 : memref<128x128xf32, #tpu.memory_space<vmem>>) dst(%dma_wait3A_83 : memref<10240x128xf32, #tpu.memory_space<vmem_shared>>)
          tpu.yield
        }) : () -> ()
        %mul3A_57 = arith.constant 10752 : i32
        %mul3A_58 = arith.muli %arg1, %mul3A_57 : i32
        %mul3A_59 = arith.constant 128 : i32
        %mul3A_60 = arith.muli %add3A_39, %mul3A_59 : i32
        %add3A_61 = arith.addi %mul3A_58, %mul3A_60 : i32
        %dma_wait3A_62 = arith.constant 0 : i32
        %dma_wait3A_63 = tpu.memref_slice %arg2[%add3A_61, %dma_wait3A_62] : memref<172032x128xf32, #tpu.memory_space<hbm>> -> memref<128x128xf32, #tpu.memory_space<hbm>>
        %dma_wait3A_64 = arith.constant 0 : i32
        %dma_wait3A_65 = tpu.memref_slice %arg2[%add3A_61, %dma_wait3A_64] : memref<172032x128xf32, #tpu.memory_space<hbm>> -> memref<128x128xf32, #tpu.memory_space<hbm>>
        tpu.wait_dma2 semaphore(%arg14 : memref<!tpu.dma_semaphore, #tpu.memory_space<semaphore_mem>>) src(%dma_wait3A_65 : memref<128x128xf32, #tpu.memory_space<hbm>>) dst(%arg11 : memref<128x128xf32, #tpu.memory_space<vmem>>)
        %lt3A = arith.constant 41 : i32
        %lt3A_66 = arith.cmpi slt, %add3A_35, %lt3A : i32
        %convert_element_type3A_67 = arith.extui %lt3A_66 : i1 to i32
        %cond3A_68 = arith.constant 0 : i32
        %cond3A_69 = arith.cmpi ne, %convert_element_type3A_67, %cond3A_68 : i32
        scf.if %cond3A_69 {
          %add3A_71 = arith.constant 2 : i32
          %add3A_72 = arith.addi %mul3A_37, %add3A_71 : i32
          %mul3A_73 = arith.constant 10752 : i32
          %mul3A_74 = arith.muli %arg1, %mul3A_73 : i32
          %mul3A_75 = arith.constant 128 : i32
          %mul3A_76 = arith.muli %add3A_72, %mul3A_75 : i32
          %add3A_77 = arith.addi %mul3A_74, %mul3A_76 : i32
          %dma_start3A_78 = arith.constant 0 : i32
          %dma_start3A_79 = tpu.memref_slice %arg2[%add3A_77, %dma_start3A_78] : memref<172032x128xf32, #tpu.memory_space<hbm>> -> memref<128x128xf32, #tpu.memory_space<hbm>>
          %dma_start3A_80 = arith.constant 0 : i32
          %dma_start3A_81 = tpu.memref_slice %arg2[%add3A_77, %dma_start3A_80] : memref<172032x128xf32, #tpu.memory_space<hbm>> -> memref<128x128xf32, #tpu.memory_space<hbm>>
          tpu.enqueue_dma source(%dma_start3A_81 : memref<128x128xf32, #tpu.memory_space<hbm>>) target(%arg10 : memref<128x128xf32, #tpu.memory_space<vmem>>) target_semaphore(%arg13 : memref<!tpu.dma_semaphore, #tpu.memory_space<semaphore_mem>>)
        } else {
        }
        %run_scoped3A_70 = arith.constant 1 : i32
        "tpu.region"() ({
          %run_scoped3A_71 = tpu.sem_alloc : memref<!tpu.dma_semaphore, #tpu.memory_space<semaphore_mem>>
          %dma_start3A_72 = arith.constant 0 : i32
          %dma_start3A_73 = tpu.memref_slice %arg9[%run_scoped3A_70, %dma_start3A_72] : memref<2x128xi32, #tpu.memory_space<vmem>> -> memref<1x128xi32, #tpu.memory_space<vmem>>
          %dma_start3A_74 = tpu.memref_squeeze %dma_start3A_73 : memref<1x128xi32, #tpu.memory_space<vmem>> -> memref<128xi32, #tpu.memory_space<vmem>>
          %dma_start3A_75 = arith.constant 0 : i32
          %dma_start3A_76 = arith.constant 0 : i32
          %dma_start3A_77 = tpu.memref_slice %arg12[%dma_start3A_75, %dma_start3A_76] : memref<10240x128xf32, #tpu.memory_space<vmem_shared>> -> memref<10240x128xf32, #tpu.memory_space<vmem_shared>>
          tpu.enqueue_indirect_dma source(%arg11 : memref<128x128xf32, #tpu.memory_space<vmem>>) target(%dma_start3A_77 : memref<10240x128xf32, #tpu.memory_space<vmem_shared>>) offsets(%dma_start3A_74 : memref<128xi32, #tpu.memory_space<vmem>>) semaphore(%run_scoped3A_71 : memref<!tpu.dma_semaphore, #tpu.memory_space<semaphore_mem>>) {add = true}
          %dma_wait3A_78 = arith.constant 0 : i32
          %dma_wait3A_79 = tpu.memref_slice %arg9[%run_scoped3A_70, %dma_wait3A_78] : memref<2x128xi32, #tpu.memory_space<vmem>> -> memref<1x128xi32, #tpu.memory_space<vmem>>
          %dma_wait3A_80 = tpu.memref_squeeze %dma_wait3A_79 : memref<1x128xi32, #tpu.memory_space<vmem>> -> memref<128xi32, #tpu.memory_space<vmem>>
          %dma_wait3A_81 = arith.constant 0 : i32
          %dma_wait3A_82 = arith.constant 0 : i32
          %dma_wait3A_83 = tpu.memref_slice %arg12[%dma_wait3A_81, %dma_wait3A_82] : memref<10240x128xf32, #tpu.memory_space<vmem_shared>> -> memref<10240x128xf32, #tpu.memory_space<vmem_shared>>
          tpu.wait_indirect_dma semaphore(%run_scoped3A_71 : memref<!tpu.dma_semaphore, #tpu.memory_space<semaphore_mem>>) src(%arg11 : memref<128x128xf32, #tpu.memory_space<vmem>>) dst(%dma_wait3A_83 : memref<10240x128xf32, #tpu.memory_space<vmem_shared>>)
          tpu.yield
        }) : () -> ()
      }
      %scan3A_25 = arith.constant 42 : i32
      %barrier3A_26 = arith.constant 0 : index
      tpu.barrier barrier_id(%barrier3A_26)
      %mul3A_27 = arith.constant 640 : i32
      %mul3A_28 = arith.muli %arg1, %mul3A_27 : i32
      %mul3A_29 = arith.constant 640 : i32
      %mul3A_30 = arith.muli %arg1, %mul3A_29 : i32
      "tpu.region"() ({
        %run_scoped3A = tpu.sem_alloc : memref<!tpu.dma_semaphore, #tpu.memory_space<semaphore_mem>>
        %dma_start3A_31 = arith.constant 0 : i32
        %dma_start3A_32 = tpu.memref_slice %arg7[%mul3A_30, %dma_start3A_31] : memref<10240x128xf32, #tpu.memory_space<hbm>> -> memref<640x128xf32, #tpu.memory_space<hbm>>
        %dma_start3A_33 = arith.constant 0 : i32
        %dma_start3A_34 = tpu.memref_slice %arg12[%mul3A_28, %dma_start3A_33] : memref<10240x128xf32, #tpu.memory_space<vmem_shared>> -> memref<640x128xf32, #tpu.memory_space<vmem_shared>>
        tpu.enqueue_dma source(%dma_start3A_34 : memref<640x128xf32, #tpu.memory_space<vmem_shared>>) target(%dma_start3A_32 : memref<640x128xf32, #tpu.memory_space<hbm>>) target_semaphore(%run_scoped3A : memref<!tpu.dma_semaphore, #tpu.memory_space<semaphore_mem>>)
        %dma_wait3A = arith.constant 0 : i32
        %dma_wait3A_35 = tpu.memref_slice %arg7[%mul3A_30, %dma_wait3A] : memref<10240x128xf32, #tpu.memory_space<hbm>> -> memref<640x128xf32, #tpu.memory_space<hbm>>
        %dma_wait3A_36 = arith.constant 0 : i32
        %dma_wait3A_37 = tpu.memref_slice %arg12[%mul3A_28, %dma_wait3A_36] : memref<10240x128xf32, #tpu.memory_space<vmem_shared>> -> memref<640x128xf32, #tpu.memory_space<vmem_shared>>
        tpu.wait_dma2 semaphore(%run_scoped3A : memref<!tpu.dma_semaphore, #tpu.memory_space<semaphore_mem>>) src(%dma_wait3A_37 : memref<640x128xf32, #tpu.memory_space<vmem_shared>>) dst(%dma_wait3A_35 : memref<640x128xf32, #tpu.memory_space<hbm>>)
        tpu.yield
      }) : () -> ()
    } else {
    }
    %eq3A_12 = arith.constant 1 : i32
    %eq3A_13 = arith.cmpi eq, %arg0, %eq3A_12 : i32
    %convert_element_type3A_14 = arith.extui %eq3A_13 : i1 to i32
    %cond3A_15 = arith.constant 0 : i32
    %cond3A_16 = arith.cmpi ne, %convert_element_type3A_14, %cond3A_15 : i32
    scf.if %cond3A_16 {
      %mul3A = arith.constant 10752 : i32
      %mul3A_17 = arith.muli %arg1, %mul3A : i32
      %add3A = arith.constant 0 : i32
      %add3A_18 = arith.addi %mul3A_17, %add3A : i32
      %dma_start3A = arith.constant 0 : i32
      %dma_start3A_19 = tpu.memref_slice %arg3[%add3A_18, %dma_start3A] : memref<172032x128xf32, #tpu.memory_space<hbm>> -> memref<128x128xf32, #tpu.memory_space<hbm>>
      %dma_start3A_20 = arith.constant 0 : i32
      %dma_start3A_21 = tpu.memref_slice %arg3[%add3A_18, %dma_start3A_20] : memref<172032x128xf32, #tpu.memory_space<hbm>> -> memref<128x128xf32, #tpu.memory_space<hbm>>
      tpu.enqueue_dma source(%dma_start3A_21 : memref<128x128xf32, #tpu.memory_space<hbm>>) target(%arg10 : memref<128x128xf32, #tpu.memory_space<vmem>>) target_semaphore(%arg13 : memref<!tpu.dma_semaphore, #tpu.memory_space<semaphore_mem>>)
      %scan3A = arith.constant 0 : i32
      %scan3A_22 = arith.constant 42 : i32
      %scan3A_23 = arith.addi %scan3A, %scan3A_22 : i32
      %scan3A_24 = arith.constant 1 : i32
      scf.for %scan3A_31 = %scan3A to %scan3A_23 step %scan3A_24  : i32 {
        %mul3A_32 = arith.constant 1 : i32
        %mul3A_33 = arith.muli %scan3A_31, %mul3A_32 : i32
        %add3A_34 = arith.constant 0 : i32
        %add3A_35 = arith.addi %add3A_34, %mul3A_33 : i32
        %mul3A_36 = arith.constant 2 : i32
        %mul3A_37 = arith.muli %mul3A_36, %add3A_35 : i32
        %add3A_38 = arith.constant 1 : i32
        %add3A_39 = arith.addi %mul3A_37, %add3A_38 : i32
        "tpu.region"() ({
          %run_scoped3A_71 = tpu.sem_alloc : memref<!tpu.dma_semaphore, #tpu.memory_space<semaphore_mem>>
          %dma_start3A_72 = arith.constant 0 : i32
          %dma_start3A_73 = tpu.memref_slice %arg4[%arg1, %mul3A_37, %dma_start3A_72] : memref<16x84x128xi32, #tpu.memory_space<hbm>> -> memref<1x2x128xi32, #tpu.memory_space<hbm>>
          %dma_start3A_74 = tpu.memref_squeeze %dma_start3A_73 : memref<1x2x128xi32, #tpu.memory_space<hbm>> -> memref<2x128xi32, #tpu.memory_space<hbm>>
          %dma_start3A_75 = arith.constant 0 : i32
          %dma_start3A_76 = tpu.memref_slice %arg4[%arg1, %mul3A_37, %dma_start3A_75] : memref<16x84x128xi32, #tpu.memory_space<hbm>> -> memref<1x2x128xi32, #tpu.memory_space<hbm>>
          %dma_start3A_77 = tpu.memref_squeeze %dma_start3A_76 : memref<1x2x128xi32, #tpu.memory_space<hbm>> -> memref<2x128xi32, #tpu.memory_space<hbm>>
          tpu.enqueue_dma source(%dma_start3A_77 : memref<2x128xi32, #tpu.memory_space<hbm>>) target(%arg9 : memref<2x128xi32, #tpu.memory_space<vmem>>) target_semaphore(%run_scoped3A_71 : memref<!tpu.dma_semaphore, #tpu.memory_space<semaphore_mem>>)
          %dma_wait3A_78 = arith.constant 0 : i32
          %dma_wait3A_79 = tpu.memref_slice %arg4[%arg1, %mul3A_37, %dma_wait3A_78] : memref<16x84x128xi32, #tpu.memory_space<hbm>> -> memref<1x2x128xi32, #tpu.memory_space<hbm>>
          %dma_wait3A_80 = tpu.memref_squeeze %dma_wait3A_79 : memref<1x2x128xi32, #tpu.memory_space<hbm>> -> memref<2x128xi32, #tpu.memory_space<hbm>>
          %dma_wait3A_81 = arith.constant 0 : i32
          %dma_wait3A_82 = tpu.memref_slice %arg4[%arg1, %mul3A_37, %dma_wait3A_81] : memref<16x84x128xi32, #tpu.memory_space<hbm>> -> memref<1x2x128xi32, #tpu.memory_space<hbm>>
          %dma_wait3A_83 = tpu.memref_squeeze %dma_wait3A_82 : memref<1x2x128xi32, #tpu.memory_space<hbm>> -> memref<2x128xi32, #tpu.memory_space<hbm>>
          tpu.wait_dma2 semaphore(%run_scoped3A_71 : memref<!tpu.dma_semaphore, #tpu.memory_space<semaphore_mem>>) src(%dma_wait3A_83 : memref<2x128xi32, #tpu.memory_space<hbm>>) dst(%arg9 : memref<2x128xi32, #tpu.memory_space<vmem>>)
          tpu.yield
        }) : () -> ()
        %mul3A_40 = arith.constant 10752 : i32
        %mul3A_41 = arith.muli %arg1, %mul3A_40 : i32
        %mul3A_42 = arith.constant 128 : i32
        %mul3A_43 = arith.muli %mul3A_37, %mul3A_42 : i32
        %add3A_44 = arith.addi %mul3A_41, %mul3A_43 : i32
        %dma_wait3A = arith.constant 0 : i32
        %dma_wait3A_45 = tpu.memref_slice %arg3[%add3A_44, %dma_wait3A] : memref<172032x128xf32, #tpu.memory_space<hbm>> -> memref<128x128xf32, #tpu.memory_space<hbm>>
        %dma_wait3A_46 = arith.constant 0 : i32
        %dma_wait3A_47 = tpu.memref_slice %arg3[%add3A_44, %dma_wait3A_46] : memref<172032x128xf32, #tpu.memory_space<hbm>> -> memref<128x128xf32, #tpu.memory_space<hbm>>
        tpu.wait_dma2 semaphore(%arg13 : memref<!tpu.dma_semaphore, #tpu.memory_space<semaphore_mem>>) src(%dma_wait3A_47 : memref<128x128xf32, #tpu.memory_space<hbm>>) dst(%arg10 : memref<128x128xf32, #tpu.memory_space<vmem>>)
        %mul3A_48 = arith.constant 10752 : i32
        %mul3A_49 = arith.muli %arg1, %mul3A_48 : i32
        %mul3A_50 = arith.constant 128 : i32
        %mul3A_51 = arith.muli %add3A_39, %mul3A_50 : i32
        %add3A_52 = arith.addi %mul3A_49, %mul3A_51 : i32
        %dma_start3A_53 = arith.constant 0 : i32
        %dma_start3A_54 = tpu.memref_slice %arg3[%add3A_52, %dma_start3A_53] : memref<172032x128xf32, #tpu.memory_space<hbm>> -> memref<128x128xf32, #tpu.memory_space<hbm>>
        %dma_start3A_55 = arith.constant 0 : i32
        %dma_start3A_56 = tpu.memref_slice %arg3[%add3A_52, %dma_start3A_55] : memref<172032x128xf32, #tpu.memory_space<hbm>> -> memref<128x128xf32, #tpu.memory_space<hbm>>
        tpu.enqueue_dma source(%dma_start3A_56 : memref<128x128xf32, #tpu.memory_space<hbm>>) target(%arg11 : memref<128x128xf32, #tpu.memory_space<vmem>>) target_semaphore(%arg14 : memref<!tpu.dma_semaphore, #tpu.memory_space<semaphore_mem>>)
        %run_scoped3A = arith.constant 0 : i32
        "tpu.region"() ({
          %run_scoped3A_71 = tpu.sem_alloc : memref<!tpu.dma_semaphore, #tpu.memory_space<semaphore_mem>>
          %dma_start3A_72 = arith.constant 0 : i32
          %dma_start3A_73 = tpu.memref_slice %arg9[%run_scoped3A, %dma_start3A_72] : memref<2x128xi32, #tpu.memory_space<vmem>> -> memref<1x128xi32, #tpu.memory_space<vmem>>
          %dma_start3A_74 = tpu.memref_squeeze %dma_start3A_73 : memref<1x128xi32, #tpu.memory_space<vmem>> -> memref<128xi32, #tpu.memory_space<vmem>>
          %dma_start3A_75 = arith.constant 0 : i32
          %dma_start3A_76 = arith.constant 0 : i32
          %dma_start3A_77 = tpu.memref_slice %arg12[%dma_start3A_75, %dma_start3A_76] : memref<10240x128xf32, #tpu.memory_space<vmem_shared>> -> memref<10240x128xf32, #tpu.memory_space<vmem_shared>>
          tpu.enqueue_indirect_dma source(%arg10 : memref<128x128xf32, #tpu.memory_space<vmem>>) target(%dma_start3A_77 : memref<10240x128xf32, #tpu.memory_space<vmem_shared>>) offsets(%dma_start3A_74 : memref<128xi32, #tpu.memory_space<vmem>>) semaphore(%run_scoped3A_71 : memref<!tpu.dma_semaphore, #tpu.memory_space<semaphore_mem>>) {add = true}
          %dma_wait3A_78 = arith.constant 0 : i32
          %dma_wait3A_79 = tpu.memref_slice %arg9[%run_scoped3A, %dma_wait3A_78] : memref<2x128xi32, #tpu.memory_space<vmem>> -> memref<1x128xi32, #tpu.memory_space<vmem>>
          %dma_wait3A_80 = tpu.memref_squeeze %dma_wait3A_79 : memref<1x128xi32, #tpu.memory_space<vmem>> -> memref<128xi32, #tpu.memory_space<vmem>>
          %dma_wait3A_81 = arith.constant 0 : i32
          %dma_wait3A_82 = arith.constant 0 : i32
          %dma_wait3A_83 = tpu.memref_slice %arg12[%dma_wait3A_81, %dma_wait3A_82] : memref<10240x128xf32, #tpu.memory_space<vmem_shared>> -> memref<10240x128xf32, #tpu.memory_space<vmem_shared>>
          tpu.wait_indirect_dma semaphore(%run_scoped3A_71 : memref<!tpu.dma_semaphore, #tpu.memory_space<semaphore_mem>>) src(%arg10 : memref<128x128xf32, #tpu.memory_space<vmem>>) dst(%dma_wait3A_83 : memref<10240x128xf32, #tpu.memory_space<vmem_shared>>)
          tpu.yield
        }) : () -> ()
        %mul3A_57 = arith.constant 10752 : i32
        %mul3A_58 = arith.muli %arg1, %mul3A_57 : i32
        %mul3A_59 = arith.constant 128 : i32
        %mul3A_60 = arith.muli %add3A_39, %mul3A_59 : i32
        %add3A_61 = arith.addi %mul3A_58, %mul3A_60 : i32
        %dma_wait3A_62 = arith.constant 0 : i32
        %dma_wait3A_63 = tpu.memref_slice %arg3[%add3A_61, %dma_wait3A_62] : memref<172032x128xf32, #tpu.memory_space<hbm>> -> memref<128x128xf32, #tpu.memory_space<hbm>>
        %dma_wait3A_64 = arith.constant 0 : i32
        %dma_wait3A_65 = tpu.memref_slice %arg3[%add3A_61, %dma_wait3A_64] : memref<172032x128xf32, #tpu.memory_space<hbm>> -> memref<128x128xf32, #tpu.memory_space<hbm>>
        tpu.wait_dma2 semaphore(%arg14 : memref<!tpu.dma_semaphore, #tpu.memory_space<semaphore_mem>>) src(%dma_wait3A_65 : memref<128x128xf32, #tpu.memory_space<hbm>>) dst(%arg11 : memref<128x128xf32, #tpu.memory_space<vmem>>)
        %lt3A = arith.constant 41 : i32
        %lt3A_66 = arith.cmpi slt, %add3A_35, %lt3A : i32
        %convert_element_type3A_67 = arith.extui %lt3A_66 : i1 to i32
        %cond3A_68 = arith.constant 0 : i32
        %cond3A_69 = arith.cmpi ne, %convert_element_type3A_67, %cond3A_68 : i32
        scf.if %cond3A_69 {
          %add3A_71 = arith.constant 2 : i32
          %add3A_72 = arith.addi %mul3A_37, %add3A_71 : i32
          %mul3A_73 = arith.constant 10752 : i32
          %mul3A_74 = arith.muli %arg1, %mul3A_73 : i32
          %mul3A_75 = arith.constant 128 : i32
          %mul3A_76 = arith.muli %add3A_72, %mul3A_75 : i32
          %add3A_77 = arith.addi %mul3A_74, %mul3A_76 : i32
          %dma_start3A_78 = arith.constant 0 : i32
          %dma_start3A_79 = tpu.memref_slice %arg3[%add3A_77, %dma_start3A_78] : memref<172032x128xf32, #tpu.memory_space<hbm>> -> memref<128x128xf32, #tpu.memory_space<hbm>>
          %dma_start3A_80 = arith.constant 0 : i32
          %dma_start3A_81 = tpu.memref_slice %arg3[%add3A_77, %dma_start3A_80] : memref<172032x128xf32, #tpu.memory_space<hbm>> -> memref<128x128xf32, #tpu.memory_space<hbm>>
          tpu.enqueue_dma source(%dma_start3A_81 : memref<128x128xf32, #tpu.memory_space<hbm>>) target(%arg10 : memref<128x128xf32, #tpu.memory_space<vmem>>) target_semaphore(%arg13 : memref<!tpu.dma_semaphore, #tpu.memory_space<semaphore_mem>>)
        } else {
        }
        %run_scoped3A_70 = arith.constant 1 : i32
        "tpu.region"() ({
          %run_scoped3A_71 = tpu.sem_alloc : memref<!tpu.dma_semaphore, #tpu.memory_space<semaphore_mem>>
          %dma_start3A_72 = arith.constant 0 : i32
          %dma_start3A_73 = tpu.memref_slice %arg9[%run_scoped3A_70, %dma_start3A_72] : memref<2x128xi32, #tpu.memory_space<vmem>> -> memref<1x128xi32, #tpu.memory_space<vmem>>
          %dma_start3A_74 = tpu.memref_squeeze %dma_start3A_73 : memref<1x128xi32, #tpu.memory_space<vmem>> -> memref<128xi32, #tpu.memory_space<vmem>>
          %dma_start3A_75 = arith.constant 0 : i32
          %dma_start3A_76 = arith.constant 0 : i32
          %dma_start3A_77 = tpu.memref_slice %arg12[%dma_start3A_75, %dma_start3A_76] : memref<10240x128xf32, #tpu.memory_space<vmem_shared>> -> memref<10240x128xf32, #tpu.memory_space<vmem_shared>>
          tpu.enqueue_indirect_dma source(%arg11 : memref<128x128xf32, #tpu.memory_space<vmem>>) target(%dma_start3A_77 : memref<10240x128xf32, #tpu.memory_space<vmem_shared>>) offsets(%dma_start3A_74 : memref<128xi32, #tpu.memory_space<vmem>>) semaphore(%run_scoped3A_71 : memref<!tpu.dma_semaphore, #tpu.memory_space<semaphore_mem>>) {add = true}
          %dma_wait3A_78 = arith.constant 0 : i32
          %dma_wait3A_79 = tpu.memref_slice %arg9[%run_scoped3A_70, %dma_wait3A_78] : memref<2x128xi32, #tpu.memory_space<vmem>> -> memref<1x128xi32, #tpu.memory_space<vmem>>
          %dma_wait3A_80 = tpu.memref_squeeze %dma_wait3A_79 : memref<1x128xi32, #tpu.memory_space<vmem>> -> memref<128xi32, #tpu.memory_space<vmem>>
          %dma_wait3A_81 = arith.constant 0 : i32
          %dma_wait3A_82 = arith.constant 0 : i32
          %dma_wait3A_83 = tpu.memref_slice %arg12[%dma_wait3A_81, %dma_wait3A_82] : memref<10240x128xf32, #tpu.memory_space<vmem_shared>> -> memref<10240x128xf32, #tpu.memory_space<vmem_shared>>
          tpu.wait_indirect_dma semaphore(%run_scoped3A_71 : memref<!tpu.dma_semaphore, #tpu.memory_space<semaphore_mem>>) src(%arg11 : memref<128x128xf32, #tpu.memory_space<vmem>>) dst(%dma_wait3A_83 : memref<10240x128xf32, #tpu.memory_space<vmem_shared>>)
          tpu.yield
        }) : () -> ()
      }
      %scan3A_25 = arith.constant 42 : i32
      %barrier3A_26 = arith.constant 0 : index
      tpu.barrier barrier_id(%barrier3A_26)
      %mul3A_27 = arith.constant 640 : i32
      %mul3A_28 = arith.muli %arg1, %mul3A_27 : i32
      %mul3A_29 = arith.constant 640 : i32
      %mul3A_30 = arith.muli %arg1, %mul3A_29 : i32
      "tpu.region"() ({
        %run_scoped3A = tpu.sem_alloc : memref<!tpu.dma_semaphore, #tpu.memory_space<semaphore_mem>>
        %dma_start3A_31 = arith.constant 0 : i32
        %dma_start3A_32 = tpu.memref_slice %arg8[%mul3A_30, %dma_start3A_31] : memref<10240x128xf32, #tpu.memory_space<hbm>> -> memref<640x128xf32, #tpu.memory_space<hbm>>
        %dma_start3A_33 = arith.constant 0 : i32
        %dma_start3A_34 = tpu.memref_slice %arg12[%mul3A_28, %dma_start3A_33] : memref<10240x128xf32, #tpu.memory_space<vmem_shared>> -> memref<640x128xf32, #tpu.memory_space<vmem_shared>>
        tpu.enqueue_dma source(%dma_start3A_34 : memref<640x128xf32, #tpu.memory_space<vmem_shared>>) target(%dma_start3A_32 : memref<640x128xf32, #tpu.memory_space<hbm>>) target_semaphore(%run_scoped3A : memref<!tpu.dma_semaphore, #tpu.memory_space<semaphore_mem>>)
        %dma_wait3A = arith.constant 0 : i32
        %dma_wait3A_35 = tpu.memref_slice %arg8[%mul3A_30, %dma_wait3A] : memref<10240x128xf32, #tpu.memory_space<hbm>> -> memref<640x128xf32, #tpu.memory_space<hbm>>
        %dma_wait3A_36 = arith.constant 0 : i32
        %dma_wait3A_37 = tpu.memref_slice %arg12[%mul3A_28, %dma_wait3A_36] : memref<10240x128xf32, #tpu.memory_space<vmem_shared>> -> memref<640x128xf32, #tpu.memory_space<vmem_shared>>
        tpu.wait_dma2 semaphore(%run_scoped3A : memref<!tpu.dma_semaphore, #tpu.memory_space<semaphore_mem>>) src(%dma_wait3A_37 : memref<640x128xf32, #tpu.memory_space<vmem_shared>>) dst(%dma_wait3A_35 : memref<640x128xf32, #tpu.memory_space<hbm>>)
        tpu.yield
      }) : () -> ()
    } else {
    }
    return
  }
}

#map = affine_map<(d0, d1) -> (0, 0)>
#map1 = affine_map<(d0, d1) -> (0, 0, 0)>
module attributes {stable_mosaic.version = 14 : i64} {
  func.func @k2(%arg0: i32, %arg1: i32, %arg2: memref<10000x256xi32, #tpu.memory_space<hbm>>, %arg3: memref<10000x128xi32, #tpu.memory_space<hbm>>, %arg4: memref<32x108x96xi32, #tpu.memory_space<hbm>>, %arg5: memref<32x108x96xi32, #tpu.memory_space<hbm>>, %arg6: memref<331776x256xi32, #tpu.memory_space<hbm>>, %arg7: memref<331776x128xi32, #tpu.memory_space<hbm>>, %arg8: memref<108x96xi32, #tpu.memory_space<vmem>>, %arg9: memref<108x96xi32, #tpu.memory_space<vmem>>, %arg10: memref<96x256xi32, #tpu.memory_space<vmem>>, %arg11: memref<96x256xi32, #tpu.memory_space<vmem>>, %arg12: memref<96x128xi32, #tpu.memory_space<vmem>>, %arg13: memref<96x128xi32, #tpu.memory_space<vmem>>, %arg14: memref<!tpu.dma_semaphore, #tpu.memory_space<semaphore_mem>>, %arg15: memref<!tpu.dma_semaphore, #tpu.memory_space<semaphore_mem>>, %arg16: memref<!tpu.dma_semaphore, #tpu.memory_space<semaphore_mem>>, %arg17: memref<!tpu.dma_semaphore, #tpu.memory_space<semaphore_mem>>) attributes {dimension_semantics = [#tpu.dimension_semantics<core_parallel>, #tpu.dimension_semantics<subcore_parallel>], iteration_bounds = array<i64: 2, 16>, scalar_prefetch = 0 : i64, scratch_operands = 10 : i64, tpu.core_type = #tpu.core_type<sc_vector_subcore>, window_params = [{transform_indices = #map}, {transform_indices = #map}, {transform_indices = #map1}, {transform_indices = #map1}, {transform_indices = #map}, {transform_indices = #map}]} {
    %mul3A = arith.constant 2 : i32
    %mul3A_0 = arith.muli %arg1, %mul3A : i32
    %add3A = arith.addi %mul3A_0, %arg0 : i32
    %mul3A_1 = arith.constant 10368 : i32
    %mul3A_2 = arith.muli %add3A, %mul3A_1 : i32
    "tpu.region"() ({
      %run_scoped3A = tpu.sem_alloc : memref<!tpu.dma_semaphore, #tpu.memory_space<semaphore_mem>>
      %dma_start3A_29 = arith.constant 0 : i32
      %dma_start3A_30 = arith.constant 0 : i32
      %dma_start3A_31 = tpu.memref_slice %arg4[%add3A, %dma_start3A_29, %dma_start3A_30] : memref<32x108x96xi32, #tpu.memory_space<hbm>> -> memref<1x108x96xi32, #tpu.memory_space<hbm>>
      %dma_start3A_32 = tpu.memref_squeeze %dma_start3A_31 : memref<1x108x96xi32, #tpu.memory_space<hbm>> -> memref<108x96xi32, #tpu.memory_space<hbm>>
      %dma_start3A_33 = arith.constant 0 : i32
      %dma_start3A_34 = arith.constant 0 : i32
      %dma_start3A_35 = tpu.memref_slice %arg4[%add3A, %dma_start3A_33, %dma_start3A_34] : memref<32x108x96xi32, #tpu.memory_space<hbm>> -> memref<1x108x96xi32, #tpu.memory_space<hbm>>
      %dma_start3A_36 = tpu.memref_squeeze %dma_start3A_35 : memref<1x108x96xi32, #tpu.memory_space<hbm>> -> memref<108x96xi32, #tpu.memory_space<hbm>>
      tpu.enqueue_dma source(%dma_start3A_36 : memref<108x96xi32, #tpu.memory_space<hbm>>) target(%arg8 : memref<108x96xi32, #tpu.memory_space<vmem>>) target_semaphore(%run_scoped3A : memref<!tpu.dma_semaphore, #tpu.memory_space<semaphore_mem>>)
      %dma_wait3A_37 = arith.constant 0 : i32
      %dma_wait3A_38 = arith.constant 0 : i32
      %dma_wait3A_39 = tpu.memref_slice %arg4[%add3A, %dma_wait3A_37, %dma_wait3A_38] : memref<32x108x96xi32, #tpu.memory_space<hbm>> -> memref<1x108x96xi32, #tpu.memory_space<hbm>>
      %dma_wait3A_40 = tpu.memref_squeeze %dma_wait3A_39 : memref<1x108x96xi32, #tpu.memory_space<hbm>> -> memref<108x96xi32, #tpu.memory_space<hbm>>
      %dma_wait3A_41 = arith.constant 0 : i32
      %dma_wait3A_42 = arith.constant 0 : i32
      %dma_wait3A_43 = tpu.memref_slice %arg4[%add3A, %dma_wait3A_41, %dma_wait3A_42] : memref<32x108x96xi32, #tpu.memory_space<hbm>> -> memref<1x108x96xi32, #tpu.memory_space<hbm>>
      %dma_wait3A_44 = tpu.memref_squeeze %dma_wait3A_43 : memref<1x108x96xi32, #tpu.memory_space<hbm>> -> memref<108x96xi32, #tpu.memory_space<hbm>>
      tpu.wait_dma2 semaphore(%run_scoped3A : memref<!tpu.dma_semaphore, #tpu.memory_space<semaphore_mem>>) src(%dma_wait3A_44 : memref<108x96xi32, #tpu.memory_space<hbm>>) dst(%arg8 : memref<108x96xi32, #tpu.memory_space<vmem>>)
      tpu.yield
    }) : () -> ()
    "tpu.region"() ({
      %run_scoped3A = tpu.sem_alloc : memref<!tpu.dma_semaphore, #tpu.memory_space<semaphore_mem>>
      %dma_start3A_29 = arith.constant 0 : i32
      %dma_start3A_30 = arith.constant 0 : i32
      %dma_start3A_31 = tpu.memref_slice %arg5[%add3A, %dma_start3A_29, %dma_start3A_30] : memref<32x108x96xi32, #tpu.memory_space<hbm>> -> memref<1x108x96xi32, #tpu.memory_space<hbm>>
      %dma_start3A_32 = tpu.memref_squeeze %dma_start3A_31 : memref<1x108x96xi32, #tpu.memory_space<hbm>> -> memref<108x96xi32, #tpu.memory_space<hbm>>
      %dma_start3A_33 = arith.constant 0 : i32
      %dma_start3A_34 = arith.constant 0 : i32
      %dma_start3A_35 = tpu.memref_slice %arg5[%add3A, %dma_start3A_33, %dma_start3A_34] : memref<32x108x96xi32, #tpu.memory_space<hbm>> -> memref<1x108x96xi32, #tpu.memory_space<hbm>>
      %dma_start3A_36 = tpu.memref_squeeze %dma_start3A_35 : memref<1x108x96xi32, #tpu.memory_space<hbm>> -> memref<108x96xi32, #tpu.memory_space<hbm>>
      tpu.enqueue_dma source(%dma_start3A_36 : memref<108x96xi32, #tpu.memory_space<hbm>>) target(%arg9 : memref<108x96xi32, #tpu.memory_space<vmem>>) target_semaphore(%run_scoped3A : memref<!tpu.dma_semaphore, #tpu.memory_space<semaphore_mem>>)
      %dma_wait3A_37 = arith.constant 0 : i32
      %dma_wait3A_38 = arith.constant 0 : i32
      %dma_wait3A_39 = tpu.memref_slice %arg5[%add3A, %dma_wait3A_37, %dma_wait3A_38] : memref<32x108x96xi32, #tpu.memory_space<hbm>> -> memref<1x108x96xi32, #tpu.memory_space<hbm>>
      %dma_wait3A_40 = tpu.memref_squeeze %dma_wait3A_39 : memref<1x108x96xi32, #tpu.memory_space<hbm>> -> memref<108x96xi32, #tpu.memory_space<hbm>>
      %dma_wait3A_41 = arith.constant 0 : i32
      %dma_wait3A_42 = arith.constant 0 : i32
      %dma_wait3A_43 = tpu.memref_slice %arg5[%add3A, %dma_wait3A_41, %dma_wait3A_42] : memref<32x108x96xi32, #tpu.memory_space<hbm>> -> memref<1x108x96xi32, #tpu.memory_space<hbm>>
      %dma_wait3A_44 = tpu.memref_squeeze %dma_wait3A_43 : memref<1x108x96xi32, #tpu.memory_space<hbm>> -> memref<108x96xi32, #tpu.memory_space<hbm>>
      tpu.wait_dma2 semaphore(%run_scoped3A : memref<!tpu.dma_semaphore, #tpu.memory_space<semaphore_mem>>) src(%dma_wait3A_44 : memref<108x96xi32, #tpu.memory_space<hbm>>) dst(%arg9 : memref<108x96xi32, #tpu.memory_space<vmem>>)
      tpu.yield
    }) : () -> ()
    %dma_start3A = arith.constant 0 : i32
    %dma_start3A_3 = arith.constant 0 : i32
    %dma_start3A_4 = tpu.memref_slice %arg8[%dma_start3A, %dma_start3A_3] : memref<108x96xi32, #tpu.memory_space<vmem>> -> memref<1x96xi32, #tpu.memory_space<vmem>>
    %dma_start3A_5 = tpu.memref_squeeze %dma_start3A_4 : memref<1x96xi32, #tpu.memory_space<vmem>> -> memref<96xi32, #tpu.memory_space<vmem>>
    %dma_start3A_6 = arith.constant 0 : i32
    %dma_start3A_7 = arith.constant 0 : i32
    %dma_start3A_8 = tpu.memref_slice %arg2[%dma_start3A_6, %dma_start3A_7] : memref<10000x256xi32, #tpu.memory_space<hbm>> -> memref<10000x256xi32, #tpu.memory_space<hbm>>
    tpu.enqueue_indirect_dma source(%dma_start3A_8 : memref<10000x256xi32, #tpu.memory_space<hbm>>) target(%arg10 : memref<96x256xi32, #tpu.memory_space<vmem>>) offsets(%dma_start3A_5 : memref<96xi32, #tpu.memory_space<vmem>>) semaphore(%arg14 : memref<!tpu.dma_semaphore, #tpu.memory_space<semaphore_mem>>)
    %dma_start3A_9 = arith.constant 0 : i32
    %dma_start3A_10 = arith.constant 0 : i32
    %dma_start3A_11 = tpu.memref_slice %arg9[%dma_start3A_9, %dma_start3A_10] : memref<108x96xi32, #tpu.memory_space<vmem>> -> memref<1x96xi32, #tpu.memory_space<vmem>>
    %dma_start3A_12 = tpu.memref_squeeze %dma_start3A_11 : memref<1x96xi32, #tpu.memory_space<vmem>> -> memref<96xi32, #tpu.memory_space<vmem>>
    %dma_start3A_13 = arith.constant 0 : i32
    %dma_start3A_14 = arith.constant 0 : i32
    %dma_start3A_15 = tpu.memref_slice %arg3[%dma_start3A_13, %dma_start3A_14] : memref<10000x128xi32, #tpu.memory_space<hbm>> -> memref<10000x128xi32, #tpu.memory_space<hbm>>
    tpu.enqueue_indirect_dma source(%dma_start3A_15 : memref<10000x128xi32, #tpu.memory_space<hbm>>) target(%arg12 : memref<96x128xi32, #tpu.memory_space<vmem>>) offsets(%dma_start3A_12 : memref<96xi32, #tpu.memory_space<vmem>>) semaphore(%arg14 : memref<!tpu.dma_semaphore, #tpu.memory_space<semaphore_mem>>)
    %scan3A = arith.constant 0 : i32
    %scan3A_16 = arith.constant 54 : i32
    %scan3A_17 = arith.addi %scan3A, %scan3A_16 : i32
    %scan3A_18 = arith.constant 1 : i32
    scf.for %scan3A_29 = %scan3A to %scan3A_17 step %scan3A_18  : i32 {
      %mul3A_30 = arith.constant 1 : i32
      %mul3A_31 = arith.muli %scan3A_29, %mul3A_30 : i32
      %add3A_32 = arith.constant 0 : i32
      %add3A_33 = arith.addi %add3A_32, %mul3A_31 : i32
      %mul3A_34 = arith.constant 2 : i32
      %mul3A_35 = arith.muli %mul3A_34, %add3A_33 : i32
      %add3A_36 = arith.constant 1 : i32
      %add3A_37 = arith.addi %mul3A_35, %add3A_36 : i32
      %dma_wait3A_38 = arith.constant 0 : i32
      %dma_wait3A_39 = tpu.memref_slice %arg8[%mul3A_35, %dma_wait3A_38] : memref<108x96xi32, #tpu.memory_space<vmem>> -> memref<1x96xi32, #tpu.memory_space<vmem>>
      %dma_wait3A_40 = tpu.memref_squeeze %dma_wait3A_39 : memref<1x96xi32, #tpu.memory_space<vmem>> -> memref<96xi32, #tpu.memory_space<vmem>>
      %dma_wait3A_41 = arith.constant 0 : i32
      %dma_wait3A_42 = arith.constant 0 : i32
      %dma_wait3A_43 = tpu.memref_slice %arg2[%dma_wait3A_41, %dma_wait3A_42] : memref<10000x256xi32, #tpu.memory_space<hbm>> -> memref<10000x256xi32, #tpu.memory_space<hbm>>
      tpu.wait_indirect_dma semaphore(%arg14 : memref<!tpu.dma_semaphore, #tpu.memory_space<semaphore_mem>>) src(%dma_wait3A_43 : memref<10000x256xi32, #tpu.memory_space<hbm>>) dst(%arg10 : memref<96x256xi32, #tpu.memory_space<vmem>>)
      %dma_wait3A_44 = arith.constant 0 : i32
      %dma_wait3A_45 = tpu.memref_slice %arg9[%mul3A_35, %dma_wait3A_44] : memref<108x96xi32, #tpu.memory_space<vmem>> -> memref<1x96xi32, #tpu.memory_space<vmem>>
      %dma_wait3A_46 = tpu.memref_squeeze %dma_wait3A_45 : memref<1x96xi32, #tpu.memory_space<vmem>> -> memref<96xi32, #tpu.memory_space<vmem>>
      %dma_wait3A_47 = arith.constant 0 : i32
      %dma_wait3A_48 = arith.constant 0 : i32
      %dma_wait3A_49 = tpu.memref_slice %arg3[%dma_wait3A_47, %dma_wait3A_48] : memref<10000x128xi32, #tpu.memory_space<hbm>> -> memref<10000x128xi32, #tpu.memory_space<hbm>>
      tpu.wait_indirect_dma semaphore(%arg14 : memref<!tpu.dma_semaphore, #tpu.memory_space<semaphore_mem>>) src(%dma_wait3A_49 : memref<10000x128xi32, #tpu.memory_space<hbm>>) dst(%arg12 : memref<96x128xi32, #tpu.memory_space<vmem>>)
      %mul3A_50 = arith.constant 96 : i32
      %mul3A_51 = arith.muli %mul3A_35, %mul3A_50 : i32
      %add3A_52 = arith.addi %mul3A_2, %mul3A_51 : i32
      %dma_start3A_53 = arith.constant 0 : i32
      %dma_start3A_54 = tpu.memref_slice %arg6[%add3A_52, %dma_start3A_53] : memref<331776x256xi32, #tpu.memory_space<hbm>> -> memref<96x256xi32, #tpu.memory_space<hbm>>
      %dma_start3A_55 = arith.constant 0 : i32
      %dma_start3A_56 = tpu.memref_slice %arg6[%add3A_52, %dma_start3A_55] : memref<331776x256xi32, #tpu.memory_space<hbm>> -> memref<96x256xi32, #tpu.memory_space<hbm>>
      tpu.enqueue_dma source(%arg10 : memref<96x256xi32, #tpu.memory_space<vmem>>) target(%dma_start3A_56 : memref<96x256xi32, #tpu.memory_space<hbm>>) target_semaphore(%arg16 : memref<!tpu.dma_semaphore, #tpu.memory_space<semaphore_mem>>)
      %dma_start3A_57 = arith.constant 0 : i32
      %dma_start3A_58 = tpu.memref_slice %arg7[%add3A_52, %dma_start3A_57] : memref<331776x128xi32, #tpu.memory_space<hbm>> -> memref<96x128xi32, #tpu.memory_space<hbm>>
      %dma_start3A_59 = arith.constant 0 : i32
      %dma_start3A_60 = tpu.memref_slice %arg7[%add3A_52, %dma_start3A_59] : memref<331776x128xi32, #tpu.memory_space<hbm>> -> memref<96x128xi32, #tpu.memory_space<hbm>>
      tpu.enqueue_dma source(%arg12 : memref<96x128xi32, #tpu.memory_space<vmem>>) target(%dma_start3A_60 : memref<96x128xi32, #tpu.memory_space<hbm>>) target_semaphore(%arg16 : memref<!tpu.dma_semaphore, #tpu.memory_space<semaphore_mem>>)
      %gt3A = arith.constant 0 : i32
      %gt3A_61 = arith.cmpi sgt, %add3A_33, %gt3A : i32
      %convert_element_type3A = arith.extui %gt3A_61 : i1 to i32
      %cond3A = arith.constant 0 : i32
      %cond3A_62 = arith.cmpi ne, %convert_element_type3A, %cond3A : i32
      scf.if %cond3A_62 {
        %sub3A = arith.constant 1 : i32
        %sub3A_113 = arith.subi %mul3A_35, %sub3A : i32
        %mul3A_114 = arith.constant 96 : i32
        %mul3A_115 = arith.muli %sub3A_113, %mul3A_114 : i32
        %add3A_116 = arith.addi %mul3A_2, %mul3A_115 : i32
        %dma_wait3A_117 = arith.constant 0 : i32
        %dma_wait3A_118 = tpu.memref_slice %arg6[%add3A_116, %dma_wait3A_117] : memref<331776x256xi32, #tpu.memory_space<hbm>> -> memref<96x256xi32, #tpu.memory_space<hbm>>
        %dma_wait3A_119 = arith.constant 0 : i32
        %dma_wait3A_120 = tpu.memref_slice %arg6[%add3A_116, %dma_wait3A_119] : memref<331776x256xi32, #tpu.memory_space<hbm>> -> memref<96x256xi32, #tpu.memory_space<hbm>>
        tpu.wait_dma2 semaphore(%arg17 : memref<!tpu.dma_semaphore, #tpu.memory_space<semaphore_mem>>) src(%arg11 : memref<96x256xi32, #tpu.memory_space<vmem>>) dst(%dma_wait3A_120 : memref<96x256xi32, #tpu.memory_space<hbm>>)
        %dma_wait3A_121 = arith.constant 0 : i32
        %dma_wait3A_122 = tpu.memref_slice %arg7[%add3A_116, %dma_wait3A_121] : memref<331776x128xi32, #tpu.memory_space<hbm>> -> memref<96x128xi32, #tpu.memory_space<hbm>>
        %dma_wait3A_123 = arith.constant 0 : i32
        %dma_wait3A_124 = tpu.memref_slice %arg7[%add3A_116, %dma_wait3A_123] : memref<331776x128xi32, #tpu.memory_space<hbm>> -> memref<96x128xi32, #tpu.memory_space<hbm>>
        tpu.wait_dma2 semaphore(%arg17 : memref<!tpu.dma_semaphore, #tpu.memory_space<semaphore_mem>>) src(%arg13 : memref<96x128xi32, #tpu.memory_space<vmem>>) dst(%dma_wait3A_124 : memref<96x128xi32, #tpu.memory_space<hbm>>)
      } else {
      }
      %dma_start3A_63 = arith.constant 0 : i32
      %dma_start3A_64 = tpu.memref_slice %arg8[%add3A_37, %dma_start3A_63] : memref<108x96xi32, #tpu.memory_space<vmem>> -> memref<1x96xi32, #tpu.memory_space<vmem>>
      %dma_start3A_65 = tpu.memref_squeeze %dma_start3A_64 : memref<1x96xi32, #tpu.memory_space<vmem>> -> memref<96xi32, #tpu.memory_space<vmem>>
      %dma_start3A_66 = arith.constant 0 : i32
      %dma_start3A_67 = arith.constant 0 : i32
      %dma_start3A_68 = tpu.memref_slice %arg2[%dma_start3A_66, %dma_start3A_67] : memref<10000x256xi32, #tpu.memory_space<hbm>> -> memref<10000x256xi32, #tpu.memory_space<hbm>>
      tpu.enqueue_indirect_dma source(%dma_start3A_68 : memref<10000x256xi32, #tpu.memory_space<hbm>>) target(%arg11 : memref<96x256xi32, #tpu.memory_space<vmem>>) offsets(%dma_start3A_65 : memref<96xi32, #tpu.memory_space<vmem>>) semaphore(%arg15 : memref<!tpu.dma_semaphore, #tpu.memory_space<semaphore_mem>>)
      %dma_start3A_69 = arith.constant 0 : i32
      %dma_start3A_70 = tpu.memref_slice %arg9[%add3A_37, %dma_start3A_69] : memref<108x96xi32, #tpu.memory_space<vmem>> -> memref<1x96xi32, #tpu.memory_space<vmem>>
      %dma_start3A_71 = tpu.memref_squeeze %dma_start3A_70 : memref<1x96xi32, #tpu.memory_space<vmem>> -> memref<96xi32, #tpu.memory_space<vmem>>
      %dma_start3A_72 = arith.constant 0 : i32
      %dma_start3A_73 = arith.constant 0 : i32
      %dma_start3A_74 = tpu.memref_slice %arg3[%dma_start3A_72, %dma_start3A_73] : memref<10000x128xi32, #tpu.memory_space<hbm>> -> memref<10000x128xi32, #tpu.memory_space<hbm>>
      tpu.enqueue_indirect_dma source(%dma_start3A_74 : memref<10000x128xi32, #tpu.memory_space<hbm>>) target(%arg13 : memref<96x128xi32, #tpu.memory_space<vmem>>) offsets(%dma_start3A_71 : memref<96xi32, #tpu.memory_space<vmem>>) semaphore(%arg15 : memref<!tpu.dma_semaphore, #tpu.memory_space<semaphore_mem>>)
      %mul3A_75 = arith.constant 96 : i32
      %mul3A_76 = arith.muli %mul3A_35, %mul3A_75 : i32
      %add3A_77 = arith.addi %mul3A_2, %mul3A_76 : i32
      %dma_wait3A_78 = arith.constant 0 : i32
      %dma_wait3A_79 = tpu.memref_slice %arg6[%add3A_77, %dma_wait3A_78] : memref<331776x256xi32, #tpu.memory_space<hbm>> -> memref<96x256xi32, #tpu.memory_space<hbm>>
      %dma_wait3A_80 = arith.constant 0 : i32
      %dma_wait3A_81 = tpu.memref_slice %arg6[%add3A_77, %dma_wait3A_80] : memref<331776x256xi32, #tpu.memory_space<hbm>> -> memref<96x256xi32, #tpu.memory_space<hbm>>
      tpu.wait_dma2 semaphore(%arg16 : memref<!tpu.dma_semaphore, #tpu.memory_space<semaphore_mem>>) src(%arg10 : memref<96x256xi32, #tpu.memory_space<vmem>>) dst(%dma_wait3A_81 : memref<96x256xi32, #tpu.memory_space<hbm>>)
      %dma_wait3A_82 = arith.constant 0 : i32
      %dma_wait3A_83 = tpu.memref_slice %arg7[%add3A_77, %dma_wait3A_82] : memref<331776x128xi32, #tpu.memory_space<hbm>> -> memref<96x128xi32, #tpu.memory_space<hbm>>
      %dma_wait3A_84 = arith.constant 0 : i32
      %dma_wait3A_85 = tpu.memref_slice %arg7[%add3A_77, %dma_wait3A_84] : memref<331776x128xi32, #tpu.memory_space<hbm>> -> memref<96x128xi32, #tpu.memory_space<hbm>>
      tpu.wait_dma2 semaphore(%arg16 : memref<!tpu.dma_semaphore, #tpu.memory_space<semaphore_mem>>) src(%arg12 : memref<96x128xi32, #tpu.memory_space<vmem>>) dst(%dma_wait3A_85 : memref<96x128xi32, #tpu.memory_space<hbm>>)
      %lt3A = arith.constant 53 : i32
      %lt3A_86 = arith.cmpi slt, %add3A_33, %lt3A : i32
      %convert_element_type3A_87 = arith.extui %lt3A_86 : i1 to i32
      %cond3A_88 = arith.constant 0 : i32
      %cond3A_89 = arith.cmpi ne, %convert_element_type3A_87, %cond3A_88 : i32
      scf.if %cond3A_89 {
        %add3A_113 = arith.constant 2 : i32
        %add3A_114 = arith.addi %mul3A_35, %add3A_113 : i32
        %dma_start3A_115 = arith.constant 0 : i32
        %dma_start3A_116 = tpu.memref_slice %arg8[%add3A_114, %dma_start3A_115] : memref<108x96xi32, #tpu.memory_space<vmem>> -> memref<1x96xi32, #tpu.memory_space<vmem>>
        %dma_start3A_117 = tpu.memref_squeeze %dma_start3A_116 : memref<1x96xi32, #tpu.memory_space<vmem>> -> memref<96xi32, #tpu.memory_space<vmem>>
        %dma_start3A_118 = arith.constant 0 : i32
        %dma_start3A_119 = arith.constant 0 : i32
        %dma_start3A_120 = tpu.memref_slice %arg2[%dma_start3A_118, %dma_start3A_119] : memref<10000x256xi32, #tpu.memory_space<hbm>> -> memref<10000x256xi32, #tpu.memory_space<hbm>>
        tpu.enqueue_indirect_dma source(%dma_start3A_120 : memref<10000x256xi32, #tpu.memory_space<hbm>>) target(%arg10 : memref<96x256xi32, #tpu.memory_space<vmem>>) offsets(%dma_start3A_117 : memref<96xi32, #tpu.memory_space<vmem>>) semaphore(%arg14 : memref<!tpu.dma_semaphore, #tpu.memory_space<semaphore_mem>>)
        %dma_start3A_121 = arith.constant 0 : i32
        %dma_start3A_122 = tpu.memref_slice %arg9[%add3A_114, %dma_start3A_121] : memref<108x96xi32, #tpu.memory_space<vmem>> -> memref<1x96xi32, #tpu.memory_space<vmem>>
        %dma_start3A_123 = tpu.memref_squeeze %dma_start3A_122 : memref<1x96xi32, #tpu.memory_space<vmem>> -> memref<96xi32, #tpu.memory_space<vmem>>
        %dma_start3A_124 = arith.constant 0 : i32
        %dma_start3A_125 = arith.constant 0 : i32
        %dma_start3A_126 = tpu.memref_slice %arg3[%dma_start3A_124, %dma_start3A_125] : memref<10000x128xi32, #tpu.memory_space<hbm>> -> memref<10000x128xi32, #tpu.memory_space<hbm>>
        tpu.enqueue_indirect_dma source(%dma_start3A_126 : memref<10000x128xi32, #tpu.memory_space<hbm>>) target(%arg12 : memref<96x128xi32, #tpu.memory_space<vmem>>) offsets(%dma_start3A_123 : memref<96xi32, #tpu.memory_space<vmem>>) semaphore(%arg14 : memref<!tpu.dma_semaphore, #tpu.memory_space<semaphore_mem>>)
      } else {
      }
      %dma_wait3A_90 = arith.constant 0 : i32
      %dma_wait3A_91 = tpu.memref_slice %arg8[%add3A_37, %dma_wait3A_90] : memref<108x96xi32, #tpu.memory_space<vmem>> -> memref<1x96xi32, #tpu.memory_space<vmem>>
      %dma_wait3A_92 = tpu.memref_squeeze %dma_wait3A_91 : memref<1x96xi32, #tpu.memory_space<vmem>> -> memref<96xi32, #tpu.memory_space<vmem>>
      %dma_wait3A_93 = arith.constant 0 : i32
      %dma_wait3A_94 = arith.constant 0 : i32
      %dma_wait3A_95 = tpu.memref_slice %arg2[%dma_wait3A_93, %dma_wait3A_94] : memref<10000x256xi32, #tpu.memory_space<hbm>> -> memref<10000x256xi32, #tpu.memory_space<hbm>>
      tpu.wait_indirect_dma semaphore(%arg15 : memref<!tpu.dma_semaphore, #tpu.memory_space<semaphore_mem>>) src(%dma_wait3A_95 : memref<10000x256xi32, #tpu.memory_space<hbm>>) dst(%arg11 : memref<96x256xi32, #tpu.memory_space<vmem>>)
      %dma_wait3A_96 = arith.constant 0 : i32
      %dma_wait3A_97 = tpu.memref_slice %arg9[%add3A_37, %dma_wait3A_96] : memref<108x96xi32, #tpu.memory_space<vmem>> -> memref<1x96xi32, #tpu.memory_space<vmem>>
      %dma_wait3A_98 = tpu.memref_squeeze %dma_wait3A_97 : memref<1x96xi32, #tpu.memory_space<vmem>> -> memref<96xi32, #tpu.memory_space<vmem>>
      %dma_wait3A_99 = arith.constant 0 : i32
      %dma_wait3A_100 = arith.constant 0 : i32
      %dma_wait3A_101 = tpu.memref_slice %arg3[%dma_wait3A_99, %dma_wait3A_100] : memref<10000x128xi32, #tpu.memory_space<hbm>> -> memref<10000x128xi32, #tpu.memory_space<hbm>>
      tpu.wait_indirect_dma semaphore(%arg15 : memref<!tpu.dma_semaphore, #tpu.memory_space<semaphore_mem>>) src(%dma_wait3A_101 : memref<10000x128xi32, #tpu.memory_space<hbm>>) dst(%arg13 : memref<96x128xi32, #tpu.memory_space<vmem>>)
      %mul3A_102 = arith.constant 96 : i32
      %mul3A_103 = arith.muli %add3A_37, %mul3A_102 : i32
      %add3A_104 = arith.addi %mul3A_2, %mul3A_103 : i32
      %dma_start3A_105 = arith.constant 0 : i32
      %dma_start3A_106 = tpu.memref_slice %arg6[%add3A_104, %dma_start3A_105] : memref<331776x256xi32, #tpu.memory_space<hbm>> -> memref<96x256xi32, #tpu.memory_space<hbm>>
      %dma_start3A_107 = arith.constant 0 : i32
      %dma_start3A_108 = tpu.memref_slice %arg6[%add3A_104, %dma_start3A_107] : memref<331776x256xi32, #tpu.memory_space<hbm>> -> memref<96x256xi32, #tpu.memory_space<hbm>>
      tpu.enqueue_dma source(%arg11 : memref<96x256xi32, #tpu.memory_space<vmem>>) target(%dma_start3A_108 : memref<96x256xi32, #tpu.memory_space<hbm>>) target_semaphore(%arg17 : memref<!tpu.dma_semaphore, #tpu.memory_space<semaphore_mem>>)
      %dma_start3A_109 = arith.constant 0 : i32
      %dma_start3A_110 = tpu.memref_slice %arg7[%add3A_104, %dma_start3A_109] : memref<331776x128xi32, #tpu.memory_space<hbm>> -> memref<96x128xi32, #tpu.memory_space<hbm>>
      %dma_start3A_111 = arith.constant 0 : i32
      %dma_start3A_112 = tpu.memref_slice %arg7[%add3A_104, %dma_start3A_111] : memref<331776x128xi32, #tpu.memory_space<hbm>> -> memref<96x128xi32, #tpu.memory_space<hbm>>
      tpu.enqueue_dma source(%arg13 : memref<96x128xi32, #tpu.memory_space<vmem>>) target(%dma_start3A_112 : memref<96x128xi32, #tpu.memory_space<hbm>>) target_semaphore(%arg17 : memref<!tpu.dma_semaphore, #tpu.memory_space<semaphore_mem>>)
    }
    %scan3A_19 = arith.constant 54 : i32
    %add3A_20 = arith.constant 10272 : i32
    %add3A_21 = arith.addi %mul3A_2, %add3A_20 : i32
    %dma_wait3A = arith.constant 0 : i32
    %dma_wait3A_22 = tpu.memref_slice %arg6[%add3A_21, %dma_wait3A] : memref<331776x256xi32, #tpu.memory_space<hbm>> -> memref<96x256xi32, #tpu.memory_space<hbm>>
    %dma_wait3A_23 = arith.constant 0 : i32
    %dma_wait3A_24 = tpu.memref_slice %arg6[%add3A_21, %dma_wait3A_23] : memref<331776x256xi32, #tpu.memory_space<hbm>> -> memref<96x256xi32, #tpu.memory_space<hbm>>
    tpu.wait_dma2 semaphore(%arg17 : memref<!tpu.dma_semaphore, #tpu.memory_space<semaphore_mem>>) src(%arg11 : memref<96x256xi32, #tpu.memory_space<vmem>>) dst(%dma_wait3A_24 : memref<96x256xi32, #tpu.memory_space<hbm>>)
    %dma_wait3A_25 = arith.constant 0 : i32
    %dma_wait3A_26 = tpu.memref_slice %arg7[%add3A_21, %dma_wait3A_25] : memref<331776x128xi32, #tpu.memory_space<hbm>> -> memref<96x128xi32, #tpu.memory_space<hbm>>
    %dma_wait3A_27 = arith.constant 0 : i32
    %dma_wait3A_28 = tpu.memref_slice %arg7[%add3A_21, %dma_wait3A_27] : memref<331776x128xi32, #tpu.memory_space<hbm>> -> memref<96x128xi32, #tpu.memory_space<hbm>>
    tpu.wait_dma2 semaphore(%arg17 : memref<!tpu.dma_semaphore, #tpu.memory_space<semaphore_mem>>) src(%arg13 : memref<96x128xi32, #tpu.memory_space<vmem>>) dst(%dma_wait3A_28 : memref<96x128xi32, #tpu.memory_space<hbm>>)
    return
  }
}

module attributes {stable_mosaic.version = 14 : i64} {
  func.func @_k1_body(%arg0: memref<10000x128xf32, #tpu.memory_space<vmem>>, %arg1: memref<128x128xf32, #tpu.memory_space<vmem>>, %arg2: memref<128x128xf32, #tpu.memory_space<vmem>>, %arg3: memref<128x128xf32, #tpu.memory_space<vmem>>, %arg4: memref<10000x128xf32, #tpu.memory_space<vmem>>, %arg5: memref<10000x128xf32, #tpu.memory_space<vmem>>, %arg6: memref<10000x128xf32, #tpu.memory_space<vmem>>) attributes {dimension_semantics = [], scalar_prefetch = 0 : i64, scratch_operands = 0 : i64, tpu.core_type = #tpu.core_type<tc>} {
    %get3A = arith.constant 0 : index
    %get3A_0 = arith.constant 0 : index
    %get3A_1 = vector.load %arg0[%get3A, %get3A_0] : memref<10000x128xf32, #tpu.memory_space<vmem>>, vector<10000x128xf32>
    %get3A_2 = arith.constant 0 : index
    %get3A_3 = arith.constant 0 : index
    %get3A_4 = vector.load %arg1[%get3A_2, %get3A_3] : memref<128x128xf32, #tpu.memory_space<vmem>>, vector<128x128xf32>
    %dot_general3A = arith.constant dense<0.000000e+00> : vector<10000x128xf32>
    %dot_general3A_5 = tpu.matmul %get3A_1, %get3A_4, %dot_general3A {dimension_numbers = #tpu.dot_dimension_numbers<[1], [0], [0], [1], [0, 0, 1, 1], [], []>, transpose_lhs_hint = false} : vector<10000x128xf32>, vector<128x128xf32>, vector<10000x128xf32> -> vector<10000x128xf32>
    %swap3A = arith.constant 0 : index
    %swap3A_6 = arith.constant 0 : index
    %swap3A_7 = vector.load %arg4[%swap3A, %swap3A_6] : memref<10000x128xf32, #tpu.memory_space<vmem>>, vector<10000x128xf32>
    tpu.vector_store %arg4[%swap3A, %swap3A_6], %dot_general3A_5 {strides = array<i32>} : memref<10000x128xf32, #tpu.memory_space<vmem>>, vector<10000x128xf32>,
    %get3A_8 = arith.constant 0 : index
    %get3A_9 = arith.constant 0 : index
    %get3A_10 = vector.load %arg2[%get3A_8, %get3A_9] : memref<128x128xf32, #tpu.memory_space<vmem>>, vector<128x128xf32>
    %dot_general3A_11 = arith.constant dense<0.000000e+00> : vector<10000x128xf32>
    %dot_general3A_12 = tpu.matmul %get3A_1, %get3A_10, %dot_general3A_11 {dimension_numbers = #tpu.dot_dimension_numbers<[1], [0], [0], [1], [0, 0, 1, 1], [], []>, transpose_lhs_hint = false} : vector<10000x128xf32>, vector<128x128xf32>, vector<10000x128xf32> -> vector<10000x128xf32>
    %swap3A_13 = arith.constant 0 : index
    %swap3A_14 = arith.constant 0 : index
    %swap3A_15 = vector.load %arg5[%swap3A_13, %swap3A_14] : memref<10000x128xf32, #tpu.memory_space<vmem>>, vector<10000x128xf32>
    tpu.vector_store %arg5[%swap3A_13, %swap3A_14], %dot_general3A_12 {strides = array<i32>} : memref<10000x128xf32, #tpu.memory_space<vmem>>, vector<10000x128xf32>,
    %get3A_16 = arith.constant 0 : index
    %get3A_17 = arith.constant 0 : index
    %get3A_18 = vector.load %arg3[%get3A_16, %get3A_17] : memref<128x128xf32, #tpu.memory_space<vmem>>, vector<128x128xf32>
    %dot_general3A_19 = arith.constant dense<0.000000e+00> : vector<10000x128xf32>
    %dot_general3A_20 = tpu.matmul %get3A_1, %get3A_18, %dot_general3A_19 {dimension_numbers = #tpu.dot_dimension_numbers<[1], [0], [0], [1], [0, 0, 1, 1], [], []>, transpose_lhs_hint = false} : vector<10000x128xf32>, vector<128x128xf32>, vector<10000x128xf32> -> vector<10000x128xf32>
    %swap3A_21 = arith.constant 0 : index
    %swap3A_22 = arith.constant 0 : index
    %swap3A_23 = vector.load %arg6[%swap3A_21, %swap3A_22] : memref<10000x128xf32, #tpu.memory_space<vmem>>, vector<10000x128xf32>
    tpu.vector_store %arg6[%swap3A_21, %swap3A_22], %dot_general3A_20 {strides = array<i32>} : memref<10000x128xf32, #tpu.memory_space<vmem>>, vector<10000x128xf32>,
    return
  }
}

module attributes {stable_mosaic.version = 14 : i64} {
  func.func @_k3_body(%arg0: i32, %arg1: memref<4096x128xi32, #tpu.memory_space<vmem>>, %arg2: memref<4096x128xi32, #tpu.memory_space<vmem>>, %arg3: memref<8x512xi32, #tpu.memory_space<vmem>>, %arg4: memref<8x512xi32, #tpu.memory_space<vmem>>, %arg5: memref<128x256xbf16, #tpu.memory_space<vmem>>, %arg6: memref<1x256xf32, #tpu.memory_space<vmem>>, %arg7: memref<8x256xf32, #tpu.memory_space<vmem>>, %arg8: memref<8x256xf32, #tpu.memory_space<vmem>>, %arg9: memref<1xf32, #tpu.memory_space<smem>>) attributes {dimension_semantics = [#tpu.dimension_semantics<arbitrary>], iteration_bounds = array<i64: 81>, scalar_prefetch = 0 : i64, scratch_operands = 2 : i64, tpu.core_type = #tpu.core_type<tc>, window_params = [{transform_indices = @transform_0, window_bounds = array<i64: 4096, 128>}, {transform_indices = @transform_1, window_bounds = array<i64: 4096, 128>}, {transform_indices = @transform_2, window_bounds = array<i64: 8, 512>}, {transform_indices = @transform_3, window_bounds = array<i64: 8, 512>}, {pipeline_mode = #tpu.pipeline_mode<synchronous>, transform_indices = @transform_4, window_bounds = array<i64: 128, 256>}, {pipeline_mode = #tpu.pipeline_mode<synchronous>, transform_indices = @transform_5, window_bounds = array<i64: 1, 256>}, {pipeline_mode = #tpu.pipeline_mode<synchronous>, transform_indices = @transform_6, window_bounds = array<i64: 8, 256>}]} {
    %eq3A = arith.constant 0 : i32
    %eq3A_0 = arith.cmpi eq, %arg0, %eq3A : i32
    %convert_element_type3A = arith.extui %eq3A_0 : i1 to i32
    %cond3A = arith.constant 0 : i32
    %cond3A_1 = arith.cmpi ne, %convert_element_type3A, %cond3A : i32
    scf.if %cond3A_1 {
      %broadcast_in_dim3A_62 = arith.constant 0.000000e+00 : f32
      %broadcast_in_dim3A_63 = vector.broadcast %broadcast_in_dim3A_62 : f32 to vector<8x256xf32>
      %swap3A_64 = arith.constant 0 : index
      %swap3A_65 = arith.constant 0 : index
      %swap3A_66 = vector.load %arg8[%swap3A_64, %swap3A_65] : memref<8x256xf32, #tpu.memory_space<vmem>>, vector<8x256xf32>
      tpu.vector_store %arg8[%swap3A_64, %swap3A_65], %broadcast_in_dim3A_63 {strides = array<i32>} : memref<8x256xf32, #tpu.memory_space<vmem>>, vector<8x256xf32>,
      %swap3A_67 = arith.constant 0.000000e+00 : f32
      %swap3A_68 = arith.constant 0 : index
      %swap3A_69 = memref.load %arg9[%swap3A_68] : memref<1xf32, #tpu.memory_space<smem>>
      memref.store %swap3A_67, %arg9[%swap3A_68] : memref<1xf32, #tpu.memory_space<smem>>
    } else {
    }
    %get3A = arith.constant 0 : index
    %get3A_2 = arith.constant 0 : index
    %get3A_3 = vector.load %arg2[%get3A, %get3A_2] : memref<4096x128xi32, #tpu.memory_space<vmem>>, vector<4096x128xi32>
    %shift_left3A = arith.constant 16 : i32
    %shift_left3A_4 = vector.broadcast %shift_left3A : i32 to vector<4096x128xi32>
    %shift_left3A_5 = arith.shli %get3A_3, %shift_left3A_4 : vector<4096x128xi32>
    %bitcast_convert_type3A = tpu.bitcast %shift_left3A_5 : vector<4096x128xi32> -> vector<4096x128xf32>
    %get3A_6 = arith.constant 0 : index
    %get3A_7 = arith.constant 0 : index
    %get3A_8 = vector.load %arg1[%get3A_6, %get3A_7] : memref<4096x128xi32, #tpu.memory_space<vmem>>, vector<4096x128xi32>
    %shift_left3A_9 = arith.constant 16 : i32
    %shift_left3A_10 = vector.broadcast %shift_left3A_9 : i32 to vector<4096x128xi32>
    %shift_left3A_11 = arith.shli %get3A_8, %shift_left3A_10 : vector<4096x128xi32>
    %bitcast_convert_type3A_12 = tpu.bitcast %shift_left3A_11 : vector<4096x128xi32> -> vector<4096x128xf32>
    %sub3A = arith.subf %bitcast_convert_type3A, %bitcast_convert_type3A_12 : vector<4096x128xf32>
    %convert_element_type3A_13 = arith.truncf %sub3A : vector<4096x128xf32> to vector<4096x128xbf16>
    %get3A_14 = arith.constant 0 : index
    %get3A_15 = arith.constant 0 : index
    %get3A_16 = vector.load %arg5[%get3A_14, %get3A_15] : memref<128x256xbf16, #tpu.memory_space<vmem>>, vector<128x256xbf16>
    %dot_general3A = arith.constant dense<0.000000e+00> : vector<4096x256xf32>
    %dot_general3A_17 = tpu.matmul %convert_element_type3A_13, %get3A_16, %dot_general3A {dimension_numbers = #tpu.dot_dimension_numbers<[1], [0], [0], [1], [0, 0, 1, 1], [], []>, transpose_lhs_hint = false} : vector<4096x128xbf16>, vector<128x256xbf16>, vector<4096x256xf32> -> vector<4096x256xf32>
    %get3A_18 = arith.constant 0 : index
    %get3A_19 = arith.constant 0 : index
    %get3A_20 = vector.load %arg6[%get3A_18, %get3A_19] : memref<1x256xf32, #tpu.memory_space<vmem>>, vector<1x256xf32>
    %add3A = vector.broadcast %get3A_20 : vector<1x256xf32> to vector<4096x256xf32>
    %add3A_21 = arith.addf %dot_general3A_17, %add3A : vector<4096x256xf32>
    %get3A_22 = arith.constant 0 : index
    %get3A_23 = arith.constant 0 : index
    %get3A_24 = vector.load %arg8[%get3A_22, %get3A_23] : memref<8x256xf32, #tpu.memory_space<vmem>>, vector<1x256xf32>
    %reduce_sum3A = arith.constant dense<0.000000e+00> : vector<256xf32>
    %reduce_sum3A_25 = vector.multi_reduction <add>, %add3A_21, %reduce_sum3A [0] : vector<4096x256xf32> to vector<256xf32>
    %broadcast_in_dim3A = vector.shape_cast %reduce_sum3A_25 : vector<256xf32> to vector<1x256xf32>
    %add3A_26 = arith.addf %get3A_24, %broadcast_in_dim3A : vector<1x256xf32>
    %swap3A = arith.constant 0 : index
    %swap3A_27 = arith.constant 0 : index
    %swap3A_28 = vector.load %arg8[%swap3A, %swap3A_27] : memref<8x256xf32, #tpu.memory_space<vmem>>, vector<1x256xf32>
    tpu.vector_store %arg8[%swap3A, %swap3A_27], %add3A_26 {strides = array<i32>} : memref<8x256xf32, #tpu.memory_space<vmem>>, vector<1x256xf32>,
    %get3A_29 = arith.constant 1 : index
    %get3A_30 = arith.constant 0 : index
    %get3A_31 = vector.load %arg8[%get3A_29, %get3A_30] : memref<8x256xf32, #tpu.memory_space<vmem>>, vector<1x256xf32>
    %mul3A = arith.mulf %add3A_21, %add3A_21 : vector<4096x256xf32>
    %reduce_sum3A_32 = arith.constant dense<0.000000e+00> : vector<256xf32>
    %reduce_sum3A_33 = vector.multi_reduction <add>, %mul3A, %reduce_sum3A_32 [0] : vector<4096x256xf32> to vector<256xf32>
    %broadcast_in_dim3A_34 = vector.shape_cast %reduce_sum3A_33 : vector<256xf32> to vector<1x256xf32>
    %add3A_35 = arith.addf %get3A_31, %broadcast_in_dim3A_34 : vector<1x256xf32>
    %swap3A_36 = arith.constant 1 : index
    %swap3A_37 = arith.constant 0 : index
    %swap3A_38 = vector.load %arg8[%swap3A_36, %swap3A_37] : memref<8x256xf32, #tpu.memory_space<vmem>>, vector<1x256xf32>
    tpu.vector_store %arg8[%swap3A_36, %swap3A_37], %add3A_35 {strides = array<i32>} : memref<8x256xf32, #tpu.memory_space<vmem>>, vector<1x256xf32>,
    %get3A_39 = arith.constant 0 : index
    %get3A_40 = memref.load %arg9[%get3A_39] : memref<1xf32, #tpu.memory_space<smem>>
    %get3A_41 = arith.constant 0 : index
    %get3A_42 = arith.constant 0 : index
    %get3A_43 = vector.load %arg3[%get3A_41, %get3A_42] : memref<8x512xi32, #tpu.memory_space<vmem>>, vector<8x512xi32>
    %get3A_44 = arith.constant 0 : index
    %get3A_45 = arith.constant 0 : index
    %get3A_46 = vector.load %arg4[%get3A_44, %get3A_45] : memref<8x512xi32, #tpu.memory_space<vmem>>, vector<8x512xi32>
    %ne3A = arith.cmpi ne, %get3A_43, %get3A_46 : vector<8x512xi32>
    %convert_element_type3A_47 = arith.extui %ne3A : vector<8x512xi1> to vector<8x512xi32>
    %convert_element_type3A_48 = arith.sitofp %convert_element_type3A_47 : vector<8x512xi32> to vector<8x512xf32>
    %reduce_sum3A_49 = vector.shape_cast %convert_element_type3A_48 : vector<8x512xf32> to vector<1x8x512xf32>
    %reduce_sum3A_50 = arith.constant dense<0.000000e+00> : vector<1xf32>
    %reduce_sum3A_51 = vector.multi_reduction <add>, %reduce_sum3A_49, %reduce_sum3A_50 [1, 2] : vector<1x8x512xf32> to vector<1xf32>
    %reduce_sum3A_52 = vector.shape_cast %reduce_sum3A_51 : vector<1xf32> to vector<1x1x1xf32>
    %reduce_sum3A_53 = vector.extract %reduce_sum3A_52[0, 0, 0] : f32 from vector<1x1x1xf32>
    %add3A_54 = arith.addf %get3A_40, %reduce_sum3A_53 : f32
    %swap3A_55 = arith.constant 0 : index
    %swap3A_56 = memref.load %arg9[%swap3A_55] : memref<1xf32, #tpu.memory_space<smem>>
    memref.store %add3A_54, %arg9[%swap3A_55] : memref<1xf32, #tpu.memory_space<smem>>
    %eq3A_57 = arith.constant 80 : i32
    %eq3A_58 = arith.cmpi eq, %arg0, %eq3A_57 : i32
    %convert_element_type3A_59 = arith.extui %eq3A_58 : i1 to i32
    %cond3A_60 = arith.constant 0 : i32
    %cond3A_61 = arith.cmpi ne, %convert_element_type3A_59, %cond3A_60 : i32
    scf.if %cond3A_61 {
      %get3A_62 = arith.constant 0 : index
      %get3A_63 = memref.load %arg9[%get3A_62] : memref<1xf32, #tpu.memory_space<smem>>
      %add3A_64 = arith.constant 1.000000e+04 : f32
      %add3A_65 = arith.addf %get3A_63, %add3A_64 : f32
      %get3A_66 = arith.constant 0 : index
      %get3A_67 = arith.constant 0 : index
      %get3A_68 = vector.load %arg8[%get3A_66, %get3A_67] : memref<8x256xf32, #tpu.memory_space<vmem>>, vector<2x256xf32>
      %broadcast_in_dim3A_69 = vector.broadcast %add3A_65 : f32 to vector<1x256xf32>
      %broadcast_in_dim3A_70 = arith.constant 0.000000e+00 : f32
      %broadcast_in_dim3A_71 = vector.broadcast %broadcast_in_dim3A_70 : f32 to vector<5x256xf32>
      %concatenate3A = tpu.concatenate %get3A_68, %broadcast_in_dim3A_69, %broadcast_in_dim3A_71 in 0 : vector<2x256xf32>, vector<1x256xf32>, vector<5x256xf32> -> vector<8x256xf32>
      %swap3A_72 = arith.constant 0 : index
      %swap3A_73 = arith.constant 0 : index
      %swap3A_74 = vector.load %arg7[%swap3A_72, %swap3A_73] : memref<8x256xf32, #tpu.memory_space<vmem>>, vector<8x256xf32>
      tpu.vector_store %arg7[%swap3A_72, %swap3A_73], %concatenate3A {strides = array<i32>} : memref<8x256xf32, #tpu.memory_space<vmem>>, vector<8x256xf32>,
    } else {
    }
    return
  }
  func.func @transform_0(%arg0: i32) -> (i32, i32) {
    %c0_i32 = arith.constant 0 : i32
    %c0_i32_0 = arith.constant 0 : i32
    return %arg0, %c0_i32 : i32, i32
  }
  func.func @transform_1(%arg0: i32) -> (i32, i32) {
    %c0_i32 = arith.constant 0 : i32
    %c0_i32_0 = arith.constant 0 : i32
    return %arg0, %c0_i32 : i32, i32
  }
  func.func @transform_2(%arg0: i32) -> (i32, i32) {
    %c0_i32 = arith.constant 0 : i32
    %c0_i32_0 = arith.constant 0 : i32
    return %arg0, %c0_i32 : i32, i32
  }
  func.func @transform_3(%arg0: i32) -> (i32, i32) {
    %c0_i32 = arith.constant 0 : i32
    %c0_i32_0 = arith.constant 0 : i32
    return %arg0, %c0_i32 : i32, i32
  }
  func.func @transform_4(%arg0: i32) -> (i32, i32) {
    %c0_i32 = arith.constant 0 : i32
    %c0_i32_0 = arith.constant 0 : i32
    %c0_i32_1 = arith.constant 0 : i32
    return %c0_i32, %c0_i32_0 : i32, i32
  }
  func.func @transform_5(%arg0: i32) -> (i32, i32) {
    %c0_i32 = arith.constant 0 : i32
    %c0_i32_0 = arith.constant 0 : i32
    %c0_i32_1 = arith.constant 0 : i32
    return %c0_i32, %c0_i32_0 : i32, i32
  }
  func.func @transform_6(%arg0: i32) -> (i32, i32) {
    %c0_i32 = arith.constant 0 : i32
    %c0_i32_0 = arith.constant 0 : i32
    %c0_i32_1 = arith.constant 0 : i32
    return %c0_i32, %c0_i32_0 : i32, i32
  }
}

module attributes {stable_mosaic.version = 14 : i64} {
  func.func @_k4_body(%arg0: i32, %arg1: memref<6144x128xi32, #tpu.memory_space<vmem>>, %arg2: memref<6144x128xi32, #tpu.memory_space<vmem>>, %arg3: memref<8x256xf32, #tpu.memory_space<vmem>>, %arg4: memref<128x256xbf16, #tpu.memory_space<vmem>>, %arg5: memref<1x256xf32, #tpu.memory_space<vmem>>, %arg6: memref<1x256xf32, #tpu.memory_space<vmem>>, %arg7: memref<1x256xf32, #tpu.memory_space<vmem>>, %arg8: memref<256x128xbf16, #tpu.memory_space<vmem>>, %arg9: memref<1x128xf32, #tpu.memory_space<vmem>>, %arg10: memref<128x256xbf16, #tpu.memory_space<vmem>>, %arg11: memref<1x256xf32, #tpu.memory_space<vmem>>, %arg12: memref<6144x128xi32, #tpu.memory_space<vmem>>, %arg13: memref<8x256xf32, #tpu.memory_space<vmem>>, %arg14: memref<8x256xf32, #tpu.memory_space<vmem>>) attributes {dimension_semantics = [#tpu.dimension_semantics<arbitrary>], iteration_bounds = array<i64: 54>, scalar_prefetch = 0 : i64, scratch_operands = 1 : i64, tpu.core_type = #tpu.core_type<tc>, window_params = [{transform_indices = @transform_0, window_bounds = array<i64: 6144, 128>}, {transform_indices = @transform_1, window_bounds = array<i64: 6144, 128>}, {pipeline_mode = #tpu.pipeline_mode<synchronous>, transform_indices = @transform_2, window_bounds = array<i64: 8, 256>}, {pipeline_mode = #tpu.pipeline_mode<synchronous>, transform_indices = @transform_3, window_bounds = array<i64: 128, 256>}, {pipeline_mode = #tpu.pipeline_mode<synchronous>, transform_indices = @transform_4, window_bounds = array<i64: 1, 256>}, {pipeline_mode = #tpu.pipeline_mode<synchronous>, transform_indices = @transform_5, window_bounds = array<i64: 1, 256>}, {pipeline_mode = #tpu.pipeline_mode<synchronous>, transform_indices = @transform_6, window_bounds = array<i64: 1, 256>}, {pipeline_mode = #tpu.pipeline_mode<synchronous>, transform_indices = @transform_7, window_bounds = array<i64: 256, 128>}, {pipeline_mode = #tpu.pipeline_mode<synchronous>, transform_indices = @transform_8, window_bounds = array<i64: 1, 128>}, {pipeline_mode = #tpu.pipeline_mode<synchronous>, transform_indices = @transform_9, window_bounds = array<i64: 128, 256>}, {pipeline_mode = #tpu.pipeline_mode<synchronous>, transform_indices = @transform_10, window_bounds = array<i64: 1, 256>}, {transform_indices = @transform_11, window_bounds = array<i64: 6144, 128>}, {pipeline_mode = #tpu.pipeline_mode<synchronous>, transform_indices = @transform_12, window_bounds = array<i64: 8, 256>}]} {
    %eq3A = arith.constant 0 : i32
    %eq3A_0 = arith.cmpi eq, %arg0, %eq3A : i32
    %convert_element_type3A = arith.extui %eq3A_0 : i1 to i32
    %cond3A = arith.constant 0 : i32
    %cond3A_1 = arith.cmpi ne, %convert_element_type3A, %cond3A : i32
    scf.if %cond3A_1 {
      %broadcast_in_dim3A_146 = arith.constant 0.000000e+00 : f32
      %broadcast_in_dim3A_147 = vector.broadcast %broadcast_in_dim3A_146 : f32 to vector<8x256xf32>
      %swap3A_148 = arith.constant 0 : index
      %swap3A_149 = arith.constant 0 : index
      %swap3A_150 = vector.load %arg14[%swap3A_148, %swap3A_149] : memref<8x256xf32, #tpu.memory_space<vmem>>, vector<8x256xf32>
      tpu.vector_store %arg14[%swap3A_148, %swap3A_149], %broadcast_in_dim3A_147 {strides = array<i32>} : memref<8x256xf32, #tpu.memory_space<vmem>>, vector<8x256xf32>,
    } else {
    }
    %get3A = arith.constant 2 : index
    %get3A_2 = arith.constant 0 : index
    %get3A_3 = vector.load %arg3[%get3A, %get3A_2] : memref<8x256xf32, #tpu.memory_space<vmem>>, vector<1x256xf32>
    %sub3A = arith.constant 3.317760e+05 : f32
    %sub3A_4 = vector.broadcast %sub3A : f32 to vector<1x256xf32>
    %sub3A_5 = arith.subf %sub3A_4, %get3A_3 : vector<1x256xf32>
    %get3A_6 = arith.constant 0 : index
    %get3A_7 = arith.constant 0 : index
    %get3A_8 = vector.load %arg5[%get3A_6, %get3A_7] : memref<1x256xf32, #tpu.memory_space<vmem>>, vector<1x256xf32>
    %get3A_9 = arith.constant 0 : index
    %get3A_10 = arith.constant 0 : index
    %get3A_11 = vector.load %arg3[%get3A_9, %get3A_10] : memref<8x256xf32, #tpu.memory_space<vmem>>, vector<1x256xf32>
    %mul3A = arith.mulf %sub3A_5, %get3A_8 : vector<1x256xf32>
    %sub3A_12 = arith.subf %get3A_11, %mul3A : vector<1x256xf32>
    %div3A = arith.divf %sub3A_12, %get3A_3 : vector<1x256xf32>
    %get3A_13 = arith.constant 1 : index
    %get3A_14 = arith.constant 0 : index
    %get3A_15 = vector.load %arg3[%get3A_13, %get3A_14] : memref<8x256xf32, #tpu.memory_space<vmem>>, vector<1x256xf32>
    %mul3A_16 = arith.mulf %sub3A_5, %get3A_8 : vector<1x256xf32>
    %mul3A_17 = arith.mulf %mul3A_16, %get3A_8 : vector<1x256xf32>
    %sub3A_18 = arith.subf %get3A_15, %mul3A_17 : vector<1x256xf32>
    %div3A_19 = arith.divf %sub3A_18, %get3A_3 : vector<1x256xf32>
    %mul3A_20 = arith.mulf %div3A, %div3A : vector<1x256xf32>
    %sub3A_21 = arith.subf %div3A_19, %mul3A_20 : vector<1x256xf32>
    %get3A_22 = arith.constant 0 : index
    %get3A_23 = arith.constant 0 : index
    %get3A_24 = vector.load %arg6[%get3A_22, %get3A_23] : memref<1x256xf32, #tpu.memory_space<vmem>>, vector<1x256xf32>
    %add3A = arith.constant 9.99999974E-6 : f32
    %add3A_25 = vector.broadcast %add3A : f32 to vector<1x256xf32>
    %add3A_26 = arith.addf %sub3A_21, %add3A_25 : vector<1x256xf32>
    %rsqrt3A = math.rsqrt %add3A_26 : vector<1x256xf32>
    %mul3A_27 = arith.mulf %get3A_24, %rsqrt3A : vector<1x256xf32>
    %get3A_28 = arith.constant 0 : index
    %get3A_29 = arith.constant 0 : index
    %get3A_30 = vector.load %arg7[%get3A_28, %get3A_29] : memref<1x256xf32, #tpu.memory_space<vmem>>, vector<1x256xf32>
    %mul3A_31 = arith.mulf %div3A, %mul3A_27 : vector<1x256xf32>
    %sub3A_32 = arith.subf %get3A_30, %mul3A_31 : vector<1x256xf32>
    %get3A_33 = arith.constant 0 : index
    %get3A_34 = arith.constant 0 : index
    %get3A_35 = vector.load %arg1[%get3A_33, %get3A_34] : memref<6144x128xi32, #tpu.memory_space<vmem>>, vector<6144x128xi32>
    %get3A_36 = arith.constant 0 : index
    %get3A_37 = arith.constant 0 : index
    %get3A_38 = vector.load %arg2[%get3A_36, %get3A_37] : memref<6144x128xi32, #tpu.memory_space<vmem>>, vector<6144x128xi32>
    %shift_left3A = arith.constant 16 : i32
    %shift_left3A_39 = vector.broadcast %shift_left3A : i32 to vector<6144x128xi32>
    %shift_left3A_40 = arith.shli %get3A_38, %shift_left3A_39 : vector<6144x128xi32>
    %bitcast_convert_type3A = tpu.bitcast %shift_left3A_40 : vector<6144x128xi32> -> vector<6144x128xf32>
    %shift_left3A_41 = arith.constant 16 : i32
    %shift_left3A_42 = vector.broadcast %shift_left3A_41 : i32 to vector<6144x128xi32>
    %shift_left3A_43 = arith.shli %get3A_35, %shift_left3A_42 : vector<6144x128xi32>
    %bitcast_convert_type3A_44 = tpu.bitcast %shift_left3A_43 : vector<6144x128xi32> -> vector<6144x128xf32>
    %sub3A_45 = arith.subf %bitcast_convert_type3A, %bitcast_convert_type3A_44 : vector<6144x128xf32>
    %convert_element_type3A_46 = arith.truncf %sub3A_45 : vector<6144x128xf32> to vector<6144x128xbf16>
    %get3A_47 = arith.constant 0 : index
    %get3A_48 = arith.constant 0 : index
    %get3A_49 = vector.load %arg4[%get3A_47, %get3A_48] : memref<128x256xbf16, #tpu.memory_space<vmem>>, vector<128x256xbf16>
    %dot_general3A = arith.constant dense<0.000000e+00> : vector<6144x256xf32>
    %dot_general3A_50 = tpu.matmul %convert_element_type3A_46, %get3A_49, %dot_general3A {dimension_numbers = #tpu.dot_dimension_numbers<[1], [0], [0], [1], [0, 0, 1, 1], [], []>, transpose_lhs_hint = false} : vector<6144x128xbf16>, vector<128x256xbf16>, vector<6144x256xf32> -> vector<6144x256xf32>
    %add3A_51 = vector.broadcast %get3A_8 : vector<1x256xf32> to vector<6144x256xf32>
    %add3A_52 = arith.addf %dot_general3A_50, %add3A_51 : vector<6144x256xf32>
    %mul3A_53 = vector.broadcast %mul3A_27 : vector<1x256xf32> to vector<6144x256xf32>
    %mul3A_54 = arith.mulf %add3A_52, %mul3A_53 : vector<6144x256xf32>
    %add3A_55 = vector.broadcast %sub3A_32 : vector<1x256xf32> to vector<6144x256xf32>
    %add3A_56 = arith.addf %mul3A_54, %add3A_55 : vector<6144x256xf32>
    %max3A = arith.constant 0.000000e+00 : f32
    %max3A_57 = vector.broadcast %max3A : f32 to vector<6144x256xf32>
    %max3A_58 = arith.maximumf %add3A_56, %max3A_57 : vector<6144x256xf32>
    %convert_element_type3A_59 = arith.truncf %max3A_58 : vector<6144x256xf32> to vector<6144x256xbf16>
    %get3A_60 = arith.constant 0 : index
    %get3A_61 = arith.constant 0 : index
    %get3A_62 = vector.load %arg8[%get3A_60, %get3A_61] : memref<256x128xbf16, #tpu.memory_space<vmem>>, vector<256x128xbf16>
    %dot_general3A_63 = arith.constant dense<0.000000e+00> : vector<6144x128xf32>
    %dot_general3A_64 = tpu.matmul %convert_element_type3A_59, %get3A_62, %dot_general3A_63 {dimension_numbers = #tpu.dot_dimension_numbers<[1], [0], [0], [1], [0, 0, 1, 1], [], []>, transpose_lhs_hint = false} : vector<6144x256xbf16>, vector<256x128xbf16>, vector<6144x128xf32> -> vector<6144x128xf32>
    %get3A_65 = arith.constant 0 : index
    %get3A_66 = arith.constant 0 : index
    %get3A_67 = vector.load %arg9[%get3A_65, %get3A_66] : memref<1x128xf32, #tpu.memory_space<vmem>>, vector<1x128xf32>
    %add3A_68 = vector.broadcast %get3A_67 : vector<1x128xf32> to vector<6144x128xf32>
    %add3A_69 = arith.addf %dot_general3A_64, %add3A_68 : vector<6144x128xf32>
    %and3A = arith.constant -65536 : i32
    %and3A_70 = vector.broadcast %and3A : i32 to vector<6144x128xi32>
    %and3A_71 = arith.andi %get3A_38, %and3A_70 : vector<6144x128xi32>
    %bitcast_convert_type3A_72 = tpu.bitcast %and3A_71 : vector<6144x128xi32> -> vector<6144x128xf32>
    %and3A_73 = arith.constant -65536 : i32
    %and3A_74 = vector.broadcast %and3A_73 : i32 to vector<6144x128xi32>
    %and3A_75 = arith.andi %get3A_35, %and3A_74 : vector<6144x128xi32>
    %bitcast_convert_type3A_76 = tpu.bitcast %and3A_75 : vector<6144x128xi32> -> vector<6144x128xf32>
    %sub3A_77 = arith.subf %bitcast_convert_type3A_72, %bitcast_convert_type3A_76 : vector<6144x128xf32>
    %bitcast_convert_type3A_78 = tpu.bitcast %add3A_69 : vector<6144x128xf32> -> vector<6144x128xi32>
    %add3A_79 = arith.constant 32767 : i32
    %add3A_80 = vector.broadcast %add3A_79 : i32 to vector<6144x128xi32>
    %add3A_81 = arith.addi %bitcast_convert_type3A_78, %add3A_80 : vector<6144x128xi32>
    %shift_right_logical3A = arith.constant 16 : i32
    %shift_right_logical3A_82 = vector.broadcast %shift_right_logical3A : i32 to vector<6144x128xi32>
    %shift_right_logical3A_83 = arith.shrui %bitcast_convert_type3A_78, %shift_right_logical3A_82 : vector<6144x128xi32>
    %and3A_84 = arith.constant 1 : i32
    %and3A_85 = vector.broadcast %and3A_84 : i32 to vector<6144x128xi32>
    %and3A_86 = arith.andi %shift_right_logical3A_83, %and3A_85 : vector<6144x128xi32>
    %add3A_87 = arith.addi %add3A_81, %and3A_86 : vector<6144x128xi32>
    %and3A_88 = arith.constant -65536 : i32
    %and3A_89 = vector.broadcast %and3A_88 : i32 to vector<6144x128xi32>
    %and3A_90 = arith.andi %add3A_87, %and3A_89 : vector<6144x128xi32>
    %bitcast_convert_type3A_91 = tpu.bitcast %sub3A_77 : vector<6144x128xf32> -> vector<6144x128xi32>
    %add3A_92 = arith.constant 32767 : i32
    %add3A_93 = vector.broadcast %add3A_92 : i32 to vector<6144x128xi32>
    %add3A_94 = arith.addi %bitcast_convert_type3A_91, %add3A_93 : vector<6144x128xi32>
    %shift_right_logical3A_95 = arith.constant 16 : i32
    %shift_right_logical3A_96 = vector.broadcast %shift_right_logical3A_95 : i32 to vector<6144x128xi32>
    %shift_right_logical3A_97 = arith.shrui %bitcast_convert_type3A_91, %shift_right_logical3A_96 : vector<6144x128xi32>
    %and3A_98 = arith.constant 1 : i32
    %and3A_99 = vector.broadcast %and3A_98 : i32 to vector<6144x128xi32>
    %and3A_100 = arith.andi %shift_right_logical3A_97, %and3A_99 : vector<6144x128xi32>
    %add3A_101 = arith.addi %add3A_94, %and3A_100 : vector<6144x128xi32>
    %and3A_102 = arith.constant -65536 : i32
    %and3A_103 = vector.broadcast %and3A_102 : i32 to vector<6144x128xi32>
    %and3A_104 = arith.andi %add3A_101, %and3A_103 : vector<6144x128xi32>
    %shift_right_logical3A_105 = arith.constant 16 : i32
    %shift_right_logical3A_106 = vector.broadcast %shift_right_logical3A_105 : i32 to vector<6144x128xi32>
    %shift_right_logical3A_107 = arith.shrui %and3A_104, %shift_right_logical3A_106 : vector<6144x128xi32>
    %or3A = arith.ori %and3A_90, %shift_right_logical3A_107 : vector<6144x128xi32>
    %swap3A = arith.constant 0 : index
    %swap3A_108 = arith.constant 0 : index
    %swap3A_109 = vector.load %arg12[%swap3A, %swap3A_108] : memref<6144x128xi32, #tpu.memory_space<vmem>>, vector<6144x128xi32>
    tpu.vector_store %arg12[%swap3A, %swap3A_108], %or3A {strides = array<i32>} : memref<6144x128xi32, #tpu.memory_space<vmem>>, vector<6144x128xi32>,
    %add3A_110 = arith.addf %sub3A_77, %add3A_69 : vector<6144x128xf32>
    %convert_element_type3A_111 = arith.truncf %add3A_110 : vector<6144x128xf32> to vector<6144x128xbf16>
    %get3A_112 = arith.constant 0 : index
    %get3A_113 = arith.constant 0 : index
    %get3A_114 = vector.load %arg10[%get3A_112, %get3A_113] : memref<128x256xbf16, #tpu.memory_space<vmem>>, vector<128x256xbf16>
    %dot_general3A_115 = arith.constant dense<0.000000e+00> : vector<6144x256xf32>
    %dot_general3A_116 = tpu.matmul %convert_element_type3A_111, %get3A_114, %dot_general3A_115 {dimension_numbers = #tpu.dot_dimension_numbers<[1], [0], [0], [1], [0, 0, 1, 1], [], []>, transpose_lhs_hint = false} : vector<6144x128xbf16>, vector<128x256xbf16>, vector<6144x256xf32> -> vector<6144x256xf32>
    %get3A_117 = arith.constant 0 : index
    %get3A_118 = arith.constant 0 : index
    %get3A_119 = vector.load %arg11[%get3A_117, %get3A_118] : memref<1x256xf32, #tpu.memory_space<vmem>>, vector<1x256xf32>
    %add3A_120 = vector.broadcast %get3A_119 : vector<1x256xf32> to vector<6144x256xf32>
    %add3A_121 = arith.addf %dot_general3A_116, %add3A_120 : vector<6144x256xf32>
    %get3A_122 = arith.constant 0 : index
    %get3A_123 = arith.constant 0 : index
    %get3A_124 = vector.load %arg14[%get3A_122, %get3A_123] : memref<8x256xf32, #tpu.memory_space<vmem>>, vector<1x256xf32>
    %reduce_sum3A = arith.constant dense<0.000000e+00> : vector<256xf32>
    %reduce_sum3A_125 = vector.multi_reduction <add>, %add3A_121, %reduce_sum3A [0] : vector<6144x256xf32> to vector<256xf32>
    %broadcast_in_dim3A = vector.shape_cast %reduce_sum3A_125 : vector<256xf32> to vector<1x256xf32>
    %add3A_126 = arith.addf %get3A_124, %broadcast_in_dim3A : vector<1x256xf32>
    %swap3A_127 = arith.constant 0 : index
    %swap3A_128 = arith.constant 0 : index
    %swap3A_129 = vector.load %arg14[%swap3A_127, %swap3A_128] : memref<8x256xf32, #tpu.memory_space<vmem>>, vector<1x256xf32>
    tpu.vector_store %arg14[%swap3A_127, %swap3A_128], %add3A_126 {strides = array<i32>} : memref<8x256xf32, #tpu.memory_space<vmem>>, vector<1x256xf32>,
    %get3A_130 = arith.constant 1 : index
    %get3A_131 = arith.constant 0 : index
    %get3A_132 = vector.load %arg14[%get3A_130, %get3A_131] : memref<8x256xf32, #tpu.memory_space<vmem>>, vector<1x256xf32>
    %mul3A_133 = arith.mulf %add3A_121, %add3A_121 : vector<6144x256xf32>
    %reduce_sum3A_134 = arith.constant dense<0.000000e+00> : vector<256xf32>
    %reduce_sum3A_135 = vector.multi_reduction <add>, %mul3A_133, %reduce_sum3A_134 [0] : vector<6144x256xf32> to vector<256xf32>
    %broadcast_in_dim3A_136 = vector.shape_cast %reduce_sum3A_135 : vector<256xf32> to vector<1x256xf32>
    %add3A_137 = arith.addf %get3A_132, %broadcast_in_dim3A_136 : vector<1x256xf32>
    %swap3A_138 = arith.constant 1 : index
    %swap3A_139 = arith.constant 0 : index
    %swap3A_140 = vector.load %arg14[%swap3A_138, %swap3A_139] : memref<8x256xf32, #tpu.memory_space<vmem>>, vector<1x256xf32>
    tpu.vector_store %arg14[%swap3A_138, %swap3A_139], %add3A_137 {strides = array<i32>} : memref<8x256xf32, #tpu.memory_space<vmem>>, vector<1x256xf32>,
    %eq3A_141 = arith.constant 53 : i32
    %eq3A_142 = arith.cmpi eq, %arg0, %eq3A_141 : i32
    %convert_element_type3A_143 = arith.extui %eq3A_142 : i1 to i32
    %cond3A_144 = arith.constant 0 : i32
    %cond3A_145 = arith.cmpi ne, %convert_element_type3A_143, %cond3A_144 : i32
    scf.if %cond3A_145 {
      %mul3A_146 = arith.mulf %get3A_8, %mul3A_27 : vector<1x256xf32>
      %add3A_147 = arith.addf %mul3A_146, %sub3A_32 : vector<1x256xf32>
      %max3A_148 = arith.constant 0.000000e+00 : f32
      %max3A_149 = vector.broadcast %max3A_148 : f32 to vector<1x256xf32>
      %max3A_150 = arith.maximumf %add3A_147, %max3A_149 : vector<1x256xf32>
      %convert_element_type3A_151 = arith.truncf %max3A_150 : vector<1x256xf32> to vector<1x256xbf16>
      %get3A_152 = arith.constant 0 : index
      %get3A_153 = arith.constant 0 : index
      %get3A_154 = vector.load %arg8[%get3A_152, %get3A_153] : memref<256x128xbf16, #tpu.memory_space<vmem>>, vector<256x128xbf16>
      %dot_general3A_155 = arith.constant dense<0.000000e+00> : vector<1x128xf32>
      %dot_general3A_156 = tpu.matmul %convert_element_type3A_151, %get3A_154, %dot_general3A_155 {dimension_numbers = #tpu.dot_dimension_numbers<[1], [0], [0], [1], [0, 0, 1, 1], [], []>, transpose_lhs_hint = false} : vector<1x256xbf16>, vector<256x128xbf16>, vector<1x128xf32> -> vector<1x128xf32>
      %get3A_157 = arith.constant 0 : index
      %get3A_158 = arith.constant 0 : index
      %get3A_159 = vector.load %arg9[%get3A_157, %get3A_158] : memref<1x128xf32, #tpu.memory_space<vmem>>, vector<1x128xf32>
      %add3A_160 = arith.addf %dot_general3A_156, %get3A_159 : vector<1x128xf32>
      %convert_element_type3A_161 = arith.truncf %add3A_160 : vector<1x128xf32> to vector<1x128xbf16>
      %get3A_162 = arith.constant 0 : index
      %get3A_163 = arith.constant 0 : index
      %get3A_164 = vector.load %arg10[%get3A_162, %get3A_163] : memref<128x256xbf16, #tpu.memory_space<vmem>>, vector<128x256xbf16>
      %dot_general3A_165 = arith.constant dense<0.000000e+00> : vector<1x256xf32>
      %dot_general3A_166 = tpu.matmul %convert_element_type3A_161, %get3A_164, %dot_general3A_165 {dimension_numbers = #tpu.dot_dimension_numbers<[1], [0], [0], [1], [0, 0, 1, 1], [], []>, transpose_lhs_hint = false} : vector<1x128xbf16>, vector<128x256xbf16>, vector<1x256xf32> -> vector<1x256xf32>
      %get3A_167 = arith.constant 0 : index
      %get3A_168 = arith.constant 0 : index
      %get3A_169 = vector.load %arg11[%get3A_167, %get3A_168] : memref<1x256xf32, #tpu.memory_space<vmem>>, vector<1x256xf32>
      %add3A_170 = arith.addf %dot_general3A_166, %get3A_169 : vector<1x256xf32>
      %get3A_171 = arith.constant 0 : index
      %get3A_172 = arith.constant 0 : index
      %get3A_173 = vector.load %arg14[%get3A_171, %get3A_172] : memref<8x256xf32, #tpu.memory_space<vmem>>, vector<1x256xf32>
      %mul3A_174 = arith.mulf %sub3A_5, %add3A_170 : vector<1x256xf32>
      %sub3A_175 = arith.subf %get3A_173, %mul3A_174 : vector<1x256xf32>
      %div3A_176 = arith.divf %sub3A_175, %get3A_3 : vector<1x256xf32>
      %get3A_177 = arith.constant 1 : index
      %get3A_178 = arith.constant 0 : index
      %get3A_179 = vector.load %arg14[%get3A_177, %get3A_178] : memref<8x256xf32, #tpu.memory_space<vmem>>, vector<1x256xf32>
      %mul3A_180 = arith.mulf %sub3A_5, %add3A_170 : vector<1x256xf32>
      %mul3A_181 = arith.mulf %mul3A_180, %add3A_170 : vector<1x256xf32>
      %sub3A_182 = arith.subf %get3A_179, %mul3A_181 : vector<1x256xf32>
      %div3A_183 = arith.divf %sub3A_182, %get3A_3 : vector<1x256xf32>
      %mul3A_184 = arith.mulf %div3A_176, %div3A_176 : vector<1x256xf32>
      %sub3A_185 = arith.subf %div3A_183, %mul3A_184 : vector<1x256xf32>
      %broadcast_in_dim3A_186 = arith.constant 0.000000e+00 : f32
      %broadcast_in_dim3A_187 = vector.broadcast %broadcast_in_dim3A_186 : f32 to vector<6x256xf32>
      %concatenate3A = tpu.concatenate %div3A_176, %sub3A_185, %broadcast_in_dim3A_187 in 0 : vector<1x256xf32>, vector<1x256xf32>, vector<6x256xf32> -> vector<8x256xf32>
      %swap3A_188 = arith.constant 0 : index
      %swap3A_189 = arith.constant 0 : index
      %swap3A_190 = vector.load %arg13[%swap3A_188, %swap3A_189] : memref<8x256xf32, #tpu.memory_space<vmem>>, vector<8x256xf32>
      tpu.vector_store %arg13[%swap3A_188, %swap3A_189], %concatenate3A {strides = array<i32>} : memref<8x256xf32, #tpu.memory_space<vmem>>, vector<8x256xf32>,
    } else {
    }
    return
  }
  func.func @transform_0(%arg0: i32) -> (i32, i32) {
    %c0_i32 = arith.constant 0 : i32
    %c0_i32_0 = arith.constant 0 : i32
    return %arg0, %c0_i32 : i32, i32
  }
  func.func @transform_1(%arg0: i32) -> (i32, i32) {
    %c0_i32 = arith.constant 0 : i32
    %c0_i32_0 = arith.constant 0 : i32
    return %arg0, %c0_i32 : i32, i32
  }
  func.func @transform_2(%arg0: i32) -> (i32, i32) {
    %c0_i32 = arith.constant 0 : i32
    %c0_i32_0 = arith.constant 0 : i32
    %c0_i32_1 = arith.constant 0 : i32
    return %c0_i32, %c0_i32_0 : i32, i32
  }
  func.func @transform_3(%arg0: i32) -> (i32, i32) {
    %c0_i32 = arith.constant 0 : i32
    %c0_i32_0 = arith.constant 0 : i32
    %c0_i32_1 = arith.constant 0 : i32
    return %c0_i32, %c0_i32_0 : i32, i32
  }
  func.func @transform_4(%arg0: i32) -> (i32, i32) {
    %c0_i32 = arith.constant 0 : i32
    %c0_i32_0 = arith.constant 0 : i32
    %c0_i32_1 = arith.constant 0 : i32
    return %c0_i32, %c0_i32_0 : i32, i32
  }
  func.func @transform_5(%arg0: i32) -> (i32, i32) {
    %c0_i32 = arith.constant 0 : i32
    %c0_i32_0 = arith.constant 0 : i32
    %c0_i32_1 = arith.constant 0 : i32
    return %c0_i32, %c0_i32_0 : i32, i32
  }
  func.func @transform_6(%arg0: i32) -> (i32, i32) {
    %c0_i32 = arith.constant 0 : i32
    %c0_i32_0 = arith.constant 0 : i32
    %c0_i32_1 = arith.constant 0 : i32
    return %c0_i32, %c0_i32_0 : i32, i32
  }
  func.func @transform_7(%arg0: i32) -> (i32, i32) {
    %c0_i32 = arith.constant 0 : i32
    %c0_i32_0 = arith.constant 0 : i32
    %c0_i32_1 = arith.constant 0 : i32
    return %c0_i32, %c0_i32_0 : i32, i32
  }
  func.func @transform_8(%arg0: i32) -> (i32, i32) {
    %c0_i32 = arith.constant 0 : i32
    %c0_i32_0 = arith.constant 0 : i32
    %c0_i32_1 = arith.constant 0 : i32
    return %c0_i32, %c0_i32_0 : i32, i32
  }
  func.func @transform_9(%arg0: i32) -> (i32, i32) {
    %c0_i32 = arith.constant 0 : i32
    %c0_i32_0 = arith.constant 0 : i32
    %c0_i32_1 = arith.constant 0 : i32
    return %c0_i32, %c0_i32_0 : i32, i32
  }
  func.func @transform_10(%arg0: i32) -> (i32, i32) {
    %c0_i32 = arith.constant 0 : i32
    %c0_i32_0 = arith.constant 0 : i32
    %c0_i32_1 = arith.constant 0 : i32
    return %c0_i32, %c0_i32_0 : i32, i32
  }
  func.func @transform_11(%arg0: i32) -> (i32, i32) {
    %c0_i32 = arith.constant 0 : i32
    %c0_i32_0 = arith.constant 0 : i32
    return %arg0, %c0_i32 : i32, i32
  }
  func.func @transform_12(%arg0: i32) -> (i32, i32) {
    %c0_i32 = arith.constant 0 : i32
    %c0_i32_0 = arith.constant 0 : i32
    %c0_i32_1 = arith.constant 0 : i32
    return %c0_i32, %c0_i32_0 : i32, i32
  }
}

module attributes {stable_mosaic.version = 14 : i64} {
  func.func @_k5_body(%arg0: i32, %arg1: memref<6144x128xi32, #tpu.memory_space<vmem>>, %arg2: memref<8x256xf32, #tpu.memory_space<vmem>>, %arg3: memref<1x256xf32, #tpu.memory_space<vmem>>, %arg4: memref<1x256xf32, #tpu.memory_space<vmem>>, %arg5: memref<128x256xbf16, #tpu.memory_space<vmem>>, %arg6: memref<1x256xf32, #tpu.memory_space<vmem>>, %arg7: memref<256x128xbf16, #tpu.memory_space<vmem>>, %arg8: memref<1x128xf32, #tpu.memory_space<vmem>>, %arg9: memref<6144x128xi32, #tpu.memory_space<vmem>>, %arg10: memref<8x128xf32, #tpu.memory_space<vmem>>, %arg11: memref<8x128xf32, #tpu.memory_space<vmem>>) attributes {dimension_semantics = [#tpu.dimension_semantics<arbitrary>], iteration_bounds = array<i64: 54>, scalar_prefetch = 0 : i64, scratch_operands = 1 : i64, tpu.core_type = #tpu.core_type<tc>, window_params = [{transform_indices = @transform_0, window_bounds = array<i64: 6144, 128>}, {pipeline_mode = #tpu.pipeline_mode<synchronous>, transform_indices = @transform_1, window_bounds = array<i64: 8, 256>}, {pipeline_mode = #tpu.pipeline_mode<synchronous>, transform_indices = @transform_2, window_bounds = array<i64: 1, 256>}, {pipeline_mode = #tpu.pipeline_mode<synchronous>, transform_indices = @transform_3, window_bounds = array<i64: 1, 256>}, {pipeline_mode = #tpu.pipeline_mode<synchronous>, transform_indices = @transform_4, window_bounds = array<i64: 128, 256>}, {pipeline_mode = #tpu.pipeline_mode<synchronous>, transform_indices = @transform_5, window_bounds = array<i64: 1, 256>}, {pipeline_mode = #tpu.pipeline_mode<synchronous>, transform_indices = @transform_6, window_bounds = array<i64: 256, 128>}, {pipeline_mode = #tpu.pipeline_mode<synchronous>, transform_indices = @transform_7, window_bounds = array<i64: 1, 128>}, {transform_indices = @transform_8, window_bounds = array<i64: 6144, 128>}, {pipeline_mode = #tpu.pipeline_mode<synchronous>, transform_indices = @transform_9, window_bounds = array<i64: 8, 128>}]} {
    %eq3A = arith.constant 0 : i32
    %eq3A_0 = arith.cmpi eq, %arg0, %eq3A : i32
    %convert_element_type3A = arith.extui %eq3A_0 : i1 to i32
    %cond3A = arith.constant 0 : i32
    %cond3A_1 = arith.cmpi ne, %convert_element_type3A, %cond3A : i32
    scf.if %cond3A_1 {
      %broadcast_in_dim3A_101 = arith.constant -3.000000e+38 : f32
      %broadcast_in_dim3A_102 = vector.broadcast %broadcast_in_dim3A_101 : f32 to vector<8x128xf32>
      %swap3A_103 = arith.constant 0 : index
      %swap3A_104 = arith.constant 0 : index
      %swap3A_105 = vector.load %arg11[%swap3A_103, %swap3A_104] : memref<8x128xf32, #tpu.memory_space<vmem>>, vector<8x128xf32>
      tpu.vector_store %arg11[%swap3A_103, %swap3A_104], %broadcast_in_dim3A_102 {strides = array<i32>} : memref<8x128xf32, #tpu.memory_space<vmem>>, vector<8x128xf32>,
    } else {
    }
    %get3A = arith.constant 0 : index
    %get3A_2 = arith.constant 0 : index
    %get3A_3 = vector.load %arg3[%get3A, %get3A_2] : memref<1x256xf32, #tpu.memory_space<vmem>>, vector<1x256xf32>
    %get3A_4 = arith.constant 1 : index
    %get3A_5 = arith.constant 0 : index
    %get3A_6 = vector.load %arg2[%get3A_4, %get3A_5] : memref<8x256xf32, #tpu.memory_space<vmem>>, vector<1x256xf32>
    %add3A = arith.constant 9.99999974E-6 : f32
    %add3A_7 = vector.broadcast %add3A : f32 to vector<1x256xf32>
    %add3A_8 = arith.addf %get3A_6, %add3A_7 : vector<1x256xf32>
    %rsqrt3A = math.rsqrt %add3A_8 : vector<1x256xf32>
    %mul3A = arith.mulf %get3A_3, %rsqrt3A : vector<1x256xf32>
    %get3A_9 = arith.constant 0 : index
    %get3A_10 = arith.constant 0 : index
    %get3A_11 = vector.load %arg4[%get3A_9, %get3A_10] : memref<1x256xf32, #tpu.memory_space<vmem>>, vector<1x256xf32>
    %get3A_12 = arith.constant 0 : index
    %get3A_13 = arith.constant 0 : index
    %get3A_14 = vector.load %arg2[%get3A_12, %get3A_13] : memref<8x256xf32, #tpu.memory_space<vmem>>, vector<1x256xf32>
    %mul3A_15 = arith.mulf %get3A_14, %mul3A : vector<1x256xf32>
    %sub3A = arith.subf %get3A_11, %mul3A_15 : vector<1x256xf32>
    %get3A_16 = arith.constant 0 : index
    %get3A_17 = arith.constant 0 : index
    %get3A_18 = vector.load %arg1[%get3A_16, %get3A_17] : memref<6144x128xi32, #tpu.memory_space<vmem>>, vector<6144x128xi32>
    %shift_left3A = arith.constant 16 : i32
    %shift_left3A_19 = vector.broadcast %shift_left3A : i32 to vector<6144x128xi32>
    %shift_left3A_20 = arith.shli %get3A_18, %shift_left3A_19 : vector<6144x128xi32>
    %bitcast_convert_type3A = tpu.bitcast %shift_left3A_20 : vector<6144x128xi32> -> vector<6144x128xf32>
    %and3A = arith.constant -65536 : i32
    %and3A_21 = vector.broadcast %and3A : i32 to vector<6144x128xi32>
    %and3A_22 = arith.andi %get3A_18, %and3A_21 : vector<6144x128xi32>
    %bitcast_convert_type3A_23 = tpu.bitcast %and3A_22 : vector<6144x128xi32> -> vector<6144x128xf32>
    %add3A_24 = arith.addf %bitcast_convert_type3A, %bitcast_convert_type3A_23 : vector<6144x128xf32>
    %convert_element_type3A_25 = arith.truncf %add3A_24 : vector<6144x128xf32> to vector<6144x128xbf16>
    %get3A_26 = arith.constant 0 : index
    %get3A_27 = arith.constant 0 : index
    %get3A_28 = vector.load %arg5[%get3A_26, %get3A_27] : memref<128x256xbf16, #tpu.memory_space<vmem>>, vector<128x256xbf16>
    %dot_general3A = arith.constant dense<0.000000e+00> : vector<6144x256xf32>
    %dot_general3A_29 = tpu.matmul %convert_element_type3A_25, %get3A_28, %dot_general3A {dimension_numbers = #tpu.dot_dimension_numbers<[1], [0], [0], [1], [0, 0, 1, 1], [], []>, transpose_lhs_hint = false} : vector<6144x128xbf16>, vector<128x256xbf16>, vector<6144x256xf32> -> vector<6144x256xf32>
    %get3A_30 = arith.constant 0 : index
    %get3A_31 = arith.constant 0 : index
    %get3A_32 = vector.load %arg6[%get3A_30, %get3A_31] : memref<1x256xf32, #tpu.memory_space<vmem>>, vector<1x256xf32>
    %add3A_33 = vector.broadcast %get3A_32 : vector<1x256xf32> to vector<6144x256xf32>
    %add3A_34 = arith.addf %dot_general3A_29, %add3A_33 : vector<6144x256xf32>
    %mul3A_35 = vector.broadcast %mul3A : vector<1x256xf32> to vector<6144x256xf32>
    %mul3A_36 = arith.mulf %add3A_34, %mul3A_35 : vector<6144x256xf32>
    %add3A_37 = vector.broadcast %sub3A : vector<1x256xf32> to vector<6144x256xf32>
    %add3A_38 = arith.addf %mul3A_36, %add3A_37 : vector<6144x256xf32>
    %max3A = arith.constant 0.000000e+00 : f32
    %max3A_39 = vector.broadcast %max3A : f32 to vector<6144x256xf32>
    %max3A_40 = arith.maximumf %add3A_38, %max3A_39 : vector<6144x256xf32>
    %convert_element_type3A_41 = arith.truncf %max3A_40 : vector<6144x256xf32> to vector<6144x256xbf16>
    %get3A_42 = arith.constant 0 : index
    %get3A_43 = arith.constant 0 : index
    %get3A_44 = vector.load %arg7[%get3A_42, %get3A_43] : memref<256x128xbf16, #tpu.memory_space<vmem>>, vector<256x128xbf16>
    %dot_general3A_45 = arith.constant dense<0.000000e+00> : vector<6144x128xf32>
    %dot_general3A_46 = tpu.matmul %convert_element_type3A_41, %get3A_44, %dot_general3A_45 {dimension_numbers = #tpu.dot_dimension_numbers<[1], [0], [0], [1], [0, 0, 1, 1], [], []>, transpose_lhs_hint = false} : vector<6144x256xbf16>, vector<256x128xbf16>, vector<6144x128xf32> -> vector<6144x128xf32>
    %get3A_47 = arith.constant 0 : index
    %get3A_48 = arith.constant 0 : index
    %get3A_49 = vector.load %arg8[%get3A_47, %get3A_48] : memref<1x128xf32, #tpu.memory_space<vmem>>, vector<1x128xf32>
    %add3A_50 = vector.broadcast %get3A_49 : vector<1x128xf32> to vector<6144x128xf32>
    %add3A_51 = arith.addf %dot_general3A_46, %add3A_50 : vector<6144x128xf32>
    %and3A_52 = arith.constant -65536 : i32
    %and3A_53 = vector.broadcast %and3A_52 : i32 to vector<6144x128xi32>
    %and3A_54 = arith.andi %get3A_18, %and3A_53 : vector<6144x128xi32>
    %bitcast_convert_type3A_55 = tpu.bitcast %and3A_54 : vector<6144x128xi32> -> vector<6144x128xf32>
    %bitcast_convert_type3A_56 = tpu.bitcast %add3A_51 : vector<6144x128xf32> -> vector<6144x128xi32>
    %add3A_57 = arith.constant 32767 : i32
    %add3A_58 = vector.broadcast %add3A_57 : i32 to vector<6144x128xi32>
    %add3A_59 = arith.addi %bitcast_convert_type3A_56, %add3A_58 : vector<6144x128xi32>
    %shift_right_logical3A = arith.constant 16 : i32
    %shift_right_logical3A_60 = vector.broadcast %shift_right_logical3A : i32 to vector<6144x128xi32>
    %shift_right_logical3A_61 = arith.shrui %bitcast_convert_type3A_56, %shift_right_logical3A_60 : vector<6144x128xi32>
    %and3A_62 = arith.constant 1 : i32
    %and3A_63 = vector.broadcast %and3A_62 : i32 to vector<6144x128xi32>
    %and3A_64 = arith.andi %shift_right_logical3A_61, %and3A_63 : vector<6144x128xi32>
    %add3A_65 = arith.addi %add3A_59, %and3A_64 : vector<6144x128xi32>
    %and3A_66 = arith.constant -65536 : i32
    %and3A_67 = vector.broadcast %and3A_66 : i32 to vector<6144x128xi32>
    %and3A_68 = arith.andi %add3A_65, %and3A_67 : vector<6144x128xi32>
    %bitcast_convert_type3A_69 = tpu.bitcast %bitcast_convert_type3A_55 : vector<6144x128xf32> -> vector<6144x128xi32>
    %add3A_70 = arith.constant 32767 : i32
    %add3A_71 = vector.broadcast %add3A_70 : i32 to vector<6144x128xi32>
    %add3A_72 = arith.addi %bitcast_convert_type3A_69, %add3A_71 : vector<6144x128xi32>
    %shift_right_logical3A_73 = arith.constant 16 : i32
    %shift_right_logical3A_74 = vector.broadcast %shift_right_logical3A_73 : i32 to vector<6144x128xi32>
    %shift_right_logical3A_75 = arith.shrui %bitcast_convert_type3A_69, %shift_right_logical3A_74 : vector<6144x128xi32>
    %and3A_76 = arith.constant 1 : i32
    %and3A_77 = vector.broadcast %and3A_76 : i32 to vector<6144x128xi32>
    %and3A_78 = arith.andi %shift_right_logical3A_75, %and3A_77 : vector<6144x128xi32>
    %add3A_79 = arith.addi %add3A_72, %and3A_78 : vector<6144x128xi32>
    %and3A_80 = arith.constant -65536 : i32
    %and3A_81 = vector.broadcast %and3A_80 : i32 to vector<6144x128xi32>
    %and3A_82 = arith.andi %add3A_79, %and3A_81 : vector<6144x128xi32>
    %shift_right_logical3A_83 = arith.constant 16 : i32
    %shift_right_logical3A_84 = vector.broadcast %shift_right_logical3A_83 : i32 to vector<6144x128xi32>
    %shift_right_logical3A_85 = arith.shrui %and3A_82, %shift_right_logical3A_84 : vector<6144x128xi32>
    %or3A = arith.ori %and3A_68, %shift_right_logical3A_85 : vector<6144x128xi32>
    %swap3A = arith.constant 0 : index
    %swap3A_86 = arith.constant 0 : index
    %swap3A_87 = vector.load %arg9[%swap3A, %swap3A_86] : memref<6144x128xi32, #tpu.memory_space<vmem>>, vector<6144x128xi32>
    tpu.vector_store %arg9[%swap3A, %swap3A_86], %or3A {strides = array<i32>} : memref<6144x128xi32, #tpu.memory_space<vmem>>, vector<6144x128xi32>,
    %get3A_88 = arith.constant 0 : index
    %get3A_89 = arith.constant 0 : index
    %get3A_90 = vector.load %arg11[%get3A_88, %get3A_89] : memref<8x128xf32, #tpu.memory_space<vmem>>, vector<1x128xf32>
    %reduce_max3A = arith.constant dense<0xFF800000> : vector<128xf32>
    %reduce_max3A_91 = vector.multi_reduction <maximumf>, %add3A_51, %reduce_max3A [0] : vector<6144x128xf32> to vector<128xf32>
    %broadcast_in_dim3A = vector.shape_cast %reduce_max3A_91 : vector<128xf32> to vector<1x128xf32>
    %max3A_92 = arith.maximumf %get3A_90, %broadcast_in_dim3A : vector<1x128xf32>
    %swap3A_93 = arith.constant 0 : index
    %swap3A_94 = arith.constant 0 : index
    %swap3A_95 = vector.load %arg11[%swap3A_93, %swap3A_94] : memref<8x128xf32, #tpu.memory_space<vmem>>, vector<1x128xf32>
    tpu.vector_store %arg11[%swap3A_93, %swap3A_94], %max3A_92 {strides = array<i32>} : memref<8x128xf32, #tpu.memory_space<vmem>>, vector<1x128xf32>,
    %eq3A_96 = arith.constant 53 : i32
    %eq3A_97 = arith.cmpi eq, %arg0, %eq3A_96 : i32
    %convert_element_type3A_98 = arith.extui %eq3A_97 : i1 to i32
    %cond3A_99 = arith.constant 0 : i32
    %cond3A_100 = arith.cmpi ne, %convert_element_type3A_98, %cond3A_99 : i32
    scf.if %cond3A_100 {
      %get3A_101 = arith.constant 0 : index
      %get3A_102 = arith.constant 0 : index
      %get3A_103 = vector.load %arg11[%get3A_101, %get3A_102] : memref<8x128xf32, #tpu.memory_space<vmem>>, vector<1x128xf32>
      %broadcast_in_dim3A_104 = vector.shape_cast %get3A_103 : vector<1x128xf32> to vector<1x128xf32>
      %broadcast_in_dim3A_105 = vector.broadcast %broadcast_in_dim3A_104 : vector<1x128xf32> to vector<8x128xf32>
      %swap3A_106 = arith.constant 0 : index
      %swap3A_107 = arith.constant 0 : index
      %swap3A_108 = vector.load %arg10[%swap3A_106, %swap3A_107] : memref<8x128xf32, #tpu.memory_space<vmem>>, vector<8x128xf32>
      tpu.vector_store %arg10[%swap3A_106, %swap3A_107], %broadcast_in_dim3A_105 {strides = array<i32>} : memref<8x128xf32, #tpu.memory_space<vmem>>, vector<8x128xf32>,
    } else {
    }
    return
  }
  func.func @transform_0(%arg0: i32) -> (i32, i32) {
    %c0_i32 = arith.constant 0 : i32
    %c0_i32_0 = arith.constant 0 : i32
    return %arg0, %c0_i32 : i32, i32
  }
  func.func @transform_1(%arg0: i32) -> (i32, i32) {
    %c0_i32 = arith.constant 0 : i32
    %c0_i32_0 = arith.constant 0 : i32
    %c0_i32_1 = arith.constant 0 : i32
    return %c0_i32, %c0_i32_0 : i32, i32
  }
  func.func @transform_2(%arg0: i32) -> (i32, i32) {
    %c0_i32 = arith.constant 0 : i32
    %c0_i32_0 = arith.constant 0 : i32
    %c0_i32_1 = arith.constant 0 : i32
    return %c0_i32, %c0_i32_0 : i32, i32
  }
  func.func @transform_3(%arg0: i32) -> (i32, i32) {
    %c0_i32 = arith.constant 0 : i32
    %c0_i32_0 = arith.constant 0 : i32
    %c0_i32_1 = arith.constant 0 : i32
    return %c0_i32, %c0_i32_0 : i32, i32
  }
  func.func @transform_4(%arg0: i32) -> (i32, i32) {
    %c0_i32 = arith.constant 0 : i32
    %c0_i32_0 = arith.constant 0 : i32
    %c0_i32_1 = arith.constant 0 : i32
    return %c0_i32, %c0_i32_0 : i32, i32
  }
  func.func @transform_5(%arg0: i32) -> (i32, i32) {
    %c0_i32 = arith.constant 0 : i32
    %c0_i32_0 = arith.constant 0 : i32
    %c0_i32_1 = arith.constant 0 : i32
    return %c0_i32, %c0_i32_0 : i32, i32
  }
  func.func @transform_6(%arg0: i32) -> (i32, i32) {
    %c0_i32 = arith.constant 0 : i32
    %c0_i32_0 = arith.constant 0 : i32
    %c0_i32_1 = arith.constant 0 : i32
    return %c0_i32, %c0_i32_0 : i32, i32
  }
  func.func @transform_7(%arg0: i32) -> (i32, i32) {
    %c0_i32 = arith.constant 0 : i32
    %c0_i32_0 = arith.constant 0 : i32
    %c0_i32_1 = arith.constant 0 : i32
    return %c0_i32, %c0_i32_0 : i32, i32
  }
  func.func @transform_8(%arg0: i32) -> (i32, i32) {
    %c0_i32 = arith.constant 0 : i32
    %c0_i32_0 = arith.constant 0 : i32
    return %arg0, %c0_i32 : i32, i32
  }
  func.func @transform_9(%arg0: i32) -> (i32, i32) {
    %c0_i32 = arith.constant 0 : i32
    %c0_i32_0 = arith.constant 0 : i32
    %c0_i32_1 = arith.constant 0 : i32
    return %c0_i32, %c0_i32_0 : i32, i32
  }
}

module attributes {stable_mosaic.version = 14 : i64} {
  func.func @_k5b_body(%arg0: i32, %arg1: memref<6144x128xi32, #tpu.memory_space<vmem>>, %arg2: memref<6144x128xi32, #tpu.memory_space<vmem>>, %arg3: memref<8x128xf32, #tpu.memory_space<vmem>>, %arg4: memref<6144x128xf32, #tpu.memory_space<vmem>>, %arg5: memref<6144x128xf32, #tpu.memory_space<vmem>>) attributes {dimension_semantics = [#tpu.dimension_semantics<arbitrary>], iteration_bounds = array<i64: 26>, scalar_prefetch = 0 : i64, scratch_operands = 0 : i64, tpu.core_type = #tpu.core_type<tc>, window_params = [{transform_indices = @transform_0, window_bounds = array<i64: 6144, 128>}, {transform_indices = @transform_1, window_bounds = array<i64: 6144, 128>}, {pipeline_mode = #tpu.pipeline_mode<synchronous>, transform_indices = @transform_2, window_bounds = array<i64: 8, 128>}, {transform_indices = @transform_3, window_bounds = array<i64: 6144, 128>}, {transform_indices = @transform_4, window_bounds = array<i64: 6144, 128>}]} {
    %get3A = arith.constant 0 : index
    %get3A_0 = arith.constant 0 : index
    %get3A_1 = vector.load %arg1[%get3A, %get3A_0] : memref<6144x128xi32, #tpu.memory_space<vmem>>, vector<6144x128xi32>
    %and3A = arith.constant -65536 : i32
    %and3A_2 = vector.broadcast %and3A : i32 to vector<6144x128xi32>
    %and3A_3 = arith.andi %get3A_1, %and3A_2 : vector<6144x128xi32>
    %bitcast_convert_type3A = tpu.bitcast %and3A_3 : vector<6144x128xi32> -> vector<6144x128xf32>
    %get3A_4 = arith.constant 0 : index
    %get3A_5 = arith.constant 0 : index
    %get3A_6 = vector.load %arg3[%get3A_4, %get3A_5] : memref<8x128xf32, #tpu.memory_space<vmem>>, vector<1x128xf32>
    %sub3A = vector.broadcast %get3A_6 : vector<1x128xf32> to vector<6144x128xf32>
    %sub3A_7 = arith.subf %bitcast_convert_type3A, %sub3A : vector<6144x128xf32>
    %exp3A = math.exp %sub3A_7 : vector<6144x128xf32>
    %swap3A = arith.constant 0 : index
    %swap3A_8 = arith.constant 0 : index
    %swap3A_9 = vector.load %arg4[%swap3A, %swap3A_8] : memref<6144x128xf32, #tpu.memory_space<vmem>>, vector<6144x128xf32>
    tpu.vector_store %arg4[%swap3A, %swap3A_8], %exp3A {strides = array<i32>} : memref<6144x128xf32, #tpu.memory_space<vmem>>, vector<6144x128xf32>,
    %get3A_10 = arith.constant 0 : index
    %get3A_11 = arith.constant 0 : index
    %get3A_12 = vector.load %arg2[%get3A_10, %get3A_11] : memref<6144x128xi32, #tpu.memory_space<vmem>>, vector<6144x128xi32>
    %and3A_13 = arith.constant -65536 : i32
    %and3A_14 = vector.broadcast %and3A_13 : i32 to vector<6144x128xi32>
    %and3A_15 = arith.andi %get3A_12, %and3A_14 : vector<6144x128xi32>
    %bitcast_convert_type3A_16 = tpu.bitcast %and3A_15 : vector<6144x128xi32> -> vector<6144x128xf32>
    %shift_left3A = arith.constant 16 : i32
    %shift_left3A_17 = vector.broadcast %shift_left3A : i32 to vector<6144x128xi32>
    %shift_left3A_18 = arith.shli %get3A_1, %shift_left3A_17 : vector<6144x128xi32>
    %bitcast_convert_type3A_19 = tpu.bitcast %shift_left3A_18 : vector<6144x128xi32> -> vector<6144x128xf32>
    %add3A = arith.addf %bitcast_convert_type3A_16, %bitcast_convert_type3A_19 : vector<6144x128xf32>
    %mul3A = arith.mulf %exp3A, %add3A : vector<6144x128xf32>
    %swap3A_20 = arith.constant 0 : index
    %swap3A_21 = arith.constant 0 : index
    %swap3A_22 = vector.load %arg5[%swap3A_20, %swap3A_21] : memref<6144x128xf32, #tpu.memory_space<vmem>>, vector<6144x128xf32>
    tpu.vector_store %arg5[%swap3A_20, %swap3A_21], %mul3A {strides = array<i32>} : memref<6144x128xf32, #tpu.memory_space<vmem>>, vector<6144x128xf32>,
    return
  }
  func.func @transform_0(%arg0: i32) -> (i32, i32) {
    %add3A = arith.constant 0 : i32
    %add3A_0 = arith.addi %arg0, %add3A : i32
    %c0_i32 = arith.constant 0 : i32
    %c0_i32_1 = arith.constant 0 : i32
    return %add3A_0, %c0_i32 : i32, i32
  }
  func.func @transform_1(%arg0: i32) -> (i32, i32) {
    %add3A = arith.constant 0 : i32
    %add3A_0 = arith.addi %arg0, %add3A : i32
    %c1_i32 = arith.constant 1 : i32
    %c0_i32 = arith.constant 0 : i32
    return %add3A_0, %c1_i32 : i32, i32
  }
  func.func @transform_2(%arg0: i32) -> (i32, i32) {
    %c0_i32 = arith.constant 0 : i32
    %c0_i32_0 = arith.constant 0 : i32
    %c0_i32_1 = arith.constant 0 : i32
    return %c0_i32, %c0_i32_0 : i32, i32
  }
  func.func @transform_3(%arg0: i32) -> (i32, i32) {
    %c0_i32 = arith.constant 0 : i32
    %c0_i32_0 = arith.constant 0 : i32
    return %arg0, %c0_i32 : i32, i32
  }
  func.func @transform_4(%arg0: i32) -> (i32, i32) {
    %c0_i32 = arith.constant 0 : i32
    %c0_i32_0 = arith.constant 0 : i32
    return %arg0, %c0_i32 : i32, i32
  }
}

module attributes {stable_mosaic.version = 14 : i64} {
  func.func @_k5b_body(%arg0: i32, %arg1: memref<6144x128xi32, #tpu.memory_space<vmem>>, %arg2: memref<6144x128xi32, #tpu.memory_space<vmem>>, %arg3: memref<8x128xf32, #tpu.memory_space<vmem>>, %arg4: memref<6144x128xf32, #tpu.memory_space<vmem>>, %arg5: memref<6144x128xf32, #tpu.memory_space<vmem>>) attributes {dimension_semantics = [#tpu.dimension_semantics<arbitrary>], iteration_bounds = array<i64: 28>, scalar_prefetch = 0 : i64, scratch_operands = 0 : i64, tpu.core_type = #tpu.core_type<tc>, window_params = [{transform_indices = @transform_0, window_bounds = array<i64: 6144, 128>}, {transform_indices = @transform_1, window_bounds = array<i64: 6144, 128>}, {pipeline_mode = #tpu.pipeline_mode<synchronous>, transform_indices = @transform_2, window_bounds = array<i64: 8, 128>}, {transform_indices = @transform_3, window_bounds = array<i64: 6144, 128>}, {transform_indices = @transform_4, window_bounds = array<i64: 6144, 128>}]} {
    %get3A = arith.constant 0 : index
    %get3A_0 = arith.constant 0 : index
    %get3A_1 = vector.load %arg1[%get3A, %get3A_0] : memref<6144x128xi32, #tpu.memory_space<vmem>>, vector<6144x128xi32>
    %and3A = arith.constant -65536 : i32
    %and3A_2 = vector.broadcast %and3A : i32 to vector<6144x128xi32>
    %and3A_3 = arith.andi %get3A_1, %and3A_2 : vector<6144x128xi32>
    %bitcast_convert_type3A = tpu.bitcast %and3A_3 : vector<6144x128xi32> -> vector<6144x128xf32>
    %get3A_4 = arith.constant 0 : index
    %get3A_5 = arith.constant 0 : index
    %get3A_6 = vector.load %arg3[%get3A_4, %get3A_5] : memref<8x128xf32, #tpu.memory_space<vmem>>, vector<1x128xf32>
    %sub3A = vector.broadcast %get3A_6 : vector<1x128xf32> to vector<6144x128xf32>
    %sub3A_7 = arith.subf %bitcast_convert_type3A, %sub3A : vector<6144x128xf32>
    %exp3A = math.exp %sub3A_7 : vector<6144x128xf32>
    %swap3A = arith.constant 0 : index
    %swap3A_8 = arith.constant 0 : index
    %swap3A_9 = vector.load %arg4[%swap3A, %swap3A_8] : memref<6144x128xf32, #tpu.memory_space<vmem>>, vector<6144x128xf32>
    tpu.vector_store %arg4[%swap3A, %swap3A_8], %exp3A {strides = array<i32>} : memref<6144x128xf32, #tpu.memory_space<vmem>>, vector<6144x128xf32>,
    %get3A_10 = arith.constant 0 : index
    %get3A_11 = arith.constant 0 : index
    %get3A_12 = vector.load %arg2[%get3A_10, %get3A_11] : memref<6144x128xi32, #tpu.memory_space<vmem>>, vector<6144x128xi32>
    %and3A_13 = arith.constant -65536 : i32
    %and3A_14 = vector.broadcast %and3A_13 : i32 to vector<6144x128xi32>
    %and3A_15 = arith.andi %get3A_12, %and3A_14 : vector<6144x128xi32>
    %bitcast_convert_type3A_16 = tpu.bitcast %and3A_15 : vector<6144x128xi32> -> vector<6144x128xf32>
    %shift_left3A = arith.constant 16 : i32
    %shift_left3A_17 = vector.broadcast %shift_left3A : i32 to vector<6144x128xi32>
    %shift_left3A_18 = arith.shli %get3A_1, %shift_left3A_17 : vector<6144x128xi32>
    %bitcast_convert_type3A_19 = tpu.bitcast %shift_left3A_18 : vector<6144x128xi32> -> vector<6144x128xf32>
    %add3A = arith.addf %bitcast_convert_type3A_16, %bitcast_convert_type3A_19 : vector<6144x128xf32>
    %mul3A = arith.mulf %exp3A, %add3A : vector<6144x128xf32>
    %swap3A_20 = arith.constant 0 : index
    %swap3A_21 = arith.constant 0 : index
    %swap3A_22 = vector.load %arg5[%swap3A_20, %swap3A_21] : memref<6144x128xf32, #tpu.memory_space<vmem>>, vector<6144x128xf32>
    tpu.vector_store %arg5[%swap3A_20, %swap3A_21], %mul3A {strides = array<i32>} : memref<6144x128xf32, #tpu.memory_space<vmem>>, vector<6144x128xf32>,
    return
  }
  func.func @transform_0(%arg0: i32) -> (i32, i32) {
    %add3A = arith.constant 26 : i32
    %add3A_0 = arith.addi %arg0, %add3A : i32
    %c0_i32 = arith.constant 0 : i32
    %c0_i32_1 = arith.constant 0 : i32
    return %add3A_0, %c0_i32 : i32, i32
  }
  func.func @transform_1(%arg0: i32) -> (i32, i32) {
    %add3A = arith.constant 26 : i32
    %add3A_0 = arith.addi %arg0, %add3A : i32
    %c1_i32 = arith.constant 1 : i32
    %c0_i32 = arith.constant 0 : i32
    return %add3A_0, %c1_i32 : i32, i32
  }
  func.func @transform_2(%arg0: i32) -> (i32, i32) {
    %c0_i32 = arith.constant 0 : i32
    %c0_i32_0 = arith.constant 0 : i32
    %c0_i32_1 = arith.constant 0 : i32
    return %c0_i32, %c0_i32_0 : i32, i32
  }
  func.func @transform_3(%arg0: i32) -> (i32, i32) {
    %c0_i32 = arith.constant 0 : i32
    %c0_i32_0 = arith.constant 0 : i32
    return %arg0, %c0_i32 : i32, i32
  }
  func.func @transform_4(%arg0: i32) -> (i32, i32) {
    %c0_i32 = arith.constant 0 : i32
    %c0_i32_0 = arith.constant 0 : i32
    return %arg0, %c0_i32 : i32, i32
  }
}

module attributes {stable_mosaic.version = 14 : i64} {
  func.func @_k7_body(%arg0: memref<10000x128xf32, #tpu.memory_space<vmem>>, %arg1: memref<10000x128xf32, #tpu.memory_space<vmem>>, %arg2: memref<10000x128xf32, #tpu.memory_space<vmem>>) attributes {dimension_semantics = [], scalar_prefetch = 0 : i64, scratch_operands = 0 : i64, tpu.core_type = #tpu.core_type<tc>} {
    %get3A = arith.constant 0 : index
    %get3A_0 = arith.constant 0 : index
    %get3A_1 = vector.load %arg0[%get3A, %get3A_0] : memref<10000x128xf32, #tpu.memory_space<vmem>>, vector<10000x128xf32>
    %get3A_2 = arith.constant 0 : index
    %get3A_3 = arith.constant 0 : index
    %get3A_4 = vector.load %arg1[%get3A_2, %get3A_3] : memref<10000x128xf32, #tpu.memory_space<vmem>>, vector<10000x128xf32>
    %add3A = arith.constant 1.000000e-16 : f32
    %add3A_5 = vector.broadcast %add3A : f32 to vector<10000x128xf32>
    %add3A_6 = arith.addf %get3A_4, %add3A_5 : vector<10000x128xf32>
    %div3A = arith.divf %get3A_1, %add3A_6 : vector<10000x128xf32>
    %swap3A = arith.constant 0 : index
    %swap3A_7 = arith.constant 0 : index
    %swap3A_8 = vector.load %arg2[%swap3A, %swap3A_7] : memref<10000x128xf32, #tpu.memory_space<vmem>>, vector<10000x128xf32>
    tpu.vector_store %arg2[%swap3A, %swap3A_7], %div3A {strides = array<i32>} : memref<10000x128xf32, #tpu.memory_space<vmem>>, vector<10000x128xf32>,
    return
  }
}

</mosaic_0001>

<sc_bundles>
// kernel: kernel.12.cloned.1.call-start
scs
__scs_entry_jumppad:
0x0: {  	(pc) =	sbr.rel $0x88, $3  }
0x1: {  	(tag) =	ssettag $0x0;
	lr =	simm.s32 $0x1  }
0x2: {  	[smem:$0x3F8F] =	sst lr;
	_ =	strace $0xD0000000  }
0x3: {  	_ = 	snop  }
0x4: {  	_ = 	snop  }
0x5: {  	_ = 	snop  }
0x6: {  	_ = 	snop  }
0x7: {  	_ = 	snop  }
__scs_overlays_trampoline_lowered:
0x8: {  	[smem:$0x3F9E] =	sst s0  }
0x9: {  	[smem:$0x3F9F] =	sst s1  }
0xa: {  	[smem:$0x3FA0] =	sst s2  }
0xb: {  	[smem:$0x3FA1] =	sst s3  }
0xc: {  	[smem:$0x3FA2] =	sst s4  }
0xd: {  	[smem:$0x3FA3] =	sst s5  }
0xe: {  	[smem:$0x3FA4] =	sst s6  }
0xf: {  	[smem:$0x3FA5] =	sst s7  }
0x10: {  	[smem:$0x3FA6] =	sst s8  }
0x11: {  	[smem:$0x3FA7] =	sst s9;
	s0 =	simm.s32 @!p0 $0x0  }
0x12: {  	s1 =	sld [smem:$0x3F8D];
	s0 =	simm.s32 @p0 $0x1  }
0x13: {  	[smem:$0x3FA8] =	sst s0;
	s0 =	simm.s32 @!p1 $0x0  }
0x14: {  	s2 =	sld [smem:$0x3F8C];
	s0 =	simm.s32 @p1 $0x1  }
0x15: {  	[smem:$0x3FA9] =	sst s0;
	s0 =	simm.s32 @!p2 $0x0  }
0x16: {  	s3 =	sld [smem:$0x3FDB];
	s0 =	simm.s32 @p2 $0x1  }
0x17: {  	s4 =	simm.s32 $0x1BF5;
	[smem:$0x3FAB] =	sst s0  }
0x18: {  	s0 =	sld [smem:$0x3F8E];
	_ =	swait.ge [sflag:s4], $0x0  }
0x19: {  	s7 =	sld [smem:$0x3F8F]  }
0x1a: {  	s8 =	sadd.s32 $0xFFFFE003, lr  }
0x1b: {  	s9 =	sadd.s32 $0xFFFFFEF7, lr;
	s5 =	simm.s32 $0xFFFFFFFF;
	p2 =	slt.u32 s8, $0xFFFFF086  }
0x1c: {  	p1 =	slt.u32 s9, $0xF7A;
	s5 =	simm.s32 @!p2 $0x0  }
0x1d: {  	s5 =	simm.s32 @p1 $0x1;
	p0 =	seq.s32 s7, s2  }
0x1e: {  	s7 =	smul.u32 @!p0 $0xF7A, s2;
	p2 =	seq.s32 @!p0 s5, $0x0  }
0x1f: {  	s9 =	smul.u32 $0xF7A, s1;
	s8 =	simm.s32 @!p0 $0x1BF5;
	p2 =	por !p2, p0  }
0x20: {  	[sflag:s8] =	ssyncset.s32 @!p0 $0xFFFFF086;
	s6 =	sadd.s32 @!p0 s3, s7;
	s7 =	simm.s32 @!p0 $0x108  }
0x21: {  	s3 =	sadd.s32 s3, s9;
	s6 =	sadd.s32 @!p0 $0x88, s6;
	s7 =	simm.s32 @p2 $0x1082  }
0x22: {  	[simem:s7], [sflag:s8] =	dma.local @!p0 [hbm:s6], $0xF7A  }
0x23: {  	s9 =	sor.u32 $0xD0000000, s2;
	s6 =	simm.s32 $0x108;
	_ =	swait.ge @!p0 [sflag:s8], $0x0  }
0x24: {  	s3 =	sadd.s32 $0x88, s3;
	s6 =	simm.s32 @!p1 $0x1082;
	[sflag:s4] =	ssyncset.s32 $0xFFFFF086  }
0x25: {  	[simem:s6], [sflag:s4] =	dma.local [hbm:s3], $0xF7A  }
0x26: {  	[smem:$0x3F8F] =	sst s1;
	(tag) =	ssettag s2;
	_ =	strace s9  }
0x27: {  	s1 =	sld [smem:$0x3F9F]  }
0x28: {  	s2 =	sld [smem:$0x3FA0]  }
0x29: {  	s4 =	sld [smem:$0x3FA2]  }
0x2a: {  	p0 =	seq.s32 s5, $0x0;
	s5 =	sld [smem:$0x3FA3]  }
0x2b: {  	s6 =	sld [smem:$0x3FA4]  }
0x2c: {  	s7 =	sld [smem:$0x3FA5]  }
0x2d: {  	s3 =	simm.s32 $0x108;
	s8 =	sld [smem:$0x3FA6]  }
0x2e: {  	s3 =	simm.s32 @!p0 $0x1082;
	s9 =	sld [smem:$0x3FA7]  }
0x2f: {  	lr =	sadd.s32 s0, s3;
	s0 =	sld [smem:$0x3F9E]  }
0x30: {  	s3 =	sld [smem:$0x3FA1]  }
0x31: {  	[smem:$0x3FAA] =	sst s10  }
0x32: {  	s10 =	sld [smem:$0x3FA8];
	_ =	sdelay $0x3  }
0x33: {  	p0 =	seq.s32 s10, $0x1;
	s10 =	sld [smem:$0x3FAA];
	_ =	sdelay $0x3  }
0x34: {  	[smem:$0x3FAA] =	sst s10  }
0x35: {  	s10 =	sld [smem:$0x3FA9];
	_ =	sdelay $0x3  }
0x36: {  	p1 =	seq.s32 s10, $0x1;
	s10 =	sld [smem:$0x3FAA];
	_ =	sdelay $0x3  }
0x37: {  	[smem:$0x3FAA] =	sst s10  }
0x38: {  	s10 =	sld [smem:$0x3FAB]  }
0x39: {  	_ = 	snop;
	(pc) =	sbr.ind lr, $3  }
0x3a: {  	_ = 	snop  }
0x3b: {  	_ = 	snop  }
0x3c: {  	p2 =	seq.s32 s10, $0x1;
	s10 =	sld [smem:$0x3FAA]  }
0x3d: {  	_ =	shalt  }
0x3e: {  	_ =	shalt  }
0x3f: {  	_ =	shalt  }
0x40: {  	_ =	shalt  }
0x41: {  	_ =	shalt  }
0x42: {  	_ =	shalt  }
0x43: {  	_ =	shalt  }
0x44: {  	_ =	shalt  }
0x45: {  	_ =	shalt  }
0x46: {  	_ =	shalt  }
0x47: {  	_ =	shalt  }
0x48: {  	_ =	shalt  }
0x49: {  	_ =	shalt  }
0x4a: {  	_ =	shalt  }
0x4b: {  	_ =	shalt  }
0x4c: {  	_ =	shalt  }
0x4d: {  	_ =	shalt  }
0x4e: {  	_ =	shalt  }
0x4f: {  	_ =	shalt  }
0x50: {  	_ =	shalt  }
0x51: {  	_ =	shalt  }
0x52: {  	_ =	shalt  }
0x53: {  	_ =	shalt  }
0x54: {  	_ =	shalt  }
0x55: {  	_ =	shalt  }
0x56: {  	_ =	shalt  }
0x57: {  	_ =	shalt  }
0x58: {  	_ =	shalt  }
0x59: {  	_ =	shalt  }
0x5a: {  	_ =	shalt  }
0x5b: {  	_ =	shalt  }
0x5c: {  	_ =	shalt  }
0x5d: {  	_ =	shalt  }
0x5e: {  	_ =	shalt  }
0x5f: {  	_ =	shalt  }
0x60: {  	_ =	shalt  }
0x61: {  	_ =	shalt  }
0x62: {  	_ =	shalt  }
0x63: {  	_ =	shalt  }
0x64: {  	_ =	shalt  }
0x65: {  	_ =	shalt  }
0x66: {  	_ =	shalt  }
0x67: {  	_ =	shalt  }
0x68: {  	_ =	shalt  }
0x69: {  	_ =	shalt  }
0x6a: {  	_ =	shalt  }
0x6b: {  	_ =	shalt  }
0x6c: {  	_ =	shalt  }
0x6d: {  	_ =	shalt  }
0x6e: {  	_ =	shalt  }
0x6f: {  	_ =	shalt  }
0x70: {  	_ =	shalt  }
0x71: {  	_ =	shalt  }
0x72: {  	_ =	shalt  }
0x73: {  	_ =	shalt  }
0x74: {  	_ =	shalt  }
0x75: {  	_ =	shalt  }
0x76: {  	_ =	shalt  }
0x77: {  	_ =	shalt  }
0x78: {  	_ =	shalt  }
0x79: {  	_ =	shalt  }
0x7a: {  	_ =	shalt  }
0x7b: {  	_ =	shalt  }
0x7c: {  	_ =	shalt  }
0x7d: {  	_ =	shalt  }
0x7e: {  	_ =	shalt  }
0x7f: {  	_ =	shalt  }
0x80: {  	_ =	shalt  }
0x81: {  	_ =	shalt  }
0x82: {  	_ =	shalt  }
0x83: {  	_ =	shalt  }
0x84: {  	_ =	shalt  }
0x85: {  	_ =	shalt  }
0x86: {  	_ =	shalt  }
0x87: {  	_ =	shalt  }
.Lfunc_end0:
.L_simem_size_0:
called_computation_lowered:
.L_overlay_start_0:
0x88: {  	s2 =	sld [smem:$0x3FD9]  }
0x89: {  	s3 =	sld [smem:$0x3FFE];
	_ =	sdelay $0x1  }
0x8a: {  	s1 =	srdreg.scid  }
0x8b: {  	s0 =	sand.u32 $0x1, s1  }
0x8c: {  	s17 =	sshll.u32 s0, $0xA;
	s2 =	sadd.s32 s3, s2  }
0x8d: {  	s2 =	sadd.s32 s2, s17  }
0x8e: {  	[smem:$0x3FB6] =	sst s2  }
0x8f: {  	_ = 	snop  }
0x90: {  	s2 =	sld [smem:$0x3FD0];
	(tm) =	ssettm $0x1  }
0x91: {  	s18 =	sld [smem:$0x3FFB];
	_ =	sdelay $0x3  }
0x92: {  	_ =	strace s18  }
0x93: {  	s3 =	sld [smem:$0x3FFC];
	_ =	sdelay $0x3  }
0x94: {  	_ =	strace s3  }
0x95: {  	s3 =	sld [smem:$0x3FFD];
	_ =	sdelay $0x3  }
0x96: {  	_ =	strace s3  }
0x97: {  	_ =	strace $0x8FFFFFFF  }
0x98: {  	s19 =	sld [smem:$0x3FDB];
	_ =	sdelay $0x1  }
0x99: {  	s4 =	simm.s32 $_scs_section_size  }
0x9a: {  	s5 =	simm.s32 $_size__tile_overlayer_lowered;
	s6 =	simm.s32 $_tile_overlayer_lowered  }
0x9b: {  	s22 =	simm.s32 $0x1BFF;
	s21 =	sshll.u32 s6, $0x1;
	s3 =	sadd.s32 s4, s19  }
0x9c: {  	s7 =	simm.s32 $0x0;
	s20 =	sshll.u32 s5, $0x1;
	s5 =	sadd.s32 s21, s3  }
0x9d: {  	[timem:s7], [sflag:s22] =	dma.local [hbm:s5], s20  }
0x9e: {  	_ =	swait.ge [sflag:s22], s20  }
0x9f: {  	s4 =	ssub.s32 $0x0, s20;
	[sflag:s22] =	ssyncset.done $0x0  }
0xa0: {  	[sflag:s22] =	ssyncadd.s32 s4;
	_ =	sdelay $0x1  }
0xa1: {  	s23 =	simm.s32 $0x1B8B  }
0xa2: {  	_ =	swait.ge [sflag:s23], $0x1  }
0xa3: {  	[sflag:s23] =	ssyncset.done $0x0  }
0xa4: {  	s25 =	simm.s32 $0x1B8E;
	s24 =	sld [smem:$0x3FFE];
	[sflag:s23] =	ssyncadd.s32 $0xFFFFFFFF  }
0xa5: {  	s26 =	simm.s32 $execute0_lowered;
	[smem:$0x3FD2] =	sst s25  }
0xa6: {  	s5 =	sshll.u32 s26, $0x1;
	_ =	strace $0x80000046;
	[dreg:$0x1] =	wrdreg $0xFFFFFFFF  }
0xa7: {  	s28 =	simm.s32 $_size_execute0_lowered;
	s3 =	sadd.s32 s3, s5;
	[dreg:$0x0] =	wrdreg $0x0  }
0xa8: {  	s5 =	sshll.u32 s28, $0x1;
	[dreg:$0x2] =	wrdreg s3  }
0xa9: {  	[dreg:$0x3] =	wrdreg s5  }
0xaa: {  	[dreg:$0x4] =	wrdreg $0xC0  }
0xab: {  	_ =	task [dreg:s7], $0x5FFFF  }
0xac: {  	[dreg:$0x1] =	wrdreg $0xFFFFFFFF  }
0xad: {  	[dreg:$0x0] =	wrdreg $0x60  }
0xae: {  	[dreg:$0x2] =	wrdreg s24  }
0xaf: {  	[dreg:$0x3] =	wrdreg s2  }
0xb0: {  	[dreg:$0x4] =	wrdreg $0x9  }
0xb1: {  	_ =	task.clear_ibuf [dreg:s7], $0x5FFFF;
	_ =	strace $0x90000046  }
0xb2: {  	s29 =	simm.s32 $0x9;
	_ =	strace $0x80000048  }
0xb3: {  	_ =	swait.ge [sflag:s29], $0x1  }
0xb4: {  	[sflag:s29] =	ssyncadd.s32 $0xFFFFFFFF  }
0xb5: {  	_ =	strace $0x90000048  }
0xb6: {  	_ =	sfence  }
0xb7: {  	s30 =	sld [smem:$0x0];
	_ =	sdelay $0x2  }
0xb8: {  	s31 =	sshll.u32 s1, $0xD;
	s1 =	sshrl.u32 s1, $0x2  }
0xb9: {  	s3 =	sand.u32 $0x4000, s31;
	s1 =	sadd.s32 s1, s30  }
0xba: {  	s0 =	sor.u32 s3, s0;
	s1 =	sshll.u32 s1, $0x11  }
0xbb: {  	s0 =	sor.u32 s1, s0  }
0xbc: {  	s0 =	sadd.s32 $0x8F2B, s0  }
0xbd: {  	[sflag:s0] =	ssyncadd.remote.s32 $0x1  }
0xbe: {  	_ =	sfence.sel $0xFFFF  }
0xbf: {  	[dreg:$0x0] =	wrdreg $0xFFFFFFFF;
	(pc) =	sbr.abs _section_cstart, $3  }
0xc0: {  	[dreg:$0x1] =	wrdreg $0xFFFFFFFF  }
0xc1: {  	_ =	task.clear_ibuf [dreg:s7], $0x2FFFF;
	_ =	strace $0x9FFFFFFF  }
0xc2: {  	(tm) =	ssettm $0x7FFFFFFF  }
0xc3: {  	_ =	shalt  }
tec
execute0_lowered:
.L_overlay_start_1:
0x0: {  	(tag) =	ssettag $0x1  }
0x1: {  	s0 =	rddreg [dreg:$0x0];
	s1 =	srdreg.scid  }
0x2: {  	s7 =	stileid.u32;
	s2 =	rddreg [dreg:$0x1];
	s3 =	simm.s32 $0x0  }
0x3: {  	s12 =	simm.s32 $0x7000;
	s20 =	simm.s32 $0xB000;
	s21 =	simm.s32 $0xB800  }
0x4: {  	s28 =	simm.s32 $0xD000;
	s29 =	simm.s32 $0xD800;
	s30 =	simm.s32 $0xE000  }
0x5: {  	s31 =	simm.s32 $0xE800;
	s11 =	simm.s32 $0x11800;
	s10 =	simm.s32 $0x16000  }
0x6: {  	s13 =	simm.s32 $0x3;
	s14 =	simm.s32 $0x2;
	s6 =	smul.u32 $0xA2000, s7  }
0x7: {  	s1 =	sand.u32 $0x1, s1;
	s4 =	sshll.u32 s7, $0x1;
	s7 =	smul.u32 $0x51000, s7  }
0x8: {  	s17 =	simm.s32 $0x0;
	[smem:$0x7FF] =	sst s3;
	s9 =	smul.u32 $0x51000, s1  }
0x9: {  	s4 =	sor.u32 s1, s4;
	s8 =	ssub.s32 $0x2, s1;
	s1 =	smul.u32 $0x28800, s1  }
0xa: {  	_ =	strace $0x80000047;
	s5 =	smul.u32 $0x700, s4;
	s6 =	sadd.s32 s6, s0  }
0xb: {  	s4 =	sadd.s32 $0x20800, s0;
	s22 =	sshrl.u32 s8, $0x1;
	s25 =	sadd.s32 s9, s6  }
0xc: {  	s6 =	simm.s32 $0x10800;
	s9 =	simm.s32 $0x12800;
	s5 =	sadd.s32 s5, s0  }
0xd: {  	s0 =	sadd.s32 s7, s0;
	s7 =	ssub.s32 s8, s22;
	s26 =	sadd.s32 $0x57F600, s25  }
0xe: {  	s22 =	simm.s32 $0xC000;
	s25 =	simm.s32 $0x13000;
	s8 =	simm.s32 $0x12000  }
0xf: {  	s23 =	sadd.s32 $0x12800, s5;
	s5 =	sadd.s32 $0x4800, s5;
	[dreg:$0x6] =	wrdreg s26  }
.Ltmp0:
0x10: {  	s24 =	smax.u32 s7, $0x1;
	[dreg:$0x3] =	wrdreg s23;
	(pc) =	sbr.rel .LBB2_1-.Ltmp0, $4  }
0x11: {  	s0 =	sadd.s32 s1, s0;
	s26 =	simm.s32 $0x1;
	[dreg:$0x4] =	wrdreg s5  }
0x12: {  	v2 =	vlaneseq.u32;
	s1 =	simm.s32 $0xF000;
	s7 =	simm.s32 $0x11000;
	[dreg:$0x5] =	wrdreg s24  }
0x13: {  	vm0 =	vmmov $0xffff;
	v1 =	vshrl.u32 v2, $0x3;
	s0 =	sadd.s32 $0x6F000, s0;
	s23 =	simm.s32 $0xC800;
	s24 =	simm.s32 $0x60  }
0x14: {  	v0 =	vand.u32 $0x7, v2;
	v2 =	vor.u32 $0x8, v2;
	v1 =	vmul.u32 $0x8, v1;
	s5 =	simm.s32 $0x10000;
	[dreg:$0x7] =	wrdreg s0;
	s0 =	simm.s32 $0xF800  }
.LBB2_5:
0x15: {  	s16 =	simm.s32 $0x4  }
0x16: {  	_ =	swait.ge [sflag:s16], $0x6000  }
0x17: {  	[sflag:s16] =	ssyncset.done $0x0  }
0x18: {  	[sflag:s16] =	ssyncadd.s32 $0xFFFFA000  }
0x19: {  	_ =	swait.ge [sflag:s16], $0x3000  }
0x1a: {  	s17 =	rddreg [dreg:$0x8]  }
0x1b: {  	s15 =	rddreg [dreg:$0x5];
	s17 =	sadd.s32 $0x1, s17  }
0x1c: {  	p0 =	sne.s32 s17, s15  }
.Ltmp1:
0x1d: {  	_ = 	snop;
	(pc) =	sbr.rel @!p0 .LBB2_6-.Ltmp1, $3  }
0x1e: {  	_ =	sdelay $0x1  }
0x1f: {  	[sflag:s16] =	ssyncset.done $0x0  }
0x20: {  	[sflag:s16] =	ssyncadd.s32 $0xFFFFD000  }
.LBB2_1:
0x21: {  	[dreg:$0x8] =	wrdreg s17  }
0x22: {  	s15 =	rddreg [dreg:$0x3];
	s16 =	simm.s32 $0x5  }
0x23: {  	[tilespmem:s3], [sflag:$0x5] =	stream.linear.gather [hbm4b:s15+s3], $0x3600, $0x38;
	[tilespmem:$0x19000] =	vst v63  }
0x24: {  	_ =	swait.ge [sflag:s16], $0x3600  }
0x25: {  	[sflag:s16] =	ssyncset.done $0x0  }
0x26: {  	s17 =	simm.s32 $0x3800;
	s18 =	rddreg [dreg:$0x4];
	[sflag:s16] =	ssyncadd.s32 $0xFFFFCA00  }
0x27: {  	[tilespmem:s17], [sflag:$0x5] =	stream.linear.gather [hbm4b:s18+s3], $0x3600, $0x38;
	[tilespmem:$0x19000] =	vst v63  }
0x28: {  	_ =	swait.ge [sflag:s16], $0x3600  }
0x29: {  	[sflag:s16] =	ssyncset.done $0x0  }
0x2a: {  	[sflag:s16] =	ssyncadd.s32 $0xFFFFCA00  }
0x2b: {  	v3 =	vld [tilespmem:$0x0];
	_ =	sdelay $0x4  }
0x2c: {  	v4 =	vshll.u32 v3, $0x1  }
0x2d: {  	v3 =	vand.u32 $0x7, v3;
	v4 =	vand.u32 $0xFFFFFFF0, v4  }
0x2e: {  	v3 =	vor.u32 v3, v4  }
0x2f: {  	v4 =	vperm.xlane v3, v0;
	_ =	sdelay $0x1  }
0x30: {  	v3 =	vperm.xlane v3, v2;
	v4 =	vadd.s32 v1, v4;
	_ =	sdelay $0x1  }
0x31: {  	v3 =	vadd.s32 v1, v3;
	_ =	sdelay $0x2  }
0x32: {  	[tilespmem:s12], [sflag:$0x1] =	stream.indirect_vreg.gather [hbm4b:s4+s3], $0x80, v4, vm0, $0xb8;
	[tilespmem:$0x19000] =	vst v63  }
0x33: {  	s19 =	simm.s32 $0x7800  }
0x34: {  	[tilespmem:s19], [sflag:$0x1] =	stream.indirect_vreg.gather [hbm4b:s4+s3], $0x80, v3, vm0, $0xb8;
	[tilespmem:$0x19000] =	vst v63  }
0x35: {  	v3 =	vld [tilespmem:$0x10];
	_ =	sdelay $0x4  }
0x36: {  	v59 =	vshll.u32 v3, $0x1  }
0x37: {  	v3 =	vand.u32 $0x7, v3;
	v4 =	vand.u32 $0xFFFFFFF0, v59  }
0x38: {  	v3 =	vor.u32 v3, v4  }
0x39: {  	v4 =	vperm.xlane v3, v0;
	_ =	sdelay $0x1  }
0x3a: {  	v3 =	vperm.xlane v3, v2;
	v4 =	vadd.s32 v1, v4;
	_ =	sdelay $0x1  }
0x3b: {  	v3 =	vadd.s32 v1, v3;
	_ =	sdelay $0x1  }
0x3c: {  	s16 =	simm.s32 $0x8000  }
0x3d: {  	[tilespmem:s16], [sflag:$0x1] =	stream.indirect_vreg.gather [hbm4b:s4+s3], $0x80, v4, vm0, $0xb8;
	[tilespmem:$0x19000] =	vst v63  }
0x3e: {  	s18 =	simm.s32 $0x8800  }
0x3f: {  	[tilespmem:s18], [sflag:$0x1] =	stream.indirect_vreg.gather [hbm4b:s4+s3], $0x80, v3, vm0, $0xb8;
	[tilespmem:$0x19000] =	vst v63  }
0x40: {  	v3 =	vld [tilespmem:$0x20];
	_ =	sdelay $0x4  }
0x41: {  	v60 =	vshll.u32 v3, $0x1  }
0x42: {  	v3 =	vand.u32 $0x7, v3;
	v4 =	vand.u32 $0xFFFFFFF0, v60  }
0x43: {  	v3 =	vor.u32 v3, v4  }
0x44: {  	v4 =	vperm.xlane v3, v0;
	_ =	sdelay $0x1  }
0x45: {  	v3 =	vperm.xlane v3, v2;
	v4 =	vadd.s32 v1, v4;
	_ =	sdelay $0x1  }
0x46: {  	v3 =	vadd.s32 v1, v3;
	_ =	sdelay $0x1  }
0x47: {  	s19 =	simm.s32 $0x9000  }
0x48: {  	[tilespmem:s19], [sflag:$0x1] =	stream.indirect_vreg.gather [hbm4b:s4+s3], $0x80, v4, vm0, $0xb8;
	[tilespmem:$0x19000] =	vst v63  }
0x49: {  	s16 =	simm.s32 $0x9800  }
0x4a: {  	[tilespmem:s16], [sflag:$0x1] =	stream.indirect_vreg.gather [hbm4b:s4+s3], $0x80, v3, vm0, $0xb8;
	[tilespmem:$0x19000] =	vst v63  }
0x4b: {  	v3 =	vld [tilespmem:$0x30];
	_ =	sdelay $0x4  }
0x4c: {  	v61 =	vshll.u32 v3, $0x1  }
0x4d: {  	v3 =	vand.u32 $0x7, v3;
	v4 =	vand.u32 $0xFFFFFFF0, v61  }
0x4e: {  	v3 =	vor.u32 v3, v4  }
0x4f: {  	v4 =	vperm.xlane v3, v0;
	_ =	sdelay $0x1  }
0x50: {  	v3 =	vperm.xlane v3, v2;
	v4 =	vadd.s32 v1, v4;
	_ =	sdelay $0x1  }
0x51: {  	v3 =	vadd.s32 v1, v3;
	_ =	sdelay $0x1  }
0x52: {  	s18 =	simm.s32 $0xA000  }
0x53: {  	[tilespmem:s18], [sflag:$0x1] =	stream.indirect_vreg.gather [hbm4b:s4+s3], $0x80, v4, vm0, $0xb8;
	[tilespmem:$0x19000] =	vst v63  }
0x54: {  	s19 =	simm.s32 $0xA800  }
0x55: {  	[tilespmem:s19], [sflag:$0x1] =	stream.indirect_vreg.gather [hbm4b:s4+s3], $0x80, v3, vm0, $0xb8;
	[tilespmem:$0x19000] =	vst v63  }
0x56: {  	v3 =	vld [tilespmem:$0x40];
	_ =	sdelay $0x4  }
0x57: {  	v62 =	vshll.u32 v3, $0x1  }
0x58: {  	v3 =	vand.u32 $0x7, v3;
	v4 =	vand.u32 $0xFFFFFFF0, v62  }
0x59: {  	v3 =	vor.u32 v3, v4  }
0x5a: {  	v4 =	vperm.xlane v3, v0;
	_ =	sdelay $0x1  }
0x5b: {  	v3 =	vperm.xlane v3, v2;
	v4 =	vadd.s32 v1, v4;
	_ =	sdelay $0x1  }
0x5c: {  	v3 =	vadd.s32 v1, v3;
	_ =	sdelay $0x2  }
0x5d: {  	[tilespmem:s20], [sflag:$0x1] =	stream.indirect_vreg.gather [hbm4b:s4+s3], $0x80, v4, vm0, $0xb8;
	[tilespmem:$0x19000] =	vst v63  }
0x5e: {  	_ = 	snop  }
0x5f: {  	[tilespmem:s21], [sflag:$0x1] =	stream.indirect_vreg.gather [hbm4b:s4+s3], $0x80, v3, vm0, $0xb8;
	[tilespmem:$0x19000] =	vst v63  }
0x60: {  	v3 =	vld [tilespmem:$0x50];
	_ =	sdelay $0x4  }
0x61: {  	v63 =	vshll.u32 v3, $0x1  }
0x62: {  	v3 =	vand.u32 $0x7, v3;
	v4 =	vand.u32 $0xFFFFFFF0, v63  }
0x63: {  	v3 =	vor.u32 v3, v4  }
0x64: {  	v4 =	vperm.xlane v3, v0;
	_ =	sdelay $0x1  }
0x65: {  	v3 =	vperm.xlane v3, v2;
	v4 =	vadd.s32 v1, v4;
	_ =	sdelay $0x1  }
0x66: {  	v3 =	vadd.s32 v1, v3;
	_ =	sdelay $0x2  }
0x67: {  	[tilespmem:s22], [sflag:$0x1] =	stream.indirect_vreg.gather [hbm4b:s4+s3], $0x80, v4, vm0, $0xb8;
	[tilespmem:$0x19000] =	vst v63  }
.Ltmp2:
0x68: {  	_ = 	snop;
	(pc) =	sbr.rel .LBB2_2-.Ltmp2, $4  }
0x69: {  	[tilespmem:s23], [sflag:$0x1] =	stream.indirect_vreg.gather [hbm4b:s4+s3], $0x80, v3, vm0, $0xb8;
	[tilespmem:$0x19000] =	vst v63  }
0x6a: {  	s15 =	rddreg [dreg:$0x7]  }
0x6b: {  	[tilespmem:s25], [sflag:$0x1] =	stream.indirect.gather [hbm4b:s2+s24], $0x80, s17, s24, $0xb8;
	[tilespmem:$0x19000] =	vst v63  }
0x6c: {  	s16 =	rddreg [dreg:$0x6];
	s17 =	simm.s32 $0x0  }
.LBB2_4:
0x6d: {  	_ =	swait.ge [sflag:s14], $0x6000  }
0x6e: {  	[sflag:s14] =	ssyncset.done $0x0  }
0x6f: {  	[sflag:s14] =	ssyncadd.s32 $0xFFFFA000  }
0x70: {  	s17 =	sadd.s32 $0x400, s17;
	_ =	swait.ge [sflag:s14], $0x3000  }
0x71: {  	p0 =	sne.s32 s17, $0xD800;
	[sflag:s14] =	ssyncset.done $0x0  }
.Ltmp3:
0x72: {  	[sflag:s14] =	ssyncadd.s32 $0xFFFFD000;
	(pc) =	sbr.rel @!p0 .LBB2_5-.Ltmp3, $4  }
0x73: {  	[hbm4b:s16+s3] =	stream.linear.scatter [tilespmem:s28], [sflag:$0x4], $0x6000, $0x38;
	[tilespmem:$0x19000] =	vst v63  }
0x74: {  	_ = 	snop  }
0x75: {  	[hbm4b:s15+s3] =	stream.linear.scatter [tilespmem:s10], [sflag:$0x4], $0x3000, $0x38;
	[tilespmem:$0x19000] =	vst v63  }
0x76: {  	s16 =	sadd.s32 $0x1800, s16;
	s15 =	sadd.s32 $0xC00, s15  }
.LBB2_2:
0x77: {  	_ =	swait.ge [sflag:s26], $0x6000  }
0x78: {  	[sflag:s26] =	ssyncset.done $0x0  }
0x79: {  	[sflag:s26] =	ssyncadd.s32 $0xFFFFA000  }
0x7a: {  	_ =	swait.ge [sflag:s26], $0x3000  }
0x7b: {  	[sflag:s26] =	ssyncset.done $0x0  }
0x7c: {  	s18 =	sadd.s32 $0xFFFFF400, s16;
	p0 =	seq.s32 s17, $0x0;
	[sflag:s26] =	ssyncadd.s32 $0xFFFFD000  }
0x7d: {  	[hbm4b:s18+s3] =	stream.linear.scatter [tilespmem:s12], [sflag:$0x3], $0x6000, $0x38;
	[tilespmem:$0x19000] =	vst v63  }
0x7e: {  	s19 =	sadd.s32 $0xFFFFFA00, s15;
	s18 =	simm.s32 @!p0 $0x4  }
0x7f: {  	[hbm4b:s19+s3] =	stream.linear.scatter [tilespmem:s25], [sflag:$0x3], $0x3000, $0x38;
	[tilespmem:$0x19000] =	vst v63  }
0x80: {  	_ =	swait.ge @!p0 [sflag:s18], $0x6000  }
0x81: {  	[sflag:s18] =	ssyncset.done @!p0 $0x0  }
0x82: {  	[sflag:s18] =	ssyncadd.s32 @!p0 $0xFFFFA000  }
0x83: {  	_ =	swait.ge @!p0 [sflag:s18], $0x3000  }
0x84: {  	[sflag:s18] =	ssyncset.done @!p0 $0x0  }
0x85: {  	[sflag:s18] =	ssyncadd.s32 @!p0 $0xFFFFD000;
	s18 =	sshra.s32 s17, $0x2  }
0x86: {  	v3 =	vld [tilespmem:s18+$0x80];
	_ =	sdelay $0x4  }
0x87: {  	v4 =	vshll.u32 v3, $0x1  }
0x88: {  	v3 =	vand.u32 $0x7, v3;
	v4 =	vand.u32 $0xFFFFFFF0, v4  }
0x89: {  	v3 =	vor.u32 v3, v4  }
0x8a: {  	v4 =	vperm.xlane v3, v0;
	_ =	sdelay $0x1  }
0x8b: {  	v3 =	vperm.xlane v3, v2;
	v4 =	vadd.s32 v1, v4;
	_ =	sdelay $0x1  }
0x8c: {  	v3 =	vadd.s32 v1, v3;
	_ =	sdelay $0x2  }
0x8d: {  	[tilespmem:s28], [sflag:$0x2] =	stream.indirect_vreg.gather [hbm4b:s4+s3], $0x80, v4, vm0, $0xb8;
	[tilespmem:$0x19000] =	vst v63  }
0x8e: {  	_ = 	snop  }
0x8f: {  	[tilespmem:s29], [sflag:$0x2] =	stream.indirect_vreg.gather [hbm4b:s4+s3], $0x80, v3, vm0, $0xb8;
	[tilespmem:$0x19000] =	vst v63  }
0x90: {  	v3 =	vld [tilespmem:s18+$0x90];
	_ =	sdelay $0x4  }
0x91: {  	v59 =	vshll.u32 v3, $0x1  }
0x92: {  	v3 =	vand.u32 $0x7, v3;
	v4 =	vand.u32 $0xFFFFFFF0, v59  }
0x93: {  	v3 =	vor.u32 v3, v4  }
0x94: {  	v4 =	vperm.xlane v3, v0;
	_ =	sdelay $0x1  }
0x95: {  	v3 =	vperm.xlane v3, v2;
	v4 =	vadd.s32 v1, v4;
	_ =	sdelay $0x1  }
0x96: {  	v3 =	vadd.s32 v1, v3;
	_ =	sdelay $0x2  }
0x97: {  	[tilespmem:s30], [sflag:$0x2] =	stream.indirect_vreg.gather [hbm4b:s4+s3], $0x80, v4, vm0, $0xb8;
	[tilespmem:$0x19000] =	vst v63  }
0x98: {  	_ = 	snop  }
0x99: {  	[tilespmem:s31], [sflag:$0x2] =	stream.indirect_vreg.gather [hbm4b:s4+s3], $0x80, v3, vm0, $0xb8;
	[tilespmem:$0x19000] =	vst v63  }
0x9a: {  	v3 =	vld [tilespmem:s18+$0xA0];
	_ =	sdelay $0x4  }
0x9b: {  	v60 =	vshll.u32 v3, $0x1  }
0x9c: {  	v3 =	vand.u32 $0x7, v3;
	v4 =	vand.u32 $0xFFFFFFF0, v60  }
0x9d: {  	v3 =	vor.u32 v3, v4  }
0x9e: {  	v4 =	vperm.xlane v3, v0;
	_ =	sdelay $0x1  }
0x9f: {  	v3 =	vperm.xlane v3, v2;
	v4 =	vadd.s32 v1, v4;
	_ =	sdelay $0x1  }
0xa0: {  	v3 =	vadd.s32 v1, v3;
	_ =	sdelay $0x2  }
0xa1: {  	[tilespmem:s1], [sflag:$0x2] =	stream.indirect_vreg.gather [hbm4b:s4+s3], $0x80, v4, vm0, $0xb8;
	[tilespmem:$0x19000] =	vst v63  }
0xa2: {  	_ = 	snop  }
0xa3: {  	[tilespmem:s0], [sflag:$0x2] =	stream.indirect_vreg.gather [hbm4b:s4+s3], $0x80, v3, vm0, $0xb8;
	[tilespmem:$0x19000] =	vst v63  }
0xa4: {  	v3 =	vld [tilespmem:s18+$0xB0];
	_ =	sdelay $0x4  }
0xa5: {  	v61 =	vshll.u32 v3, $0x1  }
0xa6: {  	v3 =	vand.u32 $0x7, v3;
	v4 =	vand.u32 $0xFFFFFFF0, v61  }
0xa7: {  	v3 =	vor.u32 v3, v4  }
0xa8: {  	v4 =	vperm.xlane v3, v0;
	_ =	sdelay $0x1  }
0xa9: {  	v3 =	vperm.xlane v3, v2;
	v4 =	vadd.s32 v1, v4;
	_ =	sdelay $0x1  }
0xaa: {  	v3 =	vadd.s32 v1, v3;
	_ =	sdelay $0x2  }
0xab: {  	[tilespmem:s5], [sflag:$0x2] =	stream.indirect_vreg.gather [hbm4b:s4+s3], $0x80, v4, vm0, $0xb8;
	[tilespmem:$0x19000] =	vst v63  }
0xac: {  	_ = 	snop  }
0xad: {  	[tilespmem:s6], [sflag:$0x2] =	stream.indirect_vreg.gather [hbm4b:s4+s3], $0x80, v3, vm0, $0xb8;
	[tilespmem:$0x19000] =	vst v63  }
0xae: {  	v3 =	vld [tilespmem:s18+$0xC0];
	_ =	sdelay $0x4  }
0xaf: {  	v62 =	vshll.u32 v3, $0x1  }
0xb0: {  	v3 =	vand.u32 $0x7, v3;
	v4 =	vand.u32 $0xFFFFFFF0, v62  }
0xb1: {  	v3 =	vor.u32 v3, v4  }
0xb2: {  	v4 =	vperm.xlane v3, v0;
	_ =	sdelay $0x1  }
0xb3: {  	v3 =	vperm.xlane v3, v2;
	v4 =	vadd.s32 v1, v4;
	_ =	sdelay $0x1  }
0xb4: {  	v3 =	vadd.s32 v1, v3;
	_ =	sdelay $0x2  }
0xb5: {  	[tilespmem:s7], [sflag:$0x2] =	stream.indirect_vreg.gather [hbm4b:s4+s3], $0x80, v4, vm0, $0xb8;
	[tilespmem:$0x19000] =	vst v63  }
0xb6: {  	_ = 	snop  }
0xb7: {  	[tilespmem:s11], [sflag:$0x2] =	stream.indirect_vreg.gather [hbm4b:s4+s3], $0x80, v3, vm0, $0xb8;
	[tilespmem:$0x19000] =	vst v63  }
0xb8: {  	v3 =	vld [tilespmem:s18+$0xD0];
	_ =	sdelay $0x4  }
0xb9: {  	v63 =	vshll.u32 v3, $0x1  }
0xba: {  	v3 =	vand.u32 $0x7, v3;
	v4 =	vand.u32 $0xFFFFFFF0, v63  }
0xbb: {  	v3 =	vor.u32 v3, v4  }
0xbc: {  	v4 =	vperm.xlane v3, v0;
	_ =	sdelay $0x1  }
0xbd: {  	v3 =	vperm.xlane v3, v2;
	v4 =	vadd.s32 v1, v4;
	_ =	sdelay $0x1  }
0xbe: {  	v3 =	vadd.s32 v1, v3;
	_ =	sdelay $0x2  }
0xbf: {  	[tilespmem:s8], [sflag:$0x2] =	stream.indirect_vreg.gather [hbm4b:s4+s3], $0x80, v4, vm0, $0xb8;
	[tilespmem:$0x19000] =	vst v63  }
0xc0: {  	_ = 	snop  }
0xc1: {  	[tilespmem:s9], [sflag:$0x2] =	stream.indirect_vreg.gather [hbm4b:s4+s3], $0x80, v3, vm0, $0xb8;
	[tilespmem:$0x19000] =	vst v63  }
0xc2: {  	s19 =	sadd.s32 $0x3880, s18  }
0xc3: {  	[tilespmem:s10], [sflag:$0x2] =	stream.indirect.gather [hbm4b:s2+s24], $0x80, s19, s24, $0xb8;
	[tilespmem:$0x19000] =	vst v63  }
0xc4: {  	p0 =	seq.s32 s17, $0xD400;
	_ =	swait.ge [sflag:s13], $0x6000  }
.Ltmp4:
0xc5: {  	[sflag:s13] =	ssyncset.done $0x0;
	(pc) =	sbr.rel @p0 .LBB2_4-.Ltmp4, $4  }
0xc6: {  	[sflag:s13] =	ssyncadd.s32 $0xFFFFA000  }
0xc7: {  	_ =	swait.ge [sflag:s13], $0x3000  }
0xc8: {  	[sflag:s13] =	ssyncset.done $0x0  }
0xc9: {  	[sflag:s13] =	ssyncadd.s32 $0xFFFFD000  }
0xca: {  	v3 =	vld [tilespmem:s18+$0x100];
	_ =	sdelay $0x4  }
0xcb: {  	v4 =	vshll.u32 v3, $0x1  }
0xcc: {  	v3 =	vand.u32 $0x7, v3;
	v4 =	vand.u32 $0xFFFFFFF0, v4  }
0xcd: {  	v3 =	vor.u32 v3, v4  }
0xce: {  	v4 =	vperm.xlane v3, v0;
	_ =	sdelay $0x1  }
0xcf: {  	v3 =	vperm.xlane v3, v2;
	v4 =	vadd.s32 v1, v4;
	_ =	sdelay $0x1  }
0xd0: {  	v3 =	vadd.s32 v1, v3;
	_ =	sdelay $0x2  }
0xd1: {  	[tilespmem:s12], [sflag:$0x1] =	stream.indirect_vreg.gather [hbm4b:s4+s3], $0x80, v4, vm0, $0xb8;
	[tilespmem:$0x19000] =	vst v63  }
0xd2: {  	s19 =	simm.s32 $0x7800  }
0xd3: {  	[tilespmem:s19], [sflag:$0x1] =	stream.indirect_vreg.gather [hbm4b:s4+s3], $0x80, v3, vm0, $0xb8;
	[tilespmem:$0x19000] =	vst v63  }
0xd4: {  	v3 =	vld [tilespmem:s18+$0x110];
	_ =	sdelay $0x4  }
0xd5: {  	v59 =	vshll.u32 v3, $0x1  }
0xd6: {  	v3 =	vand.u32 $0x7, v3;
	v4 =	vand.u32 $0xFFFFFFF0, v59  }
0xd7: {  	v3 =	vor.u32 v3, v4  }
0xd8: {  	v4 =	vperm.xlane v3, v0;
	_ =	sdelay $0x1  }
0xd9: {  	v3 =	vperm.xlane v3, v2;
	v4 =	vadd.s32 v1, v4;
	_ =	sdelay $0x1  }
0xda: {  	v3 =	vadd.s32 v1, v3;
	_ =	sdelay $0x1  }
0xdb: {  	s19 =	simm.s32 $0x8000  }
0xdc: {  	[tilespmem:s19], [sflag:$0x1] =	stream.indirect_vreg.gather [hbm4b:s4+s3], $0x80, v4, vm0, $0xb8;
	[tilespmem:$0x19000] =	vst v63  }
0xdd: {  	s19 =	simm.s32 $0x8800  }
0xde: {  	[tilespmem:s19], [sflag:$0x1] =	stream.indirect_vreg.gather [hbm4b:s4+s3], $0x80, v3, vm0, $0xb8;
	[tilespmem:$0x19000] =	vst v63  }
0xdf: {  	v3 =	vld [tilespmem:s18+$0x120];
	_ =	sdelay $0x4  }
0xe0: {  	v60 =	vshll.u32 v3, $0x1  }
0xe1: {  	v3 =	vand.u32 $0x7, v3;
	v4 =	vand.u32 $0xFFFFFFF0, v60  }
0xe2: {  	v3 =	vor.u32 v3, v4  }
0xe3: {  	v4 =	vperm.xlane v3, v0;
	_ =	sdelay $0x1  }
0xe4: {  	v3 =	vperm.xlane v3, v2;
	v4 =	vadd.s32 v1, v4;
	_ =	sdelay $0x1  }
0xe5: {  	v3 =	vadd.s32 v1, v3;
	_ =	sdelay $0x1  }
0xe6: {  	s19 =	simm.s32 $0x9000  }
0xe7: {  	[tilespmem:s19], [sflag:$0x1] =	stream.indirect_vreg.gather [hbm4b:s4+s3], $0x80, v4, vm0, $0xb8;
	[tilespmem:$0x19000] =	vst v63  }
0xe8: {  	s19 =	simm.s32 $0x9800  }
0xe9: {  	[tilespmem:s19], [sflag:$0x1] =	stream.indirect_vreg.gather [hbm4b:s4+s3], $0x80, v3, vm0, $0xb8;
	[tilespmem:$0x19000] =	vst v63  }
0xea: {  	v3 =	vld [tilespmem:s18+$0x130];
	_ =	sdelay $0x4  }
0xeb: {  	v61 =	vshll.u32 v3, $0x1  }
0xec: {  	v3 =	vand.u32 $0x7, v3;
	v4 =	vand.u32 $0xFFFFFFF0, v61  }
0xed: {  	v3 =	vor.u32 v3, v4  }
0xee: {  	v4 =	vperm.xlane v3, v0;
	_ =	sdelay $0x1  }
0xef: {  	v3 =	vperm.xlane v3, v2;
	v4 =	vadd.s32 v1, v4;
	_ =	sdelay $0x1  }
0xf0: {  	v3 =	vadd.s32 v1, v3;
	_ =	sdelay $0x1  }
0xf1: {  	s19 =	simm.s32 $0xA000  }
0xf2: {  	[tilespmem:s19], [sflag:$0x1] =	stream.indirect_vreg.gather [hbm4b:s4+s3], $0x80, v4, vm0, $0xb8;
	[tilespmem:$0x19000] =	vst v63  }
0xf3: {  	s19 =	simm.s32 $0xA800  }
0xf4: {  	[tilespmem:s19], [sflag:$0x1] =	stream.indirect_vreg.gather [hbm4b:s4+s3], $0x80, v3, vm0, $0xb8;
	[tilespmem:$0x19000] =	vst v63  }
0xf5: {  	v3 =	vld [tilespmem:s18+$0x140];
	_ =	sdelay $0x4  }
0xf6: {  	v62 =	vshll.u32 v3, $0x1  }
0xf7: {  	v3 =	vand.u32 $0x7, v3;
	v4 =	vand.u32 $0xFFFFFFF0, v62  }
0xf8: {  	v3 =	vor.u32 v3, v4  }
0xf9: {  	v4 =	vperm.xlane v3, v0;
	_ =	sdelay $0x1  }
0xfa: {  	v3 =	vperm.xlane v3, v2;
	v4 =	vadd.s32 v1, v4;
	_ =	sdelay $0x1  }
0xfb: {  	v3 =	vadd.s32 v1, v3;
	_ =	sdelay $0x2  }
0xfc: {  	[tilespmem:s20], [sflag:$0x1] =	stream.indirect_vreg.gather [hbm4b:s4+s3], $0x80, v4, vm0, $0xb8;
	[tilespmem:$0x19000] =	vst v63  }
0xfd: {  	_ = 	snop  }
0xfe: {  	[tilespmem:s21], [sflag:$0x1] =	stream.indirect_vreg.gather [hbm4b:s4+s3], $0x80, v3, vm0, $0xb8;
	[tilespmem:$0x19000] =	vst v63  }
0xff: {  	v3 =	vld [tilespmem:s18+$0x150];
	_ =	sdelay $0x4  }
0x100: {  	v63 =	vshll.u32 v3, $0x1  }
0x101: {  	v3 =	vand.u32 $0x7, v3;
	v4 =	vand.u32 $0xFFFFFFF0, v63  }
0x102: {  	v3 =	vor.u32 v3, v4  }
0x103: {  	v4 =	vperm.xlane v3, v0;
	_ =	sdelay $0x1  }
0x104: {  	v4 =	vadd.s32 v1, v4  }
0x105: {  	v3 =	vperm.xlane v3, v2;
	_ =	sdelay $0x1  }
0x106: {  	v3 =	vadd.s32 v1, v3;
	_ =	sdelay $0x1  }
0x107: {  	[tilespmem:s22], [sflag:$0x1] =	stream.indirect_vreg.gather [hbm4b:s4+s3], $0x80, v4, vm0, $0xb8;
	[tilespmem:$0x19000] =	vst v63  }
.Ltmp5:
0x108: {  	_ = 	snop;
	(pc) =	sbr.rel .LBB2_4-.Ltmp5, $4  }
0x109: {  	_ = 	snop  }
0x10a: {  	[tilespmem:s23], [sflag:$0x1] =	stream.indirect_vreg.gather [hbm4b:s4+s3], $0x80, v3, vm0, $0xb8;
	[tilespmem:$0x19000] =	vst v63  }
0x10b: {  	s19 =	sadd.s32 $0x3900, s18  }
0x10c: {  	[tilespmem:s25], [sflag:$0x1] =	stream.indirect.gather [hbm4b:s2+s24], $0x80, s19, s24, $0xb8;
	[tilespmem:$0x19000] =	vst v63  }
.LBB2_6:
0x10d: {  	_ =	sfence.sel $0x180000  }
0x10e: {  	[bflag:$0x0] =	sbarrier.arrive $0xFFFF  }
0x10f: {  	_ =	strace $0x90000047  }
0x110: {  	s0 =	stileid.u32;
	[bflag:$0x2] =	sbarrier.arrive $0xFFFF  }
0x111: {  	p0 =	sne.s32 s0, $0x0;
	s0 =	rddreg [dreg:$0x2]  }
0x112: {  	s0 =	sadd.s32 @!p0 $0x100000, s0  }
0x113: {  	[sflag:s0] =	ssyncadd.tile.s32 @!p0 $0x1;
	_ =	shalt  }
.Lfunc_end2:
_tile_overlayer_lowered:
.L_overlay_start_2:
0x114: {  	(tag) =	ssettag $0x2  }
0x115: {  	s0 =	rddreg [dreg:$0x0];
	s2 =	stileid.u32  }
0x116: {  	s1 =	rddreg [dreg:$0x1];
	p0 =	sne.s32 s2, $0x0  }
0x117: {  	s3 =	rddreg [dreg:$0x2];
	[bflag:$0x3] =	sbarrier.arrive $0xFFFF;
	s2 =	simm.s32 @!p0 $0x1C05  }
0x118: {  	[timem:s3], [sflag:s2] =	dma.local @!p0 [hbm:s0], s1  }
0x119: {  	s0 =	simm.s32 @!p0 $0x5  }
0x11a: {  	_ =	swait.ge @!p0 [sflag:s0], s1  }
0x11b: {  	s1 =	ssub.s32 @!p0 $0x0, s1;
	[sflag:s0] =	ssyncset.done @!p0 $0x0  }
0x11c: {  	[sflag:s0] =	ssyncadd.s32 @!p0 s1  }
0x11d: {  	[bflag:$0x3] =	sbarrier.arrive $0xFFFF  }
0x11e: {  	_ =	shalt  }

// kernel: kernel.15.cloned.1.call-start
scs
__scs_entry_jumppad:
0x0: {  	(pc) =	sbr.rel $0x88, $3  }
0x1: {  	(tag) =	ssettag $0x0;
	lr =	simm.s32 $0x1  }
0x2: {  	[smem:$0x3F8F] =	sst lr;
	_ =	strace $0xD0000000  }
0x3: {  	_ = 	snop  }
0x4: {  	_ = 	snop  }
0x5: {  	_ = 	snop  }
0x6: {  	_ = 	snop  }
0x7: {  	_ = 	snop  }
__scs_overlays_trampoline_lowered:
0x8: {  	[smem:$0x3F9E] =	sst s0  }
0x9: {  	[smem:$0x3F9F] =	sst s1  }
0xa: {  	[smem:$0x3FA0] =	sst s2  }
0xb: {  	[smem:$0x3FA1] =	sst s3  }
0xc: {  	[smem:$0x3FA2] =	sst s4  }
0xd: {  	[smem:$0x3FA3] =	sst s5  }
0xe: {  	[smem:$0x3FA4] =	sst s6  }
0xf: {  	[smem:$0x3FA5] =	sst s7  }
0x10: {  	[smem:$0x3FA6] =	sst s8  }
0x11: {  	[smem:$0x3FA7] =	sst s9;
	s0 =	simm.s32 @!p0 $0x0  }
0x12: {  	s1 =	sld [smem:$0x3F8D];
	s0 =	simm.s32 @p0 $0x1  }
0x13: {  	[smem:$0x3FA8] =	sst s0;
	s0 =	simm.s32 @!p1 $0x0  }
0x14: {  	s2 =	sld [smem:$0x3F8C];
	s0 =	simm.s32 @p1 $0x1  }
0x15: {  	[smem:$0x3FA9] =	sst s0;
	s0 =	simm.s32 @!p2 $0x0  }
0x16: {  	s3 =	sld [smem:$0x3FDB];
	s0 =	simm.s32 @p2 $0x1  }
0x17: {  	s4 =	simm.s32 $0x1BF5;
	[smem:$0x3FAB] =	sst s0  }
0x18: {  	s0 =	sld [smem:$0x3F8E];
	_ =	swait.ge [sflag:s4], $0x0  }
0x19: {  	s7 =	sld [smem:$0x3F8F]  }
0x1a: {  	s8 =	sadd.s32 $0xFFFFE003, lr  }
0x1b: {  	s9 =	sadd.s32 $0xFFFFFEF7, lr;
	s5 =	simm.s32 $0xFFFFFFFF;
	p2 =	slt.u32 s8, $0xFFFFF086  }
0x1c: {  	p1 =	slt.u32 s9, $0xF7A;
	s5 =	simm.s32 @!p2 $0x0  }
0x1d: {  	s5 =	simm.s32 @p1 $0x1;
	p0 =	seq.s32 s7, s2  }
0x1e: {  	s7 =	smul.u32 @!p0 $0xF7A, s2;
	p2 =	seq.s32 @!p0 s5, $0x0  }
0x1f: {  	s9 =	smul.u32 $0xF7A, s1;
	s8 =	simm.s32 @!p0 $0x1BF5;
	p2 =	por !p2, p0  }
0x20: {  	[sflag:s8] =	ssyncset.s32 @!p0 $0xFFFFF086;
	s6 =	sadd.s32 @!p0 s3, s7;
	s7 =	simm.s32 @!p0 $0x108  }
0x21: {  	s3 =	sadd.s32 s3, s9;
	s6 =	sadd.s32 @!p0 $0x88, s6;
	s7 =	simm.s32 @p2 $0x1082  }
0x22: {  	[simem:s7], [sflag:s8] =	dma.local @!p0 [hbm:s6], $0xF7A  }
0x23: {  	s9 =	sor.u32 $0xD0000000, s2;
	s6 =	simm.s32 $0x108;
	_ =	swait.ge @!p0 [sflag:s8], $0x0  }
0x24: {  	s3 =	sadd.s32 $0x88, s3;
	s6 =	simm.s32 @!p1 $0x1082;
	[sflag:s4] =	ssyncset.s32 $0xFFFFF086  }
0x25: {  	[simem:s6], [sflag:s4] =	dma.local [hbm:s3], $0xF7A  }
0x26: {  	[smem:$0x3F8F] =	sst s1;
	(tag) =	ssettag s2;
	_ =	strace s9  }
0x27: {  	s1 =	sld [smem:$0x3F9F]  }
0x28: {  	s2 =	sld [smem:$0x3FA0]  }
0x29: {  	s4 =	sld [smem:$0x3FA2]  }
0x2a: {  	p0 =	seq.s32 s5, $0x0;
	s5 =	sld [smem:$0x3FA3]  }
0x2b: {  	s6 =	sld [smem:$0x3FA4]  }
0x2c: {  	s7 =	sld [smem:$0x3FA5]  }
0x2d: {  	s3 =	simm.s32 $0x108;
	s8 =	sld [smem:$0x3FA6]  }
0x2e: {  	s3 =	simm.s32 @!p0 $0x1082;
	s9 =	sld [smem:$0x3FA7]  }
0x2f: {  	lr =	sadd.s32 s0, s3;
	s0 =	sld [smem:$0x3F9E]  }
0x30: {  	s3 =	sld [smem:$0x3FA1]  }
0x31: {  	[smem:$0x3FAA] =	sst s10  }
0x32: {  	s10 =	sld [smem:$0x3FA8];
	_ =	sdelay $0x3  }
0x33: {  	p0 =	seq.s32 s10, $0x1;
	s10 =	sld [smem:$0x3FAA];
	_ =	sdelay $0x3  }
0x34: {  	[smem:$0x3FAA] =	sst s10  }
0x35: {  	s10 =	sld [smem:$0x3FA9];
	_ =	sdelay $0x3  }
0x36: {  	p1 =	seq.s32 s10, $0x1;
	s10 =	sld [smem:$0x3FAA];
	_ =	sdelay $0x3  }
0x37: {  	[smem:$0x3FAA] =	sst s10  }
0x38: {  	s10 =	sld [smem:$0x3FAB]  }
0x39: {  	_ = 	snop;
	(pc) =	sbr.ind lr, $3  }
0x3a: {  	_ = 	snop  }
0x3b: {  	_ = 	snop  }
0x3c: {  	p2 =	seq.s32 s10, $0x1;
	s10 =	sld [smem:$0x3FAA]  }
0x3d: {  	_ =	shalt  }
0x3e: {  	_ =	shalt  }
0x3f: {  	_ =	shalt  }
0x40: {  	_ =	shalt  }
0x41: {  	_ =	shalt  }
0x42: {  	_ =	shalt  }
0x43: {  	_ =	shalt  }
0x44: {  	_ =	shalt  }
0x45: {  	_ =	shalt  }
0x46: {  	_ =	shalt  }
0x47: {  	_ =	shalt  }
0x48: {  	_ =	shalt  }
0x49: {  	_ =	shalt  }
0x4a: {  	_ =	shalt  }
0x4b: {  	_ =	shalt  }
0x4c: {  	_ =	shalt  }
0x4d: {  	_ =	shalt  }
0x4e: {  	_ =	shalt  }
0x4f: {  	_ =	shalt  }
0x50: {  	_ =	shalt  }
0x51: {  	_ =	shalt  }
0x52: {  	_ =	shalt  }
0x53: {  	_ =	shalt  }
0x54: {  	_ =	shalt  }
0x55: {  	_ =	shalt  }
0x56: {  	_ =	shalt  }
0x57: {  	_ =	shalt  }
0x58: {  	_ =	shalt  }
0x59: {  	_ =	shalt  }
0x5a: {  	_ =	shalt  }
0x5b: {  	_ =	shalt  }
0x5c: {  	_ =	shalt  }
0x5d: {  	_ =	shalt  }
0x5e: {  	_ =	shalt  }
0x5f: {  	_ =	shalt  }
0x60: {  	_ =	shalt  }
0x61: {  	_ =	shalt  }
0x62: {  	_ =	shalt  }
0x63: {  	_ =	shalt  }
0x64: {  	_ =	shalt  }
0x65: {  	_ =	shalt  }
0x66: {  	_ =	shalt  }
0x67: {  	_ =	shalt  }
0x68: {  	_ =	shalt  }
0x69: {  	_ =	shalt  }
0x6a: {  	_ =	shalt  }
0x6b: {  	_ =	shalt  }
0x6c: {  	_ =	shalt  }
0x6d: {  	_ =	shalt  }
0x6e: {  	_ =	shalt  }
0x6f: {  	_ =	shalt  }
0x70: {  	_ =	shalt  }
0x71: {  	_ =	shalt  }
0x72: {  	_ =	shalt  }
0x73: {  	_ =	shalt  }
0x74: {  	_ =	shalt  }
0x75: {  	_ =	shalt  }
0x76: {  	_ =	shalt  }
0x77: {  	_ =	shalt  }
0x78: {  	_ =	shalt  }
0x79: {  	_ =	shalt  }
0x7a: {  	_ =	shalt  }
0x7b: {  	_ =	shalt  }
0x7c: {  	_ =	shalt  }
0x7d: {  	_ =	shalt  }
0x7e: {  	_ =	shalt  }
0x7f: {  	_ =	shalt  }
0x80: {  	_ =	shalt  }
0x81: {  	_ =	shalt  }
0x82: {  	_ =	shalt  }
0x83: {  	_ =	shalt  }
0x84: {  	_ =	shalt  }
0x85: {  	_ =	shalt  }
0x86: {  	_ =	shalt  }
0x87: {  	_ =	shalt  }
.Lfunc_end0:
.L_simem_size_0:
called_computation.1_lowered:
.L_overlay_start_0:
0x88: {  	s2 =	sld [smem:$0x3FD9]  }
0x89: {  	s3 =	sld [smem:$0x3FFE];
	_ =	sdelay $0x1  }
0x8a: {  	s1 =	srdreg.scid  }
0x8b: {  	s0 =	sand.u32 $0x1, s1  }
0x8c: {  	s16 =	sshll.u32 s0, $0xA;
	s2 =	sadd.s32 s3, s2  }
0x8d: {  	s2 =	sadd.s32 s2, s16  }
0x8e: {  	[smem:$0x3FB6] =	sst s2  }
0x8f: {  	_ = 	snop  }
0x90: {  	(tm) =	ssettm $0x1  }
0x91: {  	s17 =	sld [smem:$0x3FFB];
	_ =	sdelay $0x3  }
0x92: {  	_ =	strace s17  }
0x93: {  	s2 =	sld [smem:$0x3FFC];
	_ =	sdelay $0x3  }
0x94: {  	_ =	strace s2  }
0x95: {  	s2 =	sld [smem:$0x3FFD];
	_ =	sdelay $0x3  }
0x96: {  	_ =	strace s2  }
0x97: {  	_ =	strace $0x8FFFFFFF  }
0x98: {  	s18 =	sld [smem:$0x3FDB];
	_ =	sdelay $0x1  }
0x99: {  	s19 =	simm.s32 $_scs_section_size  }
0x9a: {  	s4 =	simm.s32 $_size__tile_overlayer_lowered;
	s5 =	simm.s32 $_tile_overlayer_lowered  }
0x9b: {  	s22 =	simm.s32 $0x1BFF;
	s21 =	sshll.u32 s5, $0x1;
	s2 =	sadd.s32 s19, s18  }
0x9c: {  	s6 =	simm.s32 $0x0;
	s20 =	sshll.u32 s4, $0x1;
	s4 =	sadd.s32 s21, s2  }
0x9d: {  	[timem:s6], [sflag:s22] =	dma.local [hbm:s4], s20  }
0x9e: {  	_ =	swait.ge [sflag:s22], s20  }
0x9f: {  	s3 =	ssub.s32 $0x0, s20;
	[sflag:s22] =	ssyncset.done $0x0  }
0xa0: {  	[sflag:s22] =	ssyncadd.s32 s3;
	_ =	sdelay $0x1  }
0xa1: {  	s23 =	simm.s32 $0x1B8B  }
0xa2: {  	_ =	swait.ge [sflag:s23], $0x1  }
0xa3: {  	[sflag:s23] =	ssyncset.done $0x0  }
0xa4: {  	s25 =	simm.s32 $0x1B8E;
	s24 =	sld [smem:$0x3FFE];
	[sflag:s23] =	ssyncadd.s32 $0xFFFFFFFF  }
0xa5: {  	s26 =	simm.s32 $execute0_lowered;
	[smem:$0x3FD2] =	sst s25  }
0xa6: {  	s4 =	sshll.u32 s26, $0x1;
	_ =	strace $0x80000049;
	[dreg:$0x1] =	wrdreg $0xFFFFFFFF  }
0xa7: {  	s28 =	simm.s32 $_size_execute0_lowered;
	s2 =	sadd.s32 s2, s4;
	[dreg:$0x0] =	wrdreg $0x0  }
0xa8: {  	s4 =	sshll.u32 s28, $0x1;
	[dreg:$0x2] =	wrdreg s2  }
0xa9: {  	[dreg:$0x3] =	wrdreg s4  }
0xaa: {  	[dreg:$0x4] =	wrdreg $0xC0  }
0xab: {  	_ =	task [dreg:s6], $0x5FFFF  }
0xac: {  	[dreg:$0x1] =	wrdreg $0xFFFFFFFF  }
0xad: {  	[dreg:$0x0] =	wrdreg $0x60  }
0xae: {  	[dreg:$0x2] =	wrdreg s24  }
0xaf: {  	[dreg:$0x3] =	wrdreg $0x81000  }
0xb0: {  	[dreg:$0x4] =	wrdreg $0x9  }
0xb1: {  	_ =	task.clear_ibuf [dreg:s6], $0x5FFFF;
	_ =	strace $0x90000049  }
0xb2: {  	s29 =	simm.s32 $0x9;
	_ =	strace $0x8000004B  }
0xb3: {  	_ =	swait.ge [sflag:s29], $0x1  }
0xb4: {  	[sflag:s29] =	ssyncadd.s32 $0xFFFFFFFF  }
0xb5: {  	_ =	strace $0x9000004B  }
0xb6: {  	_ =	sfence  }
0xb7: {  	s30 =	sld [smem:$0x0];
	_ =	sdelay $0x2  }
0xb8: {  	s31 =	sshll.u32 s1, $0xD;
	s1 =	sshrl.u32 s1, $0x2  }
0xb9: {  	s3 =	sand.u32 $0x4000, s31;
	s1 =	sadd.s32 s1, s30  }
0xba: {  	s0 =	sor.u32 s3, s0;
	s1 =	sshll.u32 s1, $0x11  }
0xbb: {  	s0 =	sor.u32 s1, s0  }
0xbc: {  	s0 =	sadd.s32 $0x8F2B, s0  }
0xbd: {  	[sflag:s0] =	ssyncadd.remote.s32 $0x1  }
0xbe: {  	_ =	sfence.sel $0xFFFF  }
0xbf: {  	[dreg:$0x0] =	wrdreg $0xFFFFFFFF;
	(pc) =	sbr.abs _section_cstart, $3  }
0xc0: {  	[dreg:$0x1] =	wrdreg $0xFFFFFFFF  }
0xc1: {  	_ =	task.clear_ibuf [dreg:s6], $0x2FFFF;
	_ =	strace $0x9FFFFFFF  }
0xc2: {  	(tm) =	ssettm $0x7FFFFFFF  }
0xc3: {  	_ =	shalt  }
tec
execute0_lowered:
.L_overlay_start_1:
0x0: {  	(tag) =	ssettag $0x1  }
0x1: {  	s0 =	rddreg [dreg:$0x0]  }
0x2: {  	s1 =	rddreg [dreg:$0x1];
	s2 =	simm.s32 $0x0  }
0x3: {  	s7 =	srdreg.scid;
	s3 =	stileid.u32;
	s22 =	simm.s32 $0x100  }
0x4: {  	s23 =	simm.s32 $0x3;
	s24 =	simm.s32 $0x1;
	s25 =	simm.s32 $0x4100  }
0x5: {  	s28 =	simm.s32 $0x2;
	[smem:$0x7FF] =	sst s2;
	s4 =	sadd.s32 $0x121E400, s0  }
0x6: {  	s29 =	simm.s32 $0x0;
	s5 =	sadd.s32 $0xFAE400, s0;
	s6 =	sadd.s32 $0xFA9400, s0  }
0x7: {  	s11 =	sand.u32 $0x1, s7;
	s9 =	smul.u32 $0x50000, s3;
	s26 =	sadd.s32 $0x514800, s0  }
0x8: {  	s0 =	sadd.s32 $0x53C800, s0;
	_ =	strace $0x8000004A;
	[dreg:$0x3] =	wrdreg s26  }
0x9: {  	s18 =	smul.u32 $0x27000, s3;
	[dreg:$0x4] =	wrdreg s0;
	s30 =	ssub.s32 $0x2, s11  }
0xa: {  	p0 =	seq.s32 s11, $0x1;
	s26 =	simm.s32 $0x80;
	s10 =	sshrl.u32 s30, $0x1  }
0xb: {  	s9 =	sshrl.u32 s9, $0x2;
	s0 =	ssub.s32 s30, s10;
	s10 =	smul.u32 $0x2800, s3  }
.Ltmp0:
0xc: {  	s11 =	sadd.s32 s4, s18;
	s12 =	sadd.s32 s5, s18;
	(pc) =	sbr.rel .LBB2_1-.Ltmp0, $4  }
0xd: {  	s18 =	sadd.s32 $0x26800, s18;
	s9 =	sadd.s32 s9, s1;
	s20 =	sadd.s32 $0x1000, s11  }
0xe: {  	s21 =	sadd.s32 $0x1000, s12;
	s13 =	smax.u32 s0, $0x1;
	s31 =	sshrl.u32 s10, $0x3  }
0xf: {  	s14 =	sadd.s32 $0x4000, s9;
	s15 =	sadd.s32 $0x8000, s9;
	s0 =	sadd.s32 s6, s31  }
0x10: {  	v0 =	vimm.f32 $0.0e+00;
	s16 =	sadd.s32 $0xC000, s9;
	s17 =	sadd.s32 $0x10000, s9;
	s19 =	sadd.s32 $0x4C0, s0  }
.LBB2_6:
0x11: {  	s0 =	sshrl.u32 s0, $0x3  }
0x12: {  	[sflag:s23] =	ssyncadd.s32 $0xFFFFC000;
	s0 =	sadd.s32 s6, s0  }
0x13: {  	[tilespmem:s2], [sflag:$0x3] =	stream.linear.gather [hbm4b:s0+s2], $0x100, $0x38;
	[tilespmem:$0x1C100] =	vst v63  }
0x14: {  	_ =	swait.ge [sflag:s23], $0x100  }
0x15: {  	[sflag:s23] =	ssyncset.done $0x0  }
0x16: {  	[sflag:s23] =	ssyncadd.s32 $0xFFFFFF00  }
0x17: {  	_ =	swait.ge [sflag:s24], $0x4000  }
0x18: {  	[sflag:s24] =	ssyncset.done $0x0  }
0x19: {  	s8 =	sadd.s32 $0xFFFFF800, s30;
	[sflag:s24] =	ssyncadd.s32 $0xFFFFC000  }
0x1a: {  	[tilespmem:s25], [sflag:$0x2] =	stream.linear.gather [hbm4b:s8+s2], $0x4000, $0x38;
	[tilespmem:$0x1C100] =	vst v63  }
0x1b: {  	_ = 	snop  }
0x1c: {  	[spmem:s1] =	stream.indirect.scatter.add.f32 [tilespmem:s22], [sflag:$0x3], $0x80, s2, s26, $0xb8;
	[tilespmem:$0x1C100] =	vst v63  }
0x1d: {  	_ =	swait.ge [sflag:s23], $0x4000  }
0x1e: {  	[sflag:s23] =	ssyncset.done $0x0  }
0x1f: {  	[sflag:s23] =	ssyncadd.s32 $0xFFFFC000  }
0x20: {  	_ =	swait.ge [sflag:s28], $0x4000  }
0x21: {  	[sflag:s28] =	ssyncset.done $0x0  }
0x22: {  	[sflag:s28] =	ssyncadd.s32 $0xFFFFC000  }
0x23: {  	[tilespmem:s22], [sflag:$0x1] =	stream.linear.gather [hbm4b:s30+s2], $0x4000, $0x38;
	[tilespmem:$0x1C100] =	vst v63  }
0x24: {  	_ = 	snop  }
0x25: {  	[spmem:s1] =	stream.indirect.scatter.add.f32 [tilespmem:s25], [sflag:$0x3], $0x80, s26, s26, $0xb8;
	[tilespmem:$0x1C100] =	vst v63  }
0x26: {  	_ =	swait.ge [sflag:s23], $0x4000  }
0x27: {  	[sflag:s23] =	ssyncset.done $0x0  }
0x28: {  	s31 =	smov.u32 s4;
	s30 =	rddreg [dreg:$0x3];
	[sflag:s23] =	ssyncadd.s32 $0xFFFFC000  }
.LBB2_10:
0x29: {  	[tilespmem:s2], [sflag:$0x3] =	stream.linear.gather [hbm4b:s19+s2], $0x100, $0x38;
	[tilespmem:$0x1C100] =	vst v63  }
0x2a: {  	_ =	swait.ge [sflag:s23], $0x100  }
0x2b: {  	[sflag:s23] =	ssyncset.done $0x0  }
0x2c: {  	[sflag:s23] =	ssyncadd.s32 $0xFFFFFF00  }
0x2d: {  	_ =	swait.ge [sflag:s24], $0x4000  }
0x2e: {  	[sflag:s24] =	ssyncset.done $0x0  }
0x2f: {  	s0 =	sadd.s32 s31, s18;
	[sflag:s24] =	ssyncadd.s32 $0xFFFFC000  }
0x30: {  	[tilespmem:s25], [sflag:$0x2] =	stream.linear.gather [hbm4b:s0+s2], $0x4000, $0x38;
	[tilespmem:$0x1C100] =	vst v63  }
0x31: {  	_ = 	snop  }
0x32: {  	[spmem:s1] =	stream.indirect.scatter.add.f32 [tilespmem:s22], [sflag:$0x3], $0x80, s2, s26, $0xb8;
	[tilespmem:$0x1C100] =	vst v63  }
0x33: {  	_ =	swait.ge [sflag:s23], $0x4000  }
0x34: {  	[sflag:s23] =	ssyncset.done $0x0  }
0x35: {  	[sflag:s23] =	ssyncadd.s32 $0xFFFFC000  }
0x36: {  	_ =	swait.ge [sflag:s28], $0x4000  }
0x37: {  	[sflag:s28] =	ssyncset.done $0x0  }
0x38: {  	[sflag:s28] =	ssyncadd.s32 $0xFFFFC000  }
0x39: {  	[spmem:s1] =	stream.indirect.scatter.add.f32 [tilespmem:s25], [sflag:$0x3], $0x80, s26, s26, $0xb8;
	[tilespmem:$0x1C100] =	vst v63  }
0x3a: {  	s31 =	sadd.s32 s30, s10;
	_ =	swait.ge [sflag:s23], $0x4000  }
0x3b: {  	s7 =	sshll.u32 s3, $0x6;
	s29 =	sadd.s32 $0x1, s29;
	[sflag:s23] =	ssyncset.done $0x0  }
0x3c: {  	s8 =	sshrl.u32 s9, $0x3;
	p1 =	sne.s32 s29, s13;
	[sflag:s23] =	ssyncadd.s32 $0xFFFFC000  }
.Ltmp1:
0x3d: {  	s7 =	sor.u32 $0x1C03, s7;
	[bflag:$0x0] =	sbarrier.arrive $0xFFFF;
	(pc) =	sbr.rel @!p1 .LBB2_11-.Ltmp1, $4  }
0x3e: {  	[hbm:s31], [sflag:s7] =	dma.local [spmem:s8], $0x2800  }
0x3f: {  	_ =	swait.ge [sflag:s23], $0x2800  }
0x40: {  	[sflag:s23] =	ssyncset.done $0x0  }
0x41: {  	[sflag:s23] =	ssyncadd.s32 $0xFFFFD800  }
.LBB2_1:
0x42: {  	s30 =	simm.s32 $0x0;
	s31 =	simm.s32 $0x200  }
.LBB2_2:
0x43: {  	p1 =	sne.s32 s31, $0xFE00;
	[tilespmem:s30+$0x170] =	vst v0  }
0x44: {  	[tilespmem:s30+$0x100] =	vst v0  }
0x45: {  	[tilespmem:s30+$0x110] =	vst v0  }
.Ltmp2:
0x46: {  	[tilespmem:s30+$0x120] =	vst v0;
	(pc) =	sbr.rel @p1 .LBB2_2-.Ltmp2, $4  }
0x47: {  	[tilespmem:s30+$0x130] =	vst v0  }
0x48: {  	[tilespmem:s30+$0x140] =	vst v0  }
0x49: {  	[tilespmem:s30+$0x150] =	vst v0  }
0x4a: {  	[tilespmem:s30+$0x160] =	vst v0;
	s30 =	sshra.s32 s31, $0x2;
	s31 =	sadd.s32 $0x200, s31  }
0x4b: {  	[tilespmem:s30+$0x170] =	vst v0  }
0x4c: {  	[tilespmem:s30+$0x100] =	vst v0  }
0x4d: {  	[tilespmem:s30+$0x110] =	vst v0  }
0x4e: {  	[tilespmem:s30+$0x120] =	vst v0  }
0x4f: {  	[tilespmem:s30+$0x130] =	vst v0  }
0x50: {  	[tilespmem:s30+$0x140] =	vst v0  }
0x51: {  	[tilespmem:s30+$0x150] =	vst v0  }
0x52: {  	[tilespmem:s30+$0x160] =	vst v0  }
0x53: {  	[spmem:s9] =	stream.linear.scatter [tilespmem:s22], [sflag:$0x3], $0x4000, $0x38;
	[tilespmem:$0x1C100] =	vst v63  }
0x54: {  	_ =	swait.ge [sflag:s23], $0x4000  }
0x55: {  	[sflag:s23] =	ssyncset.done $0x0  }
0x56: {  	[sflag:s23] =	ssyncadd.s32 $0xFFFFC000  }
0x57: {  	[spmem:s14] =	stream.linear.scatter [tilespmem:s22], [sflag:$0x3], $0x4000, $0x38;
	[tilespmem:$0x1C100] =	vst v63  }
0x58: {  	_ =	swait.ge [sflag:s23], $0x4000  }
0x59: {  	[sflag:s23] =	ssyncset.done $0x0  }
0x5a: {  	[sflag:s23] =	ssyncadd.s32 $0xFFFFC000  }
0x5b: {  	[spmem:s15] =	stream.linear.scatter [tilespmem:s22], [sflag:$0x3], $0x4000, $0x38;
	[tilespmem:$0x1C100] =	vst v63  }
0x5c: {  	_ =	swait.ge [sflag:s23], $0x4000  }
0x5d: {  	[sflag:s23] =	ssyncset.done $0x0  }
0x5e: {  	[sflag:s23] =	ssyncadd.s32 $0xFFFFC000  }
0x5f: {  	[spmem:s16] =	stream.linear.scatter [tilespmem:s22], [sflag:$0x3], $0x4000, $0x38;
	[tilespmem:$0x1C100] =	vst v63  }
0x60: {  	_ =	swait.ge [sflag:s23], $0x4000  }
0x61: {  	[sflag:s23] =	ssyncset.done $0x0  }
0x62: {  	[sflag:s23] =	ssyncadd.s32 $0xFFFFC000  }
0x63: {  	[spmem:s17] =	stream.linear.scatter [tilespmem:s22], [sflag:$0x3], $0x4000, $0x38;
	[tilespmem:$0x1C100] =	vst v63  }
.Ltmp3:
0x64: {  	_ =	swait.ge [sflag:s23], $0x4000;
	(pc) =	sbr.rel @!p0 .LBB2_4-.Ltmp3, $4  }
0x65: {  	[sflag:s23] =	ssyncset.done $0x0  }
0x66: {  	[sflag:s23] =	ssyncadd.s32 $0xFFFFC000  }
0x67: {  	[bflag:$0x0] =	sbarrier.arrive $0xFFFF  }
0x68: {  	s0 =	simm.s32 $0x0  }
0x69: {  	[tilespmem:s22], [sflag:$0x1] =	stream.linear.gather [hbm4b:s12+s0], $0x4000, $0x38;
	[tilespmem:$0x1C100] =	vst v63  }
0x6a: {  	s7 =	sand.u32 $0x3C00, s0  }
0x6b: {  	s8 =	sand.u32 $0x300, s0;
	s7 =	sadd.s32 s10, s7  }
0x6c: {  	s0 =	sor.u32 s8, s7  }
0x6d: {  	s0 =	sshrl.u32 s0, $0x3  }
0x6e: {  	s0 =	sadd.s32 s6, s0  }
0x6f: {  	[tilespmem:s2], [sflag:$0x3] =	stream.linear.gather [hbm4b:s0+s2], $0x100, $0x38;
	[tilespmem:$0x1C100] =	vst v63  }
0x70: {  	_ =	swait.ge [sflag:s23], $0x100  }
0x71: {  	[sflag:s23] =	ssyncset.done $0x0  }
0x72: {  	[sflag:s23] =	ssyncadd.s32 $0xFFFFFF00  }
0x73: {  	_ =	swait.ge [sflag:s24], $0x4000  }
0x74: {  	[sflag:s24] =	ssyncset.done $0x0  }
0x75: {  	s7 =	sadd.s32 $0xFFFFF800, s21;
	[sflag:s24] =	ssyncadd.s32 $0xFFFFC000  }
0x76: {  	[tilespmem:s25], [sflag:$0x2] =	stream.linear.gather [hbm4b:s7+s2], $0x4000, $0x38;
	[tilespmem:$0x1C100] =	vst v63  }
0x77: {  	_ = 	snop  }
0x78: {  	[spmem:s1] =	stream.indirect.scatter.add.f32 [tilespmem:s22], [sflag:$0x3], $0x80, s2, s26, $0xb8;
	[tilespmem:$0x1C100] =	vst v63  }
0x79: {  	_ =	swait.ge [sflag:s23], $0x4000  }
0x7a: {  	[sflag:s23] =	ssyncset.done $0x0  }
0x7b: {  	[sflag:s23] =	ssyncadd.s32 $0xFFFFC000  }
0x7c: {  	_ =	swait.ge [sflag:s28], $0x4000  }
0x7d: {  	[sflag:s28] =	ssyncset.done $0x0  }
0x7e: {  	s0 =	simm.s32 $0x100;
	[sflag:s28] =	ssyncadd.s32 $0xFFFFC000  }
0x7f: {  	[tilespmem:s22], [sflag:$0x1] =	stream.linear.gather [hbm4b:s21+s2], $0x4000, $0x38;
	[tilespmem:$0x1C100] =	vst v63  }
0x80: {  	s31 =	simm.s32 $0x200;
	s8 =	sand.u32 $0x3C00, s0  }
0x81: {  	[spmem:s1] =	stream.indirect.scatter.add.f32 [tilespmem:s25], [sflag:$0x3], $0x80, s26, s26, $0xb8;
	[tilespmem:$0x1C100] =	vst v63  }
0x82: {  	s0 =	sand.u32 $0x300, s0;
	s7 =	sadd.s32 s10, s8;
	_ =	swait.ge [sflag:s23], $0x4000  }
0x83: {  	s30 =	sadd.s32 $0x1000, s21;
	s0 =	sor.u32 s0, s7;
	[sflag:s23] =	ssyncset.done $0x0  }
.LBB2_8:
0x84: {  	s0 =	sshrl.u32 s0, $0x3  }
0x85: {  	[sflag:s23] =	ssyncadd.s32 $0xFFFFC000;
	s7 =	smov.u32 s31;
	s8 =	sadd.s32 $0x100, s31  }
0x86: {  	p1 =	sne.s32 s31, $0x2500;
	s0 =	sadd.s32 s6, s0  }
0x87: {  	[tilespmem:s2], [sflag:$0x3] =	stream.linear.gather [hbm4b:s0+s2], $0x100, $0x38;
	[tilespmem:$0x1C100] =	vst v63  }
0x88: {  	_ =	swait.ge [sflag:s23], $0x100  }
0x89: {  	[sflag:s23] =	ssyncset.done $0x0  }
0x8a: {  	[sflag:s23] =	ssyncadd.s32 $0xFFFFFF00  }
0x8b: {  	_ =	swait.ge [sflag:s24], $0x4000  }
0x8c: {  	[sflag:s24] =	ssyncset.done $0x0  }
0x8d: {  	s0 =	sadd.s32 $0xFFFFF800, s30;
	[sflag:s24] =	ssyncadd.s32 $0xFFFFC000  }
0x8e: {  	[tilespmem:s25], [sflag:$0x2] =	stream.linear.gather [hbm4b:s0+s2], $0x4000, $0x38;
	[tilespmem:$0x1C100] =	vst v63  }
0x8f: {  	_ = 	snop  }
0x90: {  	[spmem:s1] =	stream.indirect.scatter.add.f32 [tilespmem:s22], [sflag:$0x3], $0x80, s2, s26, $0xb8;
	[tilespmem:$0x1C100] =	vst v63  }
0x91: {  	_ =	swait.ge [sflag:s23], $0x4000  }
0x92: {  	[sflag:s23] =	ssyncset.done $0x0  }
0x93: {  	[sflag:s23] =	ssyncadd.s32 $0xFFFFC000  }
0x94: {  	_ =	swait.ge [sflag:s28], $0x4000  }
0x95: {  	[sflag:s28] =	ssyncset.done $0x0  }
0x96: {  	[sflag:s28] =	ssyncadd.s32 $0xFFFFC000  }
0x97: {  	[tilespmem:s22], [sflag:$0x1] =	stream.linear.gather [hbm4b:s30+s2], $0x4000, $0x38;
	[tilespmem:$0x1C100] =	vst v63  }
.Ltmp4:
0x98: {  	_ = 	snop;
	(pc) =	sbr.rel @p1 .LBB2_8-.Ltmp4, $4  }
0x99: {  	s31 =	smov.u32 s8;
	s0 =	sand.u32 $0x3C00, s7  }
0x9a: {  	[spmem:s1] =	stream.indirect.scatter.add.f32 [tilespmem:s25], [sflag:$0x3], $0x80, s26, s26, $0xb8;
	[tilespmem:$0x1C100] =	vst v63  }
0x9b: {  	s7 =	sand.u32 $0x300, s7;
	s0 =	sadd.s32 s10, s0;
	_ =	swait.ge [sflag:s23], $0x4000  }
0x9c: {  	s0 =	sor.u32 s7, s0;
	s30 =	sadd.s32 $0x1000, s30;
	[sflag:s23] =	ssyncset.done $0x0  }
0x9d: {  	s0 =	sshrl.u32 s0, $0x3  }
0x9e: {  	[sflag:s23] =	ssyncadd.s32 $0xFFFFC000;
	s0 =	sadd.s32 s6, s0  }
0x9f: {  	[tilespmem:s2], [sflag:$0x3] =	stream.linear.gather [hbm4b:s0+s2], $0x100, $0x38;
	[tilespmem:$0x1C100] =	vst v63  }
0xa0: {  	_ =	swait.ge [sflag:s23], $0x100  }
0xa1: {  	[sflag:s23] =	ssyncset.done $0x0  }
0xa2: {  	[sflag:s23] =	ssyncadd.s32 $0xFFFFFF00  }
0xa3: {  	_ =	swait.ge [sflag:s24], $0x4000  }
0xa4: {  	[sflag:s24] =	ssyncset.done $0x0  }
0xa5: {  	s8 =	sadd.s32 $0xFFFFF800, s30;
	[sflag:s24] =	ssyncadd.s32 $0xFFFFC000  }
0xa6: {  	[tilespmem:s25], [sflag:$0x2] =	stream.linear.gather [hbm4b:s8+s2], $0x4000, $0x38;
	[tilespmem:$0x1C100] =	vst v63  }
0xa7: {  	_ = 	snop  }
0xa8: {  	[spmem:s1] =	stream.indirect.scatter.add.f32 [tilespmem:s22], [sflag:$0x3], $0x80, s2, s26, $0xb8;
	[tilespmem:$0x1C100] =	vst v63  }
0xa9: {  	_ =	swait.ge [sflag:s23], $0x4000  }
0xaa: {  	[sflag:s23] =	ssyncset.done $0x0  }
0xab: {  	[sflag:s23] =	ssyncadd.s32 $0xFFFFC000  }
0xac: {  	_ =	swait.ge [sflag:s28], $0x4000  }
0xad: {  	[sflag:s28] =	ssyncset.done $0x0  }
0xae: {  	[sflag:s28] =	ssyncadd.s32 $0xFFFFC000  }
0xaf: {  	[tilespmem:s22], [sflag:$0x1] =	stream.linear.gather [hbm4b:s30+s2], $0x4000, $0x38;
	[tilespmem:$0x1C100] =	vst v63  }
.Ltmp5:
0xb0: {  	_ = 	snop;
	(pc) =	sbr.rel .LBB2_10-.Ltmp5, $4  }
0xb1: {  	[spmem:s1] =	stream.indirect.scatter.add.f32 [tilespmem:s25], [sflag:$0x3], $0x80, s26, s26, $0xb8;
	[tilespmem:$0x1C100] =	vst v63  }
0xb2: {  	_ =	swait.ge [sflag:s23], $0x4000  }
0xb3: {  	[sflag:s23] =	ssyncset.done $0x0  }
0xb4: {  	s31 =	smov.u32 s5;
	s30 =	rddreg [dreg:$0x4];
	[sflag:s23] =	ssyncadd.s32 $0xFFFFC000  }
.LBB2_4:
0xb5: {  	[tilespmem:s22], [sflag:$0x1] =	stream.linear.gather [hbm4b:s11+s0], $0x4000, $0x38;
	[tilespmem:$0x1C100] =	vst v63  }
0xb6: {  	s30 =	sand.u32 $0x3C00, s0  }
0xb7: {  	s8 =	sand.u32 $0x300, s0;
	s30 =	sadd.s32 s10, s30  }
0xb8: {  	s0 =	sor.u32 s8, s30  }
0xb9: {  	s0 =	sshrl.u32 s0, $0x3  }
0xba: {  	s0 =	sadd.s32 s6, s0  }
0xbb: {  	[tilespmem:s2], [sflag:$0x3] =	stream.linear.gather [hbm4b:s0+s2], $0x100, $0x38;
	[tilespmem:$0x1C100] =	vst v63  }
0xbc: {  	_ =	swait.ge [sflag:s23], $0x100  }
0xbd: {  	[sflag:s23] =	ssyncset.done $0x0  }
0xbe: {  	[sflag:s23] =	ssyncadd.s32 $0xFFFFFF00  }
0xbf: {  	_ =	swait.ge [sflag:s24], $0x4000  }
0xc0: {  	[sflag:s24] =	ssyncset.done $0x0  }
0xc1: {  	s7 =	sadd.s32 $0xFFFFF800, s20;
	[sflag:s24] =	ssyncadd.s32 $0xFFFFC000  }
0xc2: {  	[tilespmem:s25], [sflag:$0x2] =	stream.linear.gather [hbm4b:s7+s2], $0x4000, $0x38;
	[tilespmem:$0x1C100] =	vst v63  }
0xc3: {  	_ = 	snop  }
0xc4: {  	[spmem:s1] =	stream.indirect.scatter.add.f32 [tilespmem:s22], [sflag:$0x3], $0x80, s2, s26, $0xb8;
	[tilespmem:$0x1C100] =	vst v63  }
0xc5: {  	_ =	swait.ge [sflag:s23], $0x4000  }
0xc6: {  	[sflag:s23] =	ssyncset.done $0x0  }
0xc7: {  	[sflag:s23] =	ssyncadd.s32 $0xFFFFC000  }
0xc8: {  	_ =	swait.ge [sflag:s28], $0x4000  }
0xc9: {  	[sflag:s28] =	ssyncset.done $0x0  }
0xca: {  	s8 =	simm.s32 $0x100;
	[sflag:s28] =	ssyncadd.s32 $0xFFFFC000  }
0xcb: {  	[tilespmem:s22], [sflag:$0x1] =	stream.linear.gather [hbm4b:s20+s2], $0x4000, $0x38;
	[tilespmem:$0x1C100] =	vst v63  }
0xcc: {  	s31 =	simm.s32 $0x200;
	s30 =	sand.u32 $0x3C00, s8  }
0xcd: {  	[spmem:s1] =	stream.indirect.scatter.add.f32 [tilespmem:s25], [sflag:$0x3], $0x80, s26, s26, $0xb8;
	[tilespmem:$0x1C100] =	vst v63  }
0xce: {  	s30 =	sadd.s32 s10, s30;
	s0 =	sand.u32 $0x300, s8;
	_ =	swait.ge [sflag:s23], $0x4000  }
0xcf: {  	s0 =	sor.u32 s0, s30;
	s30 =	sadd.s32 $0x1000, s20;
	[sflag:s23] =	ssyncset.done $0x0  }
.LBB2_5:
0xd0: {  	s0 =	sshrl.u32 s0, $0x3  }
0xd1: {  	[sflag:s23] =	ssyncadd.s32 $0xFFFFC000;
	s7 =	smov.u32 s31;
	s8 =	sadd.s32 $0x100, s31  }
0xd2: {  	p1 =	seq.s32 s31, $0x2500;
	s0 =	sadd.s32 s6, s0  }
0xd3: {  	[tilespmem:s2], [sflag:$0x3] =	stream.linear.gather [hbm4b:s0+s2], $0x100, $0x38;
	[tilespmem:$0x1C100] =	vst v63  }
0xd4: {  	_ =	swait.ge [sflag:s23], $0x100  }
0xd5: {  	[sflag:s23] =	ssyncset.done $0x0  }
0xd6: {  	[sflag:s23] =	ssyncadd.s32 $0xFFFFFF00  }
0xd7: {  	_ =	swait.ge [sflag:s24], $0x4000  }
0xd8: {  	[sflag:s24] =	ssyncset.done $0x0  }
0xd9: {  	s0 =	sadd.s32 $0xFFFFF800, s30;
	[sflag:s24] =	ssyncadd.s32 $0xFFFFC000  }
0xda: {  	[tilespmem:s25], [sflag:$0x2] =	stream.linear.gather [hbm4b:s0+s2], $0x4000, $0x38;
	[tilespmem:$0x1C100] =	vst v63  }
0xdb: {  	_ = 	snop  }
0xdc: {  	[spmem:s1] =	stream.indirect.scatter.add.f32 [tilespmem:s22], [sflag:$0x3], $0x80, s2, s26, $0xb8;
	[tilespmem:$0x1C100] =	vst v63  }
0xdd: {  	_ =	swait.ge [sflag:s23], $0x4000  }
0xde: {  	[sflag:s23] =	ssyncset.done $0x0  }
0xdf: {  	[sflag:s23] =	ssyncadd.s32 $0xFFFFC000  }
0xe0: {  	_ =	swait.ge [sflag:s28], $0x4000  }
0xe1: {  	[sflag:s28] =	ssyncset.done $0x0  }
0xe2: {  	[sflag:s28] =	ssyncadd.s32 $0xFFFFC000  }
0xe3: {  	[tilespmem:s22], [sflag:$0x1] =	stream.linear.gather [hbm4b:s30+s2], $0x4000, $0x38;
	[tilespmem:$0x1C100] =	vst v63  }
.Ltmp6:
0xe4: {  	_ = 	snop;
	(pc) =	sbr.rel @!p1 .LBB2_5-.Ltmp6, $4  }
0xe5: {  	s31 =	smov.u32 s8;
	s0 =	sand.u32 $0x3C00, s7  }
0xe6: {  	[spmem:s1] =	stream.indirect.scatter.add.f32 [tilespmem:s25], [sflag:$0x3], $0x80, s26, s26, $0xb8;
	[tilespmem:$0x1C100] =	vst v63  }
0xe7: {  	s7 =	sand.u32 $0x300, s7;
	s0 =	sadd.s32 s10, s0;
	_ =	swait.ge [sflag:s23], $0x4000  }
0xe8: {  	s0 =	sor.u32 s7, s0;
	s30 =	sadd.s32 $0x1000, s30;
	[sflag:s23] =	ssyncset.done $0x0  }
.Ltmp7:
0xe9: {  	_ = 	snop;
	(pc) =	sbr.rel .LBB2_6-.Ltmp7, $1  }
0xea: {  	_ =	sdelay $0x3  }
.LBB2_11:
0xeb: {  	_ =	sfence.sel $0x180000  }
0xec: {  	[bflag:$0x0] =	sbarrier.arrive $0xFFFF  }
0xed: {  	_ =	strace $0x9000004A  }
0xee: {  	[bflag:$0x2] =	sbarrier.arrive $0xFFFF  }
0xef: {  	p0 =	sne.s32 s3, $0x0;
	s0 =	rddreg [dreg:$0x2]  }
0xf0: {  	s0 =	sadd.s32 @!p0 $0x100000, s0  }
0xf1: {  	[sflag:s0] =	ssyncadd.tile.s32 @!p0 $0x1;
	_ =	shalt  }
.Lfunc_end2:
_tile_overlayer_lowered:
.L_overlay_start_2:
0xf2: {  	(tag) =	ssettag $0x2  }
0xf3: {  	s0 =	rddreg [dreg:$0x0];
	s2 =	stileid.u32  }
0xf4: {  	s1 =	rddreg [dreg:$0x1];
	p0 =	sne.s32 s2, $0x0  }
0xf5: {  	s3 =	rddreg [dreg:$0x2];
	[bflag:$0x3] =	sbarrier.arrive $0xFFFF;
	s2 =	simm.s32 @!p0 $0x1C03  }
0xf6: {  	[timem:s3], [sflag:s2] =	dma.local @!p0 [hbm:s0], s1  }
0xf7: {  	s0 =	simm.s32 @!p0 $0x3  }
0xf8: {  	_ =	swait.ge @!p0 [sflag:s0], s1  }
0xf9: {  	s1 =	ssub.s32 @!p0 $0x0, s1;
	[sflag:s0] =	ssyncset.done @!p0 $0x0  }
0xfa: {  	[sflag:s0] =	ssyncadd.s32 @!p0 s1  }
0xfb: {  	[bflag:$0x3] =	sbarrier.arrive $0xFFFF  }
0xfc: {  	_ =	shalt  }

// kernel: kernel.18.cloned.1.call-start
scs
__scs_entry_jumppad:
0x0: {  	(pc) =	sbr.rel $0x88, $3  }
0x1: {  	(tag) =	ssettag $0x0;
	lr =	simm.s32 $0x1  }
0x2: {  	[smem:$0x3F8F] =	sst lr;
	_ =	strace $0xD0000000  }
0x3: {  	_ = 	snop  }
0x4: {  	_ = 	snop  }
0x5: {  	_ = 	snop  }
0x6: {  	_ = 	snop  }
0x7: {  	_ = 	snop  }
__scs_overlays_trampoline_lowered:
0x8: {  	[smem:$0x3F9E] =	sst s0  }
0x9: {  	[smem:$0x3F9F] =	sst s1  }
0xa: {  	[smem:$0x3FA0] =	sst s2  }
0xb: {  	[smem:$0x3FA1] =	sst s3  }
0xc: {  	[smem:$0x3FA2] =	sst s4  }
0xd: {  	[smem:$0x3FA3] =	sst s5  }
0xe: {  	[smem:$0x3FA4] =	sst s6  }
0xf: {  	[smem:$0x3FA5] =	sst s7  }
0x10: {  	[smem:$0x3FA6] =	sst s8  }
0x11: {  	[smem:$0x3FA7] =	sst s9;
	s0 =	simm.s32 @!p0 $0x0  }
0x12: {  	s1 =	sld [smem:$0x3F8D];
	s0 =	simm.s32 @p0 $0x1  }
0x13: {  	[smem:$0x3FA8] =	sst s0;
	s0 =	simm.s32 @!p1 $0x0  }
0x14: {  	s2 =	sld [smem:$0x3F8C];
	s0 =	simm.s32 @p1 $0x1  }
0x15: {  	[smem:$0x3FA9] =	sst s0;
	s0 =	simm.s32 @!p2 $0x0  }
0x16: {  	s3 =	sld [smem:$0x3FDB];
	s0 =	simm.s32 @p2 $0x1  }
0x17: {  	s4 =	simm.s32 $0x1BF5;
	[smem:$0x3FAB] =	sst s0  }
0x18: {  	s0 =	sld [smem:$0x3F8E];
	_ =	swait.ge [sflag:s4], $0x0  }
0x19: {  	s7 =	sld [smem:$0x3F8F]  }
0x1a: {  	s8 =	sadd.s32 $0xFFFFE003, lr  }
0x1b: {  	s9 =	sadd.s32 $0xFFFFFEF7, lr;
	s5 =	simm.s32 $0xFFFFFFFF;
	p2 =	slt.u32 s8, $0xFFFFF086  }
0x1c: {  	p1 =	slt.u32 s9, $0xF7A;
	s5 =	simm.s32 @!p2 $0x0  }
0x1d: {  	s5 =	simm.s32 @p1 $0x1;
	p0 =	seq.s32 s7, s2  }
0x1e: {  	s7 =	smul.u32 @!p0 $0xF7A, s2;
	p2 =	seq.s32 @!p0 s5, $0x0  }
0x1f: {  	s9 =	smul.u32 $0xF7A, s1;
	s8 =	simm.s32 @!p0 $0x1BF5;
	p2 =	por !p2, p0  }
0x20: {  	[sflag:s8] =	ssyncset.s32 @!p0 $0xFFFFF086;
	s6 =	sadd.s32 @!p0 s3, s7;
	s7 =	simm.s32 @!p0 $0x108  }
0x21: {  	s3 =	sadd.s32 s3, s9;
	s6 =	sadd.s32 @!p0 $0x88, s6;
	s7 =	simm.s32 @p2 $0x1082  }
0x22: {  	[simem:s7], [sflag:s8] =	dma.local @!p0 [hbm:s6], $0xF7A  }
0x23: {  	s9 =	sor.u32 $0xD0000000, s2;
	s6 =	simm.s32 $0x108;
	_ =	swait.ge @!p0 [sflag:s8], $0x0  }
0x24: {  	s3 =	sadd.s32 $0x88, s3;
	s6 =	simm.s32 @!p1 $0x1082;
	[sflag:s4] =	ssyncset.s32 $0xFFFFF086  }
0x25: {  	[simem:s6], [sflag:s4] =	dma.local [hbm:s3], $0xF7A  }
0x26: {  	[smem:$0x3F8F] =	sst s1;
	(tag) =	ssettag s2;
	_ =	strace s9  }
0x27: {  	s1 =	sld [smem:$0x3F9F]  }
0x28: {  	s2 =	sld [smem:$0x3FA0]  }
0x29: {  	s4 =	sld [smem:$0x3FA2]  }
0x2a: {  	p0 =	seq.s32 s5, $0x0;
	s5 =	sld [smem:$0x3FA3]  }
0x2b: {  	s6 =	sld [smem:$0x3FA4]  }
0x2c: {  	s7 =	sld [smem:$0x3FA5]  }
0x2d: {  	s3 =	simm.s32 $0x108;
	s8 =	sld [smem:$0x3FA6]  }
0x2e: {  	s3 =	simm.s32 @!p0 $0x1082;
	s9 =	sld [smem:$0x3FA7]  }
0x2f: {  	lr =	sadd.s32 s0, s3;
	s0 =	sld [smem:$0x3F9E]  }
0x30: {  	s3 =	sld [smem:$0x3FA1]  }
0x31: {  	[smem:$0x3FAA] =	sst s10  }
0x32: {  	s10 =	sld [smem:$0x3FA8];
	_ =	sdelay $0x3  }
0x33: {  	p0 =	seq.s32 s10, $0x1;
	s10 =	sld [smem:$0x3FAA];
	_ =	sdelay $0x3  }
0x34: {  	[smem:$0x3FAA] =	sst s10  }
0x35: {  	s10 =	sld [smem:$0x3FA9];
	_ =	sdelay $0x3  }
0x36: {  	p1 =	seq.s32 s10, $0x1;
	s10 =	sld [smem:$0x3FAA];
	_ =	sdelay $0x3  }
0x37: {  	[smem:$0x3FAA] =	sst s10  }
0x38: {  	s10 =	sld [smem:$0x3FAB]  }
0x39: {  	_ = 	snop;
	(pc) =	sbr.ind lr, $3  }
0x3a: {  	_ = 	snop  }
0x3b: {  	_ = 	snop  }
0x3c: {  	p2 =	seq.s32 s10, $0x1;
	s10 =	sld [smem:$0x3FAA]  }
0x3d: {  	_ =	shalt  }
0x3e: {  	_ =	shalt  }
0x3f: {  	_ =	shalt  }
0x40: {  	_ =	shalt  }
0x41: {  	_ =	shalt  }
0x42: {  	_ =	shalt  }
0x43: {  	_ =	shalt  }
0x44: {  	_ =	shalt  }
0x45: {  	_ =	shalt  }
0x46: {  	_ =	shalt  }
0x47: {  	_ =	shalt  }
0x48: {  	_ =	shalt  }
0x49: {  	_ =	shalt  }
0x4a: {  	_ =	shalt  }
0x4b: {  	_ =	shalt  }
0x4c: {  	_ =	shalt  }
0x4d: {  	_ =	shalt  }
0x4e: {  	_ =	shalt  }
0x4f: {  	_ =	shalt  }
0x50: {  	_ =	shalt  }
0x51: {  	_ =	shalt  }
0x52: {  	_ =	shalt  }
0x53: {  	_ =	shalt  }
0x54: {  	_ =	shalt  }
0x55: {  	_ =	shalt  }
0x56: {  	_ =	shalt  }
0x57: {  	_ =	shalt  }
0x58: {  	_ =	shalt  }
0x59: {  	_ =	shalt  }
0x5a: {  	_ =	shalt  }
0x5b: {  	_ =	shalt  }
0x5c: {  	_ =	shalt  }
0x5d: {  	_ =	shalt  }
0x5e: {  	_ =	shalt  }
0x5f: {  	_ =	shalt  }
0x60: {  	_ =	shalt  }
0x61: {  	_ =	shalt  }
0x62: {  	_ =	shalt  }
0x63: {  	_ =	shalt  }
0x64: {  	_ =	shalt  }
0x65: {  	_ =	shalt  }
0x66: {  	_ =	shalt  }
0x67: {  	_ =	shalt  }
0x68: {  	_ =	shalt  }
0x69: {  	_ =	shalt  }
0x6a: {  	_ =	shalt  }
0x6b: {  	_ =	shalt  }
0x6c: {  	_ =	shalt  }
0x6d: {  	_ =	shalt  }
0x6e: {  	_ =	shalt  }
0x6f: {  	_ =	shalt  }
0x70: {  	_ =	shalt  }
0x71: {  	_ =	shalt  }
0x72: {  	_ =	shalt  }
0x73: {  	_ =	shalt  }
0x74: {  	_ =	shalt  }
0x75: {  	_ =	shalt  }
0x76: {  	_ =	shalt  }
0x77: {  	_ =	shalt  }
0x78: {  	_ =	shalt  }
0x79: {  	_ =	shalt  }
0x7a: {  	_ =	shalt  }
0x7b: {  	_ =	shalt  }
0x7c: {  	_ =	shalt  }
0x7d: {  	_ =	shalt  }
0x7e: {  	_ =	shalt  }
0x7f: {  	_ =	shalt  }
0x80: {  	_ =	shalt  }
0x81: {  	_ =	shalt  }
0x82: {  	_ =	shalt  }
0x83: {  	_ =	shalt  }
0x84: {  	_ =	shalt  }
0x85: {  	_ =	shalt  }
0x86: {  	_ =	shalt  }
0x87: {  	_ =	shalt  }
.Lfunc_end0:
.L_simem_size_0:
called_computation.2_lowered:
.L_overlay_start_0:
0x88: {  	s2 =	sld [smem:$0x3FD9]  }
0x89: {  	s3 =	sld [smem:$0x3FFE];
	_ =	sdelay $0x1  }
0x8a: {  	s1 =	srdreg.scid  }
0x8b: {  	s0 =	sand.u32 $0x1, s1  }
0x8c: {  	s17 =	sshll.u32 s0, $0xA;
	s2 =	sadd.s32 s3, s2  }
0x8d: {  	s2 =	sadd.s32 s2, s17  }
0x8e: {  	[smem:$0x3FB6] =	sst s2  }
0x8f: {  	_ = 	snop  }
0x90: {  	s2 =	sld [smem:$0x3FD0];
	(tm) =	ssettm $0x1  }
0x91: {  	s18 =	sld [smem:$0x3FFB];
	_ =	sdelay $0x3  }
0x92: {  	_ =	strace s18  }
0x93: {  	s3 =	sld [smem:$0x3FFC];
	_ =	sdelay $0x3  }
0x94: {  	_ =	strace s3  }
0x95: {  	s3 =	sld [smem:$0x3FFD];
	_ =	sdelay $0x3  }
0x96: {  	_ =	strace s3  }
0x97: {  	_ =	strace $0x8FFFFFFF  }
0x98: {  	s19 =	sld [smem:$0x3FDB];
	_ =	sdelay $0x1  }
0x99: {  	s4 =	simm.s32 $_scs_section_size  }
0x9a: {  	s5 =	simm.s32 $_size__tile_overlayer_lowered;
	s6 =	simm.s32 $_tile_overlayer_lowered  }
0x9b: {  	s22 =	simm.s32 $0x1BFF;
	s21 =	sshll.u32 s6, $0x1;
	s3 =	sadd.s32 s4, s19  }
0x9c: {  	s7 =	simm.s32 $0x0;
	s20 =	sshll.u32 s5, $0x1;
	s5 =	sadd.s32 s21, s3  }
0x9d: {  	[timem:s7], [sflag:s22] =	dma.local [hbm:s5], s20  }
0x9e: {  	_ =	swait.ge [sflag:s22], s20  }
0x9f: {  	s4 =	ssub.s32 $0x0, s20;
	[sflag:s22] =	ssyncset.done $0x0  }
0xa0: {  	[sflag:s22] =	ssyncadd.s32 s4;
	_ =	sdelay $0x1  }
0xa1: {  	s23 =	simm.s32 $0x1B8B  }
0xa2: {  	_ =	swait.ge [sflag:s23], $0x1  }
0xa3: {  	[sflag:s23] =	ssyncset.done $0x0  }
0xa4: {  	s25 =	simm.s32 $0x1B8E;
	s24 =	sld [smem:$0x3FFE];
	[sflag:s23] =	ssyncadd.s32 $0xFFFFFFFF  }
0xa5: {  	s26 =	simm.s32 $execute0_lowered;
	[smem:$0x3FD2] =	sst s25  }
0xa6: {  	s5 =	sshll.u32 s26, $0x1;
	_ =	strace $0x8000004C;
	[dreg:$0x1] =	wrdreg $0xFFFFFFFF  }
0xa7: {  	s28 =	simm.s32 $_size_execute0_lowered;
	s3 =	sadd.s32 s3, s5;
	[dreg:$0x0] =	wrdreg $0x0  }
0xa8: {  	s5 =	sshll.u32 s28, $0x1;
	[dreg:$0x2] =	wrdreg s3  }
0xa9: {  	[dreg:$0x3] =	wrdreg s5  }
0xaa: {  	[dreg:$0x4] =	wrdreg $0xC0  }
0xab: {  	_ =	task [dreg:s7], $0x5FFFF  }
0xac: {  	[dreg:$0x1] =	wrdreg $0xFFFFFFFF  }
0xad: {  	[dreg:$0x0] =	wrdreg $0x60  }
0xae: {  	[dreg:$0x2] =	wrdreg s24  }
0xaf: {  	[dreg:$0x3] =	wrdreg s2  }
0xb0: {  	[dreg:$0x4] =	wrdreg $0x81000  }
0xb1: {  	[dreg:$0x5] =	wrdreg $0x9  }
0xb2: {  	_ =	task.clear_ibuf [dreg:s7], $0x6FFFF;
	_ =	strace $0x9000004C  }
0xb3: {  	s29 =	simm.s32 $0x9;
	_ =	strace $0x8000004E  }
0xb4: {  	_ =	swait.ge [sflag:s29], $0x1  }
0xb5: {  	[sflag:s29] =	ssyncadd.s32 $0xFFFFFFFF  }
0xb6: {  	_ =	strace $0x9000004E  }
0xb7: {  	_ =	sfence  }
0xb8: {  	s30 =	sld [smem:$0x0];
	_ =	sdelay $0x2  }
0xb9: {  	s31 =	sshll.u32 s1, $0xD;
	s1 =	sshrl.u32 s1, $0x2  }
0xba: {  	s3 =	sand.u32 $0x4000, s31;
	s1 =	sadd.s32 s1, s30  }
0xbb: {  	s0 =	sor.u32 s3, s0;
	s1 =	sshll.u32 s1, $0x11  }
0xbc: {  	s0 =	sor.u32 s1, s0  }
0xbd: {  	s0 =	sadd.s32 $0x8F2B, s0  }
0xbe: {  	[sflag:s0] =	ssyncadd.remote.s32 $0x1  }
0xbf: {  	_ =	sfence.sel $0xFFFF  }
0xc0: {  	[dreg:$0x0] =	wrdreg $0xFFFFFFFF;
	(pc) =	sbr.abs _section_cstart, $3  }
0xc1: {  	[dreg:$0x1] =	wrdreg $0xFFFFFFFF  }
0xc2: {  	_ =	task.clear_ibuf [dreg:s7], $0x2FFFF;
	_ =	strace $0x9FFFFFFF  }
0xc3: {  	(tm) =	ssettm $0x7FFFFFFF  }
tec
execute0_lowered:
.L_overlay_start_1:
0x0: {  	(tag) =	ssettag $0x1  }
0x1: {  	s0 =	rddreg [dreg:$0x0]  }
0x2: {  	s2 =	rddreg [dreg:$0x1]  }
0x3: {  	s3 =	rddreg [dreg:$0x2];
	s4 =	simm.s32 $0x0  }
0x4: {  	s9 =	stileid.u32;
	s8 =	srdreg.scid;
	s28 =	simm.s32 $0x80  }
0x5: {  	s29 =	simm.s32 $0x2;
	[smem:$0x7FF] =	sst s4;
	s5 =	smul.u32 $0x2800, s9  }
0x6: {  	s30 =	simm.s32 $0x0;
	s6 =	sadd.s32 $0x172E400, s0;
	s7 =	sadd.s32 $0x148E400, s0  }
0x7: {  	s10 =	sadd.s32 $0x4800, s0;
	s8 =	sand.u32 $0x1, s8;
	s23 =	smul.u32 $0x50000, s9  }
0x8: {  	s16 =	smul.u32 $0x2A000, s9;
	s20 =	sshll.u32 s9, $0x6;
	_ =	strace $0x8000004D  }
0x9: {  	[dreg:$0x4] =	wrdreg s10;
	s24 =	ssub.s32 $0x2, s8;
	s10 =	smul.u32 $0x2C00, s9  }
0xa: {  	p0 =	seq.s32 s8, $0x0;
	s21 =	sor.u32 $0x1C03, s20;
	s1 =	sadd.s32 s5, s0  }
0xb: {  	s0 =	sadd.s32 $0x2C800, s0;
	s11 =	sshrl.u32 s24, $0x1;
	s12 =	sshrl.u32 s23, $0x2  }
0xc: {  	s14 =	sadd.s32 s6, s16;
	s23 =	simm.s32 $0x3;
	[dreg:$0x5] =	wrdreg s0  }
0xd: {  	s0 =	ssub.s32 s24, s11;
	s22 =	sadd.s32 s12, s3;
	s25 =	sadd.s32 $0x53C800, s1  }
.Ltmp0:
0xe: {  	s12 =	sadd.s32 s7, s16;
	s13 =	sadd.s32 $0x514800, s1;
	(pc) =	sbr.rel .LBB2_1-.Ltmp0, $4  }
0xf: {  	s26 =	sshrl.u32 s10, $0x3;
	s16 =	sadd.s32 $0x29800, s16;
	s19 =	sadd.s32 $0x1000, s14  }
0x10: {  	s24 =	simm.s32 $0x100;
	[dreg:$0x6] =	wrdreg s25;
	s15 =	smax.u32 s0, $0x1  }
0x11: {  	s31 =	sadd.s32 s2, s26;
	s18 =	sadd.s32 $0x1000, s12;
	s22 =	sshrl.u32 s22, $0x3  }
0x12: {  	s25 =	simm.s32 $0x1;
	s26 =	simm.s32 $0x4100;
	s17 =	sadd.s32 $0x520, s31  }
.LBB2_7:
0x13: {  	s0 =	sshrl.u32 s1, $0x3  }
0x14: {  	[sflag:s23] =	ssyncadd.s32 $0xFFFFC000;
	s0 =	sadd.s32 s2, s0  }
0x15: {  	[tilespmem:s4], [sflag:$0x3] =	stream.linear.gather [hbm4b:s0+s4], $0x100, $0x38;
	[tilespmem:$0x1C100] =	vst v63  }
0x16: {  	_ =	swait.ge [sflag:s23], $0x100  }
0x17: {  	[sflag:s23] =	ssyncset.done $0x0  }
0x18: {  	[sflag:s23] =	ssyncadd.s32 $0xFFFFFF00  }
0x19: {  	_ =	swait.ge [sflag:s25], $0x4000  }
0x1a: {  	[sflag:s25] =	ssyncset.done $0x0  }
0x1b: {  	s11 =	sadd.s32 $0xFFFFF800, s31;
	[sflag:s25] =	ssyncadd.s32 $0xFFFFC000  }
0x1c: {  	[tilespmem:s26], [sflag:$0x2] =	stream.linear.gather [hbm4b:s11+s4], $0x4000, $0x38;
	[tilespmem:$0x1C100] =	vst v63  }
0x1d: {  	_ = 	snop  }
0x1e: {  	[spmem:s3] =	stream.indirect.scatter.add.f32 [tilespmem:s24], [sflag:$0x3], $0x80, s4, s28, $0xb8;
	[tilespmem:$0x1C100] =	vst v63  }
0x1f: {  	_ =	swait.ge [sflag:s23], $0x4000  }
0x20: {  	[sflag:s23] =	ssyncset.done $0x0  }
0x21: {  	[sflag:s23] =	ssyncadd.s32 $0xFFFFC000  }
0x22: {  	_ =	swait.ge [sflag:s29], $0x4000  }
0x23: {  	[sflag:s29] =	ssyncset.done $0x0  }
0x24: {  	[sflag:s29] =	ssyncadd.s32 $0xFFFFC000  }
0x25: {  	[tilespmem:s24], [sflag:$0x1] =	stream.linear.gather [hbm4b:s31+s4], $0x4000, $0x38;
	[tilespmem:$0x1C100] =	vst v63  }
0x26: {  	_ = 	snop  }
0x27: {  	[spmem:s3] =	stream.indirect.scatter.add.f32 [tilespmem:s26], [sflag:$0x3], $0x80, s28, s28, $0xb8;
	[tilespmem:$0x1C100] =	vst v63  }
0x28: {  	_ =	swait.ge [sflag:s23], $0x4000  }
0x29: {  	s1 =	smov.u32 s6;
	[sflag:s23] =	ssyncset.done $0x0  }
0x2a: {  	s31 =	smov.u32 s21;
	s0 =	rddreg [dreg:$0x4];
	[sflag:s23] =	ssyncadd.s32 $0xFFFFC000  }
.LBB2_8:
0x2b: {  	[tilespmem:s4], [sflag:$0x3] =	stream.linear.gather [hbm4b:s17+s4], $0x100, $0x38;
	[tilespmem:$0x1C100] =	vst v63  }
0x2c: {  	_ =	swait.ge [sflag:s23], $0x100  }
0x2d: {  	[sflag:s23] =	ssyncset.done $0x0  }
0x2e: {  	[sflag:s23] =	ssyncadd.s32 $0xFFFFFF00  }
0x2f: {  	_ =	swait.ge [sflag:s25], $0x4000  }
0x30: {  	[sflag:s25] =	ssyncset.done $0x0  }
0x31: {  	s1 =	sadd.s32 s1, s16;
	[sflag:s25] =	ssyncadd.s32 $0xFFFFC000  }
0x32: {  	[tilespmem:s26], [sflag:$0x2] =	stream.linear.gather [hbm4b:s1+s4], $0x4000, $0x38;
	[tilespmem:$0x1C100] =	vst v63  }
0x33: {  	_ = 	snop  }
0x34: {  	[spmem:s3] =	stream.indirect.scatter.add.f32 [tilespmem:s24], [sflag:$0x3], $0x80, s4, s28, $0xb8;
	[tilespmem:$0x1C100] =	vst v63  }
0x35: {  	_ =	swait.ge [sflag:s23], $0x4000  }
0x36: {  	[sflag:s23] =	ssyncset.done $0x0  }
0x37: {  	[sflag:s23] =	ssyncadd.s32 $0xFFFFC000  }
0x38: {  	_ =	swait.ge [sflag:s29], $0x4000  }
0x39: {  	[sflag:s29] =	ssyncset.done $0x0  }
0x3a: {  	[sflag:s29] =	ssyncadd.s32 $0xFFFFC000  }
0x3b: {  	[spmem:s3] =	stream.indirect.scatter.add.f32 [tilespmem:s26], [sflag:$0x3], $0x80, s28, s28, $0xb8;
	[tilespmem:$0x1C100] =	vst v63  }
0x3c: {  	_ =	swait.ge [sflag:s23], $0x4000  }
0x3d: {  	s30 =	sadd.s32 $0x1, s30;
	[sflag:s23] =	ssyncset.done $0x0  }
0x3e: {  	p1 =	sne.s32 s30, s15;
	[sflag:s23] =	ssyncadd.s32 $0xFFFFC000  }
.Ltmp1:
0x3f: {  	s0 =	sadd.s32 s0, s5;
	[bflag:$0x0] =	sbarrier.arrive $0xFFFF;
	(pc) =	sbr.rel @!p1 .LBB2_9-.Ltmp1, $4  }
0x40: {  	[hbm:s0], [sflag:s31] =	dma.local [spmem:s22], $0x2800  }
0x41: {  	_ =	swait.ge [sflag:s23], $0x2800  }
0x42: {  	[sflag:s23] =	ssyncset.done $0x0  }
0x43: {  	[sflag:s23] =	ssyncadd.s32 $0xFFFFD800  }
.LBB2_1:
.Ltmp2:
0x44: {  	(pc) =	sbr.rel @!p0 .LBB2_2-.Ltmp2, $1  }
0x45: {  	_ =	sdelay $0x3  }
0x46: {  	[spmem:s22], [sflag:s21] =	dma.local [hbm:s13], $0x2800  }
0x47: {  	_ =	swait.ge [sflag:s23], $0x2800  }
0x48: {  	[sflag:s23] =	ssyncset.done $0x0  }
0x49: {  	s0 =	simm.s32 $0x0;
	[sflag:s23] =	ssyncadd.s32 $0xFFFFD800  }
0x4a: {  	s1 =	sand.u32 $0x3C00, s0;
	[bflag:$0x0] =	sbarrier.arrive $0xFFFF  }
0x4b: {  	[tilespmem:s24], [sflag:$0x1] =	stream.linear.gather [hbm4b:s14+s0], $0x4000, $0x38;
	[tilespmem:$0x1C100] =	vst v63  }
0x4c: {  	s1 =	sadd.s32 s10, s1;
	s0 =	sand.u32 $0x300, s0  }
0x4d: {  	s0 =	sor.u32 s0, s1  }
0x4e: {  	s0 =	sshrl.u32 s0, $0x3  }
0x4f: {  	s0 =	sadd.s32 s2, s0  }
0x50: {  	[tilespmem:s4], [sflag:$0x3] =	stream.linear.gather [hbm4b:s0+s4], $0x100, $0x38;
	[tilespmem:$0x1C100] =	vst v63  }
0x51: {  	_ =	swait.ge [sflag:s23], $0x100  }
0x52: {  	[sflag:s23] =	ssyncset.done $0x0  }
0x53: {  	[sflag:s23] =	ssyncadd.s32 $0xFFFFFF00  }
0x54: {  	_ =	swait.ge [sflag:s25], $0x4000  }
0x55: {  	[sflag:s25] =	ssyncset.done $0x0  }
0x56: {  	s9 =	sadd.s32 $0xFFFFF800, s19;
	[sflag:s25] =	ssyncadd.s32 $0xFFFFC000  }
0x57: {  	[tilespmem:s26], [sflag:$0x2] =	stream.linear.gather [hbm4b:s9+s4], $0x4000, $0x38;
	[tilespmem:$0x1C100] =	vst v63  }
0x58: {  	_ = 	snop  }
0x59: {  	[spmem:s3] =	stream.indirect.scatter.add.f32 [tilespmem:s24], [sflag:$0x3], $0x80, s4, s28, $0xb8;
	[tilespmem:$0x1C100] =	vst v63  }
0x5a: {  	_ =	swait.ge [sflag:s23], $0x4000  }
0x5b: {  	[sflag:s23] =	ssyncset.done $0x0  }
0x5c: {  	[sflag:s23] =	ssyncadd.s32 $0xFFFFC000  }
0x5d: {  	_ =	swait.ge [sflag:s29], $0x4000  }
0x5e: {  	[sflag:s29] =	ssyncset.done $0x0  }
0x5f: {  	s11 =	simm.s32 $0x100;
	[sflag:s29] =	ssyncadd.s32 $0xFFFFC000  }
0x60: {  	[tilespmem:s24], [sflag:$0x1] =	stream.linear.gather [hbm4b:s19+s4], $0x4000, $0x38;
	[tilespmem:$0x1C100] =	vst v63  }
0x61: {  	s31 =	sadd.s32 $0x1000, s19;
	s8 =	sand.u32 $0x3C00, s11  }
0x62: {  	[spmem:s3] =	stream.indirect.scatter.add.f32 [tilespmem:s26], [sflag:$0x3], $0x80, s28, s28, $0xb8;
	[tilespmem:$0x1C100] =	vst v63  }
0x63: {  	s8 =	sadd.s32 s10, s8;
	s1 =	sand.u32 $0x300, s11;
	_ =	swait.ge [sflag:s23], $0x4000  }
0x64: {  	s1 =	sor.u32 s1, s8;
	s0 =	simm.s32 $0x200;
	[sflag:s23] =	ssyncset.done $0x0  }
.LBB2_6:
0x65: {  	s1 =	sshrl.u32 s1, $0x3  }
0x66: {  	[sflag:s23] =	ssyncadd.s32 $0xFFFFC000;
	s8 =	smov.u32 s0;
	s9 =	sadd.s32 $0x100, s0  }
0x67: {  	p1 =	seq.s32 s0, $0x2800;
	s0 =	sadd.s32 s2, s1  }
0x68: {  	[tilespmem:s4], [sflag:$0x3] =	stream.linear.gather [hbm4b:s0+s4], $0x100, $0x38;
	[tilespmem:$0x1C100] =	vst v63  }
0x69: {  	_ =	swait.ge [sflag:s23], $0x100  }
0x6a: {  	[sflag:s23] =	ssyncset.done $0x0  }
0x6b: {  	[sflag:s23] =	ssyncadd.s32 $0xFFFFFF00  }
0x6c: {  	_ =	swait.ge [sflag:s25], $0x4000  }
0x6d: {  	[sflag:s25] =	ssyncset.done $0x0  }
0x6e: {  	s0 =	sadd.s32 $0xFFFFF800, s31;
	[sflag:s25] =	ssyncadd.s32 $0xFFFFC000  }
0x6f: {  	[tilespmem:s26], [sflag:$0x2] =	stream.linear.gather [hbm4b:s0+s4], $0x4000, $0x38;
	[tilespmem:$0x1C100] =	vst v63  }
0x70: {  	_ = 	snop  }
0x71: {  	[spmem:s3] =	stream.indirect.scatter.add.f32 [tilespmem:s24], [sflag:$0x3], $0x80, s4, s28, $0xb8;
	[tilespmem:$0x1C100] =	vst v63  }
0x72: {  	_ =	swait.ge [sflag:s23], $0x4000  }
0x73: {  	[sflag:s23] =	ssyncset.done $0x0  }
0x74: {  	[sflag:s23] =	ssyncadd.s32 $0xFFFFC000  }
0x75: {  	_ =	swait.ge [sflag:s29], $0x4000  }
0x76: {  	[sflag:s29] =	ssyncset.done $0x0  }
0x77: {  	[sflag:s29] =	ssyncadd.s32 $0xFFFFC000  }
0x78: {  	[tilespmem:s24], [sflag:$0x1] =	stream.linear.gather [hbm4b:s31+s4], $0x4000, $0x38;
	[tilespmem:$0x1C100] =	vst v63  }
.Ltmp3:
0x79: {  	s0 =	sand.u32 $0x3C00, s8;
	(pc) =	sbr.rel @!p1 .LBB2_6-.Ltmp3, $4  }
0x7a: {  	s1 =	sand.u32 $0x300, s8;
	s0 =	sadd.s32 s10, s0  }
0x7b: {  	[spmem:s3] =	stream.indirect.scatter.add.f32 [tilespmem:s26], [sflag:$0x3], $0x80, s28, s28, $0xb8;
	[tilespmem:$0x1C100] =	vst v63  }
0x7c: {  	s1 =	sor.u32 s1, s0;
	_ =	swait.ge [sflag:s23], $0x4000  }
0x7d: {  	s0 =	smov.u32 s9;
	s31 =	sadd.s32 $0x1000, s31;
	[sflag:s23] =	ssyncset.done $0x0  }
.Ltmp4:
0x7e: {  	_ = 	snop;
	(pc) =	sbr.rel .LBB2_7-.Ltmp4, $1  }
0x7f: {  	_ =	sdelay $0x3  }
.LBB2_2:
0x80: {  	s31 =	sor.u32 $0x1C03, s20;
	s0 =	rddreg [dreg:$0x6];
	s8 =	simm.s32 $0x0  }
0x81: {  	[spmem:s22], [sflag:s31] =	dma.local [hbm:s0], $0x2800  }
0x82: {  	s1 =	sand.u32 $0x3C00, s8;
	_ =	swait.ge [sflag:s23], $0x2800  }
0x83: {  	s0 =	sand.u32 $0x300, s8;
	s1 =	sadd.s32 s10, s1;
	[sflag:s23] =	ssyncset.done $0x0  }
0x84: {  	s0 =	sor.u32 s0, s1;
	[sflag:s23] =	ssyncadd.s32 $0xFFFFD800  }
0x85: {  	s0 =	sshrl.u32 s0, $0x3;
	[bflag:$0x0] =	sbarrier.arrive $0xFFFF  }
0x86: {  	[tilespmem:s24], [sflag:$0x1] =	stream.linear.gather [hbm4b:s12+s8], $0x4000, $0x38;
	[tilespmem:$0x1C100] =	vst v63  }
0x87: {  	s0 =	sadd.s32 s2, s0  }
0x88: {  	[tilespmem:s4], [sflag:$0x3] =	stream.linear.gather [hbm4b:s0+s4], $0x100, $0x38;
	[tilespmem:$0x1C100] =	vst v63  }
0x89: {  	_ =	swait.ge [sflag:s23], $0x100  }
0x8a: {  	[sflag:s23] =	ssyncset.done $0x0  }
0x8b: {  	[sflag:s23] =	ssyncadd.s32 $0xFFFFFF00  }
0x8c: {  	_ =	swait.ge [sflag:s25], $0x4000  }
0x8d: {  	[sflag:s25] =	ssyncset.done $0x0  }
0x8e: {  	s9 =	sadd.s32 $0xFFFFF800, s18;
	[sflag:s25] =	ssyncadd.s32 $0xFFFFC000  }
0x8f: {  	[tilespmem:s26], [sflag:$0x2] =	stream.linear.gather [hbm4b:s9+s4], $0x4000, $0x38;
	[tilespmem:$0x1C100] =	vst v63  }
0x90: {  	_ = 	snop  }
0x91: {  	[spmem:s3] =	stream.indirect.scatter.add.f32 [tilespmem:s24], [sflag:$0x3], $0x80, s4, s28, $0xb8;
	[tilespmem:$0x1C100] =	vst v63  }
0x92: {  	_ =	swait.ge [sflag:s23], $0x4000  }
0x93: {  	[sflag:s23] =	ssyncset.done $0x0  }
0x94: {  	[sflag:s23] =	ssyncadd.s32 $0xFFFFC000  }
0x95: {  	_ =	swait.ge [sflag:s29], $0x4000  }
0x96: {  	[sflag:s29] =	ssyncset.done $0x0  }
0x97: {  	s11 =	simm.s32 $0x100;
	[sflag:s29] =	ssyncadd.s32 $0xFFFFC000  }
0x98: {  	[tilespmem:s24], [sflag:$0x1] =	stream.linear.gather [hbm4b:s18+s4], $0x4000, $0x38;
	[tilespmem:$0x1C100] =	vst v63  }
0x99: {  	s1 =	simm.s32 $0x200;
	s8 =	sand.u32 $0x3C00, s11  }
0x9a: {  	[spmem:s3] =	stream.indirect.scatter.add.f32 [tilespmem:s26], [sflag:$0x3], $0x80, s28, s28, $0xb8;
	[tilespmem:$0x1C100] =	vst v63  }
0x9b: {  	s8 =	sadd.s32 s10, s8;
	s0 =	sand.u32 $0x300, s11;
	_ =	swait.ge [sflag:s23], $0x4000  }
0x9c: {  	s8 =	sor.u32 s0, s8;
	s0 =	sadd.s32 $0x1000, s18;
	[sflag:s23] =	ssyncset.done $0x0  }
.LBB2_3:
0x9d: {  	s8 =	sshrl.u32 s8, $0x3  }
0x9e: {  	[sflag:s23] =	ssyncadd.s32 $0xFFFFC000;
	s9 =	smov.u32 s1;
	s11 =	sadd.s32 $0x100, s1  }
0x9f: {  	p1 =	sne.s32 s1, $0x2800;
	s1 =	sadd.s32 s2, s8  }
0xa0: {  	[tilespmem:s4], [sflag:$0x3] =	stream.linear.gather [hbm4b:s1+s4], $0x100, $0x38;
	[tilespmem:$0x1C100] =	vst v63  }
0xa1: {  	_ =	swait.ge [sflag:s23], $0x100  }
0xa2: {  	[sflag:s23] =	ssyncset.done $0x0  }
0xa3: {  	[sflag:s23] =	ssyncadd.s32 $0xFFFFFF00  }
0xa4: {  	_ =	swait.ge [sflag:s25], $0x4000  }
0xa5: {  	[sflag:s25] =	ssyncset.done $0x0  }
0xa6: {  	s1 =	sadd.s32 $0xFFFFF800, s0;
	[sflag:s25] =	ssyncadd.s32 $0xFFFFC000  }
0xa7: {  	[tilespmem:s26], [sflag:$0x2] =	stream.linear.gather [hbm4b:s1+s4], $0x4000, $0x38;
	[tilespmem:$0x1C100] =	vst v63  }
0xa8: {  	_ = 	snop  }
0xa9: {  	[spmem:s3] =	stream.indirect.scatter.add.f32 [tilespmem:s24], [sflag:$0x3], $0x80, s4, s28, $0xb8;
	[tilespmem:$0x1C100] =	vst v63  }
0xaa: {  	_ =	swait.ge [sflag:s23], $0x4000  }
0xab: {  	[sflag:s23] =	ssyncset.done $0x0  }
0xac: {  	[sflag:s23] =	ssyncadd.s32 $0xFFFFC000  }
0xad: {  	_ =	swait.ge [sflag:s29], $0x4000  }
0xae: {  	[sflag:s29] =	ssyncset.done $0x0  }
0xaf: {  	[sflag:s29] =	ssyncadd.s32 $0xFFFFC000  }
0xb0: {  	[tilespmem:s24], [sflag:$0x1] =	stream.linear.gather [hbm4b:s0+s4], $0x4000, $0x38;
	[tilespmem:$0x1C100] =	vst v63  }
.Ltmp5:
0xb1: {  	s1 =	sand.u32 $0x3C00, s9;
	(pc) =	sbr.rel @p1 .LBB2_3-.Ltmp5, $4  }
0xb2: {  	s8 =	sand.u32 $0x300, s9;
	s1 =	sadd.s32 s10, s1  }
0xb3: {  	[spmem:s3] =	stream.indirect.scatter.add.f32 [tilespmem:s26], [sflag:$0x3], $0x80, s28, s28, $0xb8;
	[tilespmem:$0x1C100] =	vst v63  }
0xb4: {  	s8 =	sor.u32 s8, s1;
	_ =	swait.ge [sflag:s23], $0x4000  }
0xb5: {  	s1 =	smov.u32 s11;
	s0 =	sadd.s32 $0x1000, s0;
	[sflag:s23] =	ssyncset.done $0x0  }
0xb6: {  	s1 =	sshrl.u32 s8, $0x3  }
0xb7: {  	[sflag:s23] =	ssyncadd.s32 $0xFFFFC000;
	s1 =	sadd.s32 s2, s1  }
0xb8: {  	[tilespmem:s4], [sflag:$0x3] =	stream.linear.gather [hbm4b:s1+s4], $0x100, $0x38;
	[tilespmem:$0x1C100] =	vst v63  }
0xb9: {  	_ =	swait.ge [sflag:s23], $0x100  }
0xba: {  	[sflag:s23] =	ssyncset.done $0x0  }
0xbb: {  	[sflag:s23] =	ssyncadd.s32 $0xFFFFFF00  }
0xbc: {  	_ =	swait.ge [sflag:s25], $0x4000  }
0xbd: {  	[sflag:s25] =	ssyncset.done $0x0  }
0xbe: {  	s11 =	sadd.s32 $0xFFFFF800, s0;
	[sflag:s25] =	ssyncadd.s32 $0xFFFFC000  }
0xbf: {  	[tilespmem:s26], [sflag:$0x2] =	stream.linear.gather [hbm4b:s11+s4], $0x4000, $0x38;
	[tilespmem:$0x1C100] =	vst v63  }
0xc0: {  	_ = 	snop  }
0xc1: {  	[spmem:s3] =	stream.indirect.scatter.add.f32 [tilespmem:s24], [sflag:$0x3], $0x80, s4, s28, $0xb8;
	[tilespmem:$0x1C100] =	vst v63  }
0xc2: {  	_ =	swait.ge [sflag:s23], $0x4000  }
0xc3: {  	[sflag:s23] =	ssyncset.done $0x0  }
0xc4: {  	[sflag:s23] =	ssyncadd.s32 $0xFFFFC000  }
0xc5: {  	_ =	swait.ge [sflag:s29], $0x4000  }
0xc6: {  	[sflag:s29] =	ssyncset.done $0x0  }
0xc7: {  	[sflag:s29] =	ssyncadd.s32 $0xFFFFC000  }
0xc8: {  	[tilespmem:s24], [sflag:$0x1] =	stream.linear.gather [hbm4b:s0+s4], $0x4000, $0x38;
	[tilespmem:$0x1C100] =	vst v63  }
.Ltmp6:
0xc9: {  	_ = 	snop;
	(pc) =	sbr.rel .LBB2_8-.Ltmp6, $4  }
0xca: {  	[spmem:s3] =	stream.indirect.scatter.add.f32 [tilespmem:s26], [sflag:$0x3], $0x80, s28, s28, $0xb8;
	[tilespmem:$0x1C100] =	vst v63  }
0xcb: {  	_ =	swait.ge [sflag:s23], $0x4000  }
0xcc: {  	[sflag:s23] =	ssyncset.done $0x0  }
0xcd: {  	s1 =	smov.u32 s7;
	s0 =	rddreg [dreg:$0x5];
	[sflag:s23] =	ssyncadd.s32 $0xFFFFC000  }
.LBB2_9:
0xce: {  	_ =	sfence.sel $0x180000  }
0xcf: {  	[bflag:$0x0] =	sbarrier.arrive $0xFFFF  }
0xd0: {  	_ =	strace $0x9000004D  }
0xd1: {  	s0 =	stileid.u32;
	[bflag:$0x2] =	sbarrier.arrive $0xFFFF  }
0xd2: {  	p0 =	sne.s32 s0, $0x0;
	s0 =	rddreg [dreg:$0x3]  }
0xd3: {  	s0 =	sadd.s32 @!p0 $0x100000, s0  }
0xd4: {  	[sflag:s0] =	ssyncadd.tile.s32 @!p0 $0x1;
	_ =	shalt  }
.Lfunc_end2:
_tile_overlayer_lowered:
.L_overlay_start_2:
0xd5: {  	(tag) =	ssettag $0x2  }
0xd6: {  	s0 =	rddreg [dreg:$0x0];
	s2 =	stileid.u32  }
0xd7: {  	s1 =	rddreg [dreg:$0x1];
	p0 =	sne.s32 s2, $0x0  }
0xd8: {  	s3 =	rddreg [dreg:$0x2];
	[bflag:$0x3] =	sbarrier.arrive $0xFFFF;
	s2 =	simm.s32 @!p0 $0x1C03  }
0xd9: {  	[timem:s3], [sflag:s2] =	dma.local @!p0 [hbm:s0], s1  }
0xda: {  	s0 =	simm.s32 @!p0 $0x3  }
0xdb: {  	_ =	swait.ge @!p0 [sflag:s0], s1  }
0xdc: {  	s1 =	ssub.s32 @!p0 $0x0, s1;
	[sflag:s0] =	ssyncset.done @!p0 $0x0  }
0xdd: {  	[sflag:s0] =	ssyncadd.s32 @!p0 s1  }
0xde: {  	[bflag:$0x3] =	sbarrier.arrive $0xFFFF  }
0xdf: {  	_ =	shalt  }

</sc_bundles>
